<compile_context>
chip_gen: v7x
topology: tpu7x:2x2x1
jax: 0.10.2.dev20260603
libtpu: 0.0.44.dev20260713+nightly
codegen_flags: <defaults>
</compile_context>

<pallas_src>
import functools

import jax
import jax.numpy as jnp
from jax import lax
from jax.experimental import pallas as pl
from jax.experimental.pallas import tpu as pltpu
from jax.experimental.pallas import tpu_sc as plsc


@functools.lru_cache(maxsize=None)
def _build_gather(n_edges: int, n_rows: int, d: int):
    info = plsc.get_sparse_core_info()
    nc, ns = info.num_cores, info.num_subcores
    nw = nc * ns
    assert n_edges % nw == 0, (n_edges, nw)
    ew = n_edges // nw
    budget_words = 2_095_000 - n_rows * d
    c = nbuf = None
    for cand_c, cand_nbuf in ((16, 15), (40, 6), (40, 5), (16, 10), (80, 3),
                              (80, 2), (40, 2), (16, 2), (8, 2)):
        if ew % cand_c:
            continue
        if 16 * (2 * ew + cand_nbuf * cand_c * d) <= budget_words:
            c, nbuf = cand_c, cand_nbuf
            break
    assert c is not None, (ew, n_rows, d)
    n_chunks = ew // c
    n_rounds = -(-n_chunks // nbuf)

    mesh = plsc.VectorSubcoreMesh(core_axis_name="c", subcore_axis_name="s")

    @functools.partial(
        pl.kernel,
        out_type=[
            jax.ShapeDtypeStruct((n_edges, d), jnp.float32),
            jax.ShapeDtypeStruct((n_edges, d), jnp.float32),
        ],
        mesh=mesh,
        scratch_types=[
            pltpu.VMEM((2 * ew,), jnp.int32),
            pltpu.VMEM_SHARED((n_rows, d), jnp.float32),
        ]
        + [pltpu.VMEM((c, d), jnp.float32) for _ in range(nbuf)]
        + [pltpu.SemaphoreType.DMA for _ in range(2 * nbuf + 1)],
    )
    def gather_kernel(table_hbm, allidx_hbm, vi_out, vj_out,
                      idxv, table_sp, *bufs_and_sems):
        rbufs = bufs_and_sems[:nbuf]
        gsems = bufs_and_sems[nbuf:2 * nbuf]
        ssems = bufs_and_sems[2 * nbuf:3 * nbuf]
        psem = bufs_and_sems[3 * nbuf]
        sid = lax.axis_index("s")
        wid = sid * nc + lax.axis_index("c")
        base_w = wid * ew

        stripe = -(-n_rows // ns)
        stripe += (-stripe) % 8
        rbase = pl.multiple_of(jnp.minimum(sid * stripe, n_rows - stripe), 8)
        tcopy = pltpu.async_copy(table_hbm.at[pl.ds(rbase, stripe)],
                                 table_sp.at[pl.ds(rbase, stripe)], psem)
        icopy = pltpu.async_copy(allidx_hbm.at[pl.ds(base_w, ew)],
                                 idxv.at[pl.ds(0, ew)], psem)
        jcopy = pltpu.async_copy(allidx_hbm.at[pl.ds(n_edges + base_w, ew)],
                                 idxv.at[pl.ds(ew, ew)], psem)
        icopy.wait()
        jcopy.wait()
        for b in range(nbuf):
            pltpu.async_copy(
                table_hbm.at[idxv.at[pl.ds(b * c, c)]], rbufs[b], gsems[b])
        for b in range(nbuf):
            pltpu.make_async_copy(
                table_hbm.at[idxv.at[pl.ds(b * c, c)]], rbufs[b], gsems[b]
            ).wait()
            pltpu.async_copy(
                rbufs[b], vi_out.at[pl.ds(base_w + b * c, c)], ssems[b])
        tcopy.wait()
        plsc.subcore_barrier()

        def run_stream(idx_off, out_hbm, first_round):
            def out_slice(j):
                return out_hbm.at[pl.ds(base_w + j * c, c)]

            def idx_slice(j):
                return idxv.at[pl.ds(idx_off + j * c, c)]

            def round_body(jj, carry):
                j0 = nbuf * jj
                for b in range(nbuf):
                    @pl.when((jj != 0) & (j0 + b < n_chunks))
                    def _drain(b=b, j0=j0):
                        pltpu.make_async_copy(
                            rbufs[b], out_slice(j0 + b - nbuf), ssems[b]
                        ).wait()

                    @pl.when(j0 + b < n_chunks)
                    def _gather(b=b, j0=j0):
                        pltpu.async_copy(
                            table_sp.at[idx_slice(j0 + b)], rbufs[b], gsems[b])
                for b in range(nbuf):
                    @pl.when(j0 + b < n_chunks)
                    def _scatter(b=b, j0=j0):
                        pltpu.make_async_copy(
                            table_sp.at[idx_slice(j0 + b)], rbufs[b], gsems[b]
                        ).wait()
                        pltpu.async_copy(rbufs[b], out_slice(j0 + b), ssems[b])
                return carry

            lax.fori_loop(first_round, n_rounds, round_body, 0)
            for b in range(nbuf):
                if b < n_chunks:
                    q = n_chunks - 1 - ((n_chunks - 1 - b) % nbuf)
                    pltpu.make_async_copy(
                        rbufs[b], out_slice(q), ssems[b]).wait()

        run_stream(0, vi_out, 1)
        run_stream(ew, vj_out, 0)

    return gather_kernel


def kernel(inputs, selected_edges):
    b, n_rows, d = inputs.shape
    n_edges = selected_edges.shape[0]
    if b == 1:
        idx_all = selected_edges[:, 1:3].T.reshape(-1)
        table = inputs.reshape(n_rows, d)
    else:
        idx = selected_edges[:, 0]
        vi = idx * n_rows + selected_edges[:, 1]
        vj = idx * n_rows + selected_edges[:, 2]
        idx_all = jnp.concatenate([vi, vj])
        table = inputs.reshape(b * n_rows, d)
    fn = _build_gather(n_edges, table.shape[0], d)
    return tuple(fn(table, idx_all))

# --- scband reference (transcript-rebuilt; emitter-appended) ---
"""Pipeline reference for scband-node2-edge-29042568855556 (READ-ONLY COPY).

The authoritative reference and input builder live on the scoring server;
editing this copy changes nothing except your own understanding.
"""

import jax, jax.numpy as jnp
import numpy as np


def setup_inputs(seed: int = 0) -> dict:
    key = jax.random.key(seed)
    k0, k1 = jax.random.split(key)
    inputs = jax.random.normal(k0, (1, 10000, 128), dtype=jnp.float32)
    selected_edges = jax.random.randint(k1, (320000, 6), 0, 10000, dtype=jnp.int32)
    return {"inputs": inputs, "selected_edges": selected_edges}


def reference(inputs, selected_edges):
    # Faithful translation of Node2Edge.call with return_vi=True, return_vj=True.
    hidden = inputs
    batch_size = hidden.shape[0]  # static in JAX
    n_selected_edges = selected_edges.shape[0]
    if batch_size == 1:
        idx = jnp.zeros((n_selected_edges,), dtype=jnp.int32)
    else:
        idx = selected_edges[:, 0]
    # gather_nd on (idx, vi) pairs -> hidden[idx, vi]
    hidden_vi = hidden[idx, selected_edges[:, 1]]
    hidden_vj = hidden[idx, selected_edges[:, 2]]
    return (hidden_vi, hidden_vj)

if __name__ == "__main__":
    import jax
    _d = setup_inputs()
    print(jax.jit(kernel)(*tuple(_d.values())))

</pallas_src>

<mosaic_0001>
#map = affine_map<(d0, d1) -> (0, 0)>
#map1 = affine_map<(d0, d1) -> (0)>
module attributes {stable_mosaic.version = 14 : i64} {
  func.func @gather_kernel(%arg0: i32, %arg1: i32, %arg2: memref<10000x128xf32, #tpu.memory_space<hbm>>, %arg3: memref<640000xi32, #tpu.memory_space<hbm>>, %arg4: memref<320000x128xf32, #tpu.memory_space<hbm>>, %arg5: memref<320000x128xf32, #tpu.memory_space<hbm>>, %arg6: memref<20000xi32, #tpu.memory_space<vmem>>, %arg7: memref<10000x128xf32, #tpu.memory_space<vmem_shared>>, %arg8: memref<16x128xf32, #tpu.memory_space<vmem>>, %arg9: memref<16x128xf32, #tpu.memory_space<vmem>>, %arg10: memref<16x128xf32, #tpu.memory_space<vmem>>, %arg11: memref<16x128xf32, #tpu.memory_space<vmem>>, %arg12: memref<16x128xf32, #tpu.memory_space<vmem>>, %arg13: memref<16x128xf32, #tpu.memory_space<vmem>>, %arg14: memref<16x128xf32, #tpu.memory_space<vmem>>, %arg15: memref<16x128xf32, #tpu.memory_space<vmem>>, %arg16: memref<16x128xf32, #tpu.memory_space<vmem>>, %arg17: memref<16x128xf32, #tpu.memory_space<vmem>>, %arg18: memref<16x128xf32, #tpu.memory_space<vmem>>, %arg19: memref<16x128xf32, #tpu.memory_space<vmem>>, %arg20: memref<16x128xf32, #tpu.memory_space<vmem>>, %arg21: memref<16x128xf32, #tpu.memory_space<vmem>>, %arg22: memref<16x128xf32, #tpu.memory_space<vmem>>, %arg23: memref<!tpu.dma_semaphore, #tpu.memory_space<semaphore_mem>>, %arg24: memref<!tpu.dma_semaphore, #tpu.memory_space<semaphore_mem>>, %arg25: memref<!tpu.dma_semaphore, #tpu.memory_space<semaphore_mem>>, %arg26: memref<!tpu.dma_semaphore, #tpu.memory_space<semaphore_mem>>, %arg27: memref<!tpu.dma_semaphore, #tpu.memory_space<semaphore_mem>>, %arg28: memref<!tpu.dma_semaphore, #tpu.memory_space<semaphore_mem>>, %arg29: memref<!tpu.dma_semaphore, #tpu.memory_space<semaphore_mem>>, %arg30: memref<!tpu.dma_semaphore, #tpu.memory_space<semaphore_mem>>, %arg31: memref<!tpu.dma_semaphore, #tpu.memory_space<semaphore_mem>>, %arg32: memref<!tpu.dma_semaphore, #tpu.memory_space<semaphore_mem>>, %arg33: memref<!tpu.dma_semaphore, #tpu.memory_space<semaphore_mem>>, %arg34: memref<!tpu.dma_semaphore, #tpu.memory_space<semaphore_mem>>, %arg35: memref<!tpu.dma_semaphore, #tpu.memory_space<semaphore_mem>>, %arg36: memref<!tpu.dma_semaphore, #tpu.memory_space<semaphore_mem>>, %arg37: memref<!tpu.dma_semaphore, #tpu.memory_space<semaphore_mem>>, %arg38: memref<!tpu.dma_semaphore, #tpu.memory_space<semaphore_mem>>, %arg39: memref<!tpu.dma_semaphore, #tpu.memory_space<semaphore_mem>>, %arg40: memref<!tpu.dma_semaphore, #tpu.memory_space<semaphore_mem>>, %arg41: memref<!tpu.dma_semaphore, #tpu.memory_space<semaphore_mem>>, %arg42: memref<!tpu.dma_semaphore, #tpu.memory_space<semaphore_mem>>, %arg43: memref<!tpu.dma_semaphore, #tpu.memory_space<semaphore_mem>>, %arg44: memref<!tpu.dma_semaphore, #tpu.memory_space<semaphore_mem>>, %arg45: memref<!tpu.dma_semaphore, #tpu.memory_space<semaphore_mem>>, %arg46: memref<!tpu.dma_semaphore, #tpu.memory_space<semaphore_mem>>, %arg47: memref<!tpu.dma_semaphore, #tpu.memory_space<semaphore_mem>>, %arg48: memref<!tpu.dma_semaphore, #tpu.memory_space<semaphore_mem>>, %arg49: memref<!tpu.dma_semaphore, #tpu.memory_space<semaphore_mem>>, %arg50: memref<!tpu.dma_semaphore, #tpu.memory_space<semaphore_mem>>, %arg51: memref<!tpu.dma_semaphore, #tpu.memory_space<semaphore_mem>>, %arg52: memref<!tpu.dma_semaphore, #tpu.memory_space<semaphore_mem>>, %arg53: memref<!tpu.dma_semaphore, #tpu.memory_space<semaphore_mem>>) attributes {dimension_semantics = [#tpu.dimension_semantics<core_parallel>, #tpu.dimension_semantics<subcore_parallel>], iteration_bounds = array<i64: 2, 16>, scalar_prefetch = 0 : i64, scratch_operands = 48 : i64, tpu.core_type = #tpu.core_type<sc_vector_subcore>, window_params = [{transform_indices = #map}, {transform_indices = #map1}, {transform_indices = #map}, {transform_indices = #map}]} {
    %mul3A = arith.constant 2 : i32
    %mul3A_0 = arith.muli %arg1, %mul3A : i32
    %add3A = arith.addi %mul3A_0, %arg0 : i32
    %mul3A_1 = arith.constant 10000 : i32
    %mul3A_2 = arith.muli %add3A, %mul3A_1 : i32
    %mul3A_3 = arith.constant 632 : i32
    %mul3A_4 = arith.muli %arg1, %mul3A_3 : i32
    %min3A = arith.constant 9368 : i32
    %min3A_5 = arith.minsi %mul3A_4, %min3A : i32
    %multiple_of3A = tpu.assume_multiple %min3A_5, 8 : i32
    %dma_start3A = arith.constant 0 : i32
    %dma_start3A_6 = tpu.memref_slice %arg7[%multiple_of3A, %dma_start3A] : memref<10000x128xf32, #tpu.memory_space<vmem_shared>> -> memref<632x128xf32, #tpu.memory_space<vmem_shared>>
    %dma_start3A_7 = arith.constant 0 : i32
    %dma_start3A_8 = tpu.memref_slice %arg2[%multiple_of3A, %dma_start3A_7] : memref<10000x128xf32, #tpu.memory_space<hbm>> -> memref<632x128xf32, #tpu.memory_space<hbm>>
    tpu.enqueue_dma source(%dma_start3A_8 : memref<632x128xf32, #tpu.memory_space<hbm>>) target(%dma_start3A_6 : memref<632x128xf32, #tpu.memory_space<vmem_shared>>) target_semaphore(%arg53 : memref<!tpu.dma_semaphore, #tpu.memory_space<semaphore_mem>>)
    %dma_start3A_9 = arith.constant 0 : i32
    %dma_start3A_10 = tpu.memref_slice %arg6[%dma_start3A_9] : memref<20000xi32, #tpu.memory_space<vmem>> -> memref<10000xi32, #tpu.memory_space<vmem>>
    %dma_start3A_11 = tpu.memref_slice %arg3[%mul3A_2] : memref<640000xi32, #tpu.memory_space<hbm>> -> memref<10000xi32, #tpu.memory_space<hbm>>
    %dma_start3A_12 = arith.constant 0 : i32
    %dma_start3A_13 = tpu.memref_slice %arg6[%dma_start3A_12] : memref<20000xi32, #tpu.memory_space<vmem>> -> memref<10000xi32, #tpu.memory_space<vmem>>
    %dma_start3A_14 = tpu.memref_slice %arg3[%mul3A_2] : memref<640000xi32, #tpu.memory_space<hbm>> -> memref<10000xi32, #tpu.memory_space<hbm>>
    tpu.enqueue_dma source(%dma_start3A_14 : memref<10000xi32, #tpu.memory_space<hbm>>) target(%dma_start3A_13 : memref<10000xi32, #tpu.memory_space<vmem>>) target_semaphore(%arg53 : memref<!tpu.dma_semaphore, #tpu.memory_space<semaphore_mem>>)
    %add3A_15 = arith.constant 320000 : i32
    %add3A_16 = arith.addi %add3A_15, %mul3A_2 : i32
    %dma_start3A_17 = arith.constant 10000 : i32
    %dma_start3A_18 = tpu.memref_slice %arg6[%dma_start3A_17] : memref<20000xi32, #tpu.memory_space<vmem>> -> memref<10000xi32, #tpu.memory_space<vmem>>
    %dma_start3A_19 = tpu.memref_slice %arg3[%add3A_16] : memref<640000xi32, #tpu.memory_space<hbm>> -> memref<10000xi32, #tpu.memory_space<hbm>>
    %dma_start3A_20 = arith.constant 10000 : i32
    %dma_start3A_21 = tpu.memref_slice %arg6[%dma_start3A_20] : memref<20000xi32, #tpu.memory_space<vmem>> -> memref<10000xi32, #tpu.memory_space<vmem>>
    %dma_start3A_22 = tpu.memref_slice %arg3[%add3A_16] : memref<640000xi32, #tpu.memory_space<hbm>> -> memref<10000xi32, #tpu.memory_space<hbm>>
    tpu.enqueue_dma source(%dma_start3A_22 : memref<10000xi32, #tpu.memory_space<hbm>>) target(%dma_start3A_21 : memref<10000xi32, #tpu.memory_space<vmem>>) target_semaphore(%arg53 : memref<!tpu.dma_semaphore, #tpu.memory_space<semaphore_mem>>)
    %dma_wait3A = arith.constant 0 : i32
    %dma_wait3A_23 = tpu.memref_slice %arg6[%dma_wait3A] : memref<20000xi32, #tpu.memory_space<vmem>> -> memref<10000xi32, #tpu.memory_space<vmem>>
    %dma_wait3A_24 = tpu.memref_slice %arg3[%mul3A_2] : memref<640000xi32, #tpu.memory_space<hbm>> -> memref<10000xi32, #tpu.memory_space<hbm>>
    %dma_wait3A_25 = arith.constant 0 : i32
    %dma_wait3A_26 = tpu.memref_slice %arg6[%dma_wait3A_25] : memref<20000xi32, #tpu.memory_space<vmem>> -> memref<10000xi32, #tpu.memory_space<vmem>>
    %dma_wait3A_27 = tpu.memref_slice %arg3[%mul3A_2] : memref<640000xi32, #tpu.memory_space<hbm>> -> memref<10000xi32, #tpu.memory_space<hbm>>
    tpu.wait_dma2 semaphore(%arg53 : memref<!tpu.dma_semaphore, #tpu.memory_space<semaphore_mem>>) src(%dma_wait3A_27 : memref<10000xi32, #tpu.memory_space<hbm>>) dst(%dma_wait3A_26 : memref<10000xi32, #tpu.memory_space<vmem>>)
    %dma_wait3A_28 = arith.constant 10000 : i32
    %dma_wait3A_29 = tpu.memref_slice %arg6[%dma_wait3A_28] : memref<20000xi32, #tpu.memory_space<vmem>> -> memref<10000xi32, #tpu.memory_space<vmem>>
    %dma_wait3A_30 = tpu.memref_slice %arg3[%add3A_16] : memref<640000xi32, #tpu.memory_space<hbm>> -> memref<10000xi32, #tpu.memory_space<hbm>>
    %dma_wait3A_31 = arith.constant 10000 : i32
    %dma_wait3A_32 = tpu.memref_slice %arg6[%dma_wait3A_31] : memref<20000xi32, #tpu.memory_space<vmem>> -> memref<10000xi32, #tpu.memory_space<vmem>>
    %dma_wait3A_33 = tpu.memref_slice %arg3[%add3A_16] : memref<640000xi32, #tpu.memory_space<hbm>> -> memref<10000xi32, #tpu.memory_space<hbm>>
    tpu.wait_dma2 semaphore(%arg53 : memref<!tpu.dma_semaphore, #tpu.memory_space<semaphore_mem>>) src(%dma_wait3A_33 : memref<10000xi32, #tpu.memory_space<hbm>>) dst(%dma_wait3A_32 : memref<10000xi32, #tpu.memory_space<vmem>>)
    %dma_start3A_34 = arith.constant 0 : i32
    %dma_start3A_35 = tpu.memref_slice %arg6[%dma_start3A_34] : memref<20000xi32, #tpu.memory_space<vmem>> -> memref<16xi32, #tpu.memory_space<vmem>>
    %dma_start3A_36 = arith.constant 0 : i32
    %dma_start3A_37 = arith.constant 0 : i32
    %dma_start3A_38 = tpu.memref_slice %arg2[%dma_start3A_36, %dma_start3A_37] : memref<10000x128xf32, #tpu.memory_space<hbm>> -> memref<10000x128xf32, #tpu.memory_space<hbm>>
    tpu.enqueue_indirect_dma source(%dma_start3A_38 : memref<10000x128xf32, #tpu.memory_space<hbm>>) target(%arg8 : memref<16x128xf32, #tpu.memory_space<vmem>>) offsets(%dma_start3A_35 : memref<16xi32, #tpu.memory_space<vmem>>) semaphore(%arg23 : memref<!tpu.dma_semaphore, #tpu.memory_space<semaphore_mem>>)
    %dma_start3A_39 = arith.constant 16 : i32
    %dma_start3A_40 = tpu.memref_slice %arg6[%dma_start3A_39] : memref<20000xi32, #tpu.memory_space<vmem>> -> memref<16xi32, #tpu.memory_space<vmem>>
    %dma_start3A_41 = arith.constant 0 : i32
    %dma_start3A_42 = arith.constant 0 : i32
    %dma_start3A_43 = tpu.memref_slice %arg2[%dma_start3A_41, %dma_start3A_42] : memref<10000x128xf32, #tpu.memory_space<hbm>> -> memref<10000x128xf32, #tpu.memory_space<hbm>>
    tpu.enqueue_indirect_dma source(%dma_start3A_43 : memref<10000x128xf32, #tpu.memory_space<hbm>>) target(%arg9 : memref<16x128xf32, #tpu.memory_space<vmem>>) offsets(%dma_start3A_40 : memref<16xi32, #tpu.memory_space<vmem>>) semaphore(%arg24 : memref<!tpu.dma_semaphore, #tpu.memory_space<semaphore_mem>>)
    %dma_start3A_44 = arith.constant 32 : i32
    %dma_start3A_45 = tpu.memref_slice %arg6[%dma_start3A_44] : memref<20000xi32, #tpu.memory_space<vmem>> -> memref<16xi32, #tpu.memory_space<vmem>>
    %dma_start3A_46 = arith.constant 0 : i32
    %dma_start3A_47 = arith.constant 0 : i32
    %dma_start3A_48 = tpu.memref_slice %arg2[%dma_start3A_46, %dma_start3A_47] : memref<10000x128xf32, #tpu.memory_space<hbm>> -> memref<10000x128xf32, #tpu.memory_space<hbm>>
    tpu.enqueue_indirect_dma source(%dma_start3A_48 : memref<10000x128xf32, #tpu.memory_space<hbm>>) target(%arg10 : memref<16x128xf32, #tpu.memory_space<vmem>>) offsets(%dma_start3A_45 : memref<16xi32, #tpu.memory_space<vmem>>) semaphore(%arg25 : memref<!tpu.dma_semaphore, #tpu.memory_space<semaphore_mem>>)
    %dma_start3A_49 = arith.constant 48 : i32
    %dma_start3A_50 = tpu.memref_slice %arg6[%dma_start3A_49] : memref<20000xi32, #tpu.memory_space<vmem>> -> memref<16xi32, #tpu.memory_space<vmem>>
    %dma_start3A_51 = arith.constant 0 : i32
    %dma_start3A_52 = arith.constant 0 : i32
    %dma_start3A_53 = tpu.memref_slice %arg2[%dma_start3A_51, %dma_start3A_52] : memref<10000x128xf32, #tpu.memory_space<hbm>> -> memref<10000x128xf32, #tpu.memory_space<hbm>>
    tpu.enqueue_indirect_dma source(%dma_start3A_53 : memref<10000x128xf32, #tpu.memory_space<hbm>>) target(%arg11 : memref<16x128xf32, #tpu.memory_space<vmem>>) offsets(%dma_start3A_50 : memref<16xi32, #tpu.memory_space<vmem>>) semaphore(%arg26 : memref<!tpu.dma_semaphore, #tpu.memory_space<semaphore_mem>>)
    %dma_start3A_54 = arith.constant 64 : i32
    %dma_start3A_55 = tpu.memref_slice %arg6[%dma_start3A_54] : memref<20000xi32, #tpu.memory_space<vmem>> -> memref<16xi32, #tpu.memory_space<vmem>>
    %dma_start3A_56 = arith.constant 0 : i32
    %dma_start3A_57 = arith.constant 0 : i32
    %dma_start3A_58 = tpu.memref_slice %arg2[%dma_start3A_56, %dma_start3A_57] : memref<10000x128xf32, #tpu.memory_space<hbm>> -> memref<10000x128xf32, #tpu.memory_space<hbm>>
    tpu.enqueue_indirect_dma source(%dma_start3A_58 : memref<10000x128xf32, #tpu.memory_space<hbm>>) target(%arg12 : memref<16x128xf32, #tpu.memory_space<vmem>>) offsets(%dma_start3A_55 : memref<16xi32, #tpu.memory_space<vmem>>) semaphore(%arg27 : memref<!tpu.dma_semaphore, #tpu.memory_space<semaphore_mem>>)
    %dma_start3A_59 = arith.constant 80 : i32
    %dma_start3A_60 = tpu.memref_slice %arg6[%dma_start3A_59] : memref<20000xi32, #tpu.memory_space<vmem>> -> memref<16xi32, #tpu.memory_space<vmem>>
    %dma_start3A_61 = arith.constant 0 : i32
    %dma_start3A_62 = arith.constant 0 : i32
    %dma_start3A_63 = tpu.memref_slice %arg2[%dma_start3A_61, %dma_start3A_62] : memref<10000x128xf32, #tpu.memory_space<hbm>> -> memref<10000x128xf32, #tpu.memory_space<hbm>>
    tpu.enqueue_indirect_dma source(%dma_start3A_63 : memref<10000x128xf32, #tpu.memory_space<hbm>>) target(%arg13 : memref<16x128xf32, #tpu.memory_space<vmem>>) offsets(%dma_start3A_60 : memref<16xi32, #tpu.memory_space<vmem>>) semaphore(%arg28 : memref<!tpu.dma_semaphore, #tpu.memory_space<semaphore_mem>>)
    %dma_start3A_64 = arith.constant 96 : i32
    %dma_start3A_65 = tpu.memref_slice %arg6[%dma_start3A_64] : memref<20000xi32, #tpu.memory_space<vmem>> -> memref<16xi32, #tpu.memory_space<vmem>>
    %dma_start3A_66 = arith.constant 0 : i32
    %dma_start3A_67 = arith.constant 0 : i32
    %dma_start3A_68 = tpu.memref_slice %arg2[%dma_start3A_66, %dma_start3A_67] : memref<10000x128xf32, #tpu.memory_space<hbm>> -> memref<10000x128xf32, #tpu.memory_space<hbm>>
    tpu.enqueue_indirect_dma source(%dma_start3A_68 : memref<10000x128xf32, #tpu.memory_space<hbm>>) target(%arg14 : memref<16x128xf32, #tpu.memory_space<vmem>>) offsets(%dma_start3A_65 : memref<16xi32, #tpu.memory_space<vmem>>) semaphore(%arg29 : memref<!tpu.dma_semaphore, #tpu.memory_space<semaphore_mem>>)
    %dma_start3A_69 = arith.constant 112 : i32
    %dma_start3A_70 = tpu.memref_slice %arg6[%dma_start3A_69] : memref<20000xi32, #tpu.memory_space<vmem>> -> memref<16xi32, #tpu.memory_space<vmem>>
    %dma_start3A_71 = arith.constant 0 : i32
    %dma_start3A_72 = arith.constant 0 : i32
    %dma_start3A_73 = tpu.memref_slice %arg2[%dma_start3A_71, %dma_start3A_72] : memref<10000x128xf32, #tpu.memory_space<hbm>> -> memref<10000x128xf32, #tpu.memory_space<hbm>>
    tpu.enqueue_indirect_dma source(%dma_start3A_73 : memref<10000x128xf32, #tpu.memory_space<hbm>>) target(%arg15 : memref<16x128xf32, #tpu.memory_space<vmem>>) offsets(%dma_start3A_70 : memref<16xi32, #tpu.memory_space<vmem>>) semaphore(%arg30 : memref<!tpu.dma_semaphore, #tpu.memory_space<semaphore_mem>>)
    %dma_start3A_74 = arith.constant 128 : i32
    %dma_start3A_75 = tpu.memref_slice %arg6[%dma_start3A_74] : memref<20000xi32, #tpu.memory_space<vmem>> -> memref<16xi32, #tpu.memory_space<vmem>>
    %dma_start3A_76 = arith.constant 0 : i32
    %dma_start3A_77 = arith.constant 0 : i32
    %dma_start3A_78 = tpu.memref_slice %arg2[%dma_start3A_76, %dma_start3A_77] : memref<10000x128xf32, #tpu.memory_space<hbm>> -> memref<10000x128xf32, #tpu.memory_space<hbm>>
    tpu.enqueue_indirect_dma source(%dma_start3A_78 : memref<10000x128xf32, #tpu.memory_space<hbm>>) target(%arg16 : memref<16x128xf32, #tpu.memory_space<vmem>>) offsets(%dma_start3A_75 : memref<16xi32, #tpu.memory_space<vmem>>) semaphore(%arg31 : memref<!tpu.dma_semaphore, #tpu.memory_space<semaphore_mem>>)
    %dma_start3A_79 = arith.constant 144 : i32
    %dma_start3A_80 = tpu.memref_slice %arg6[%dma_start3A_79] : memref<20000xi32, #tpu.memory_space<vmem>> -> memref<16xi32, #tpu.memory_space<vmem>>
    %dma_start3A_81 = arith.constant 0 : i32
    %dma_start3A_82 = arith.constant 0 : i32
    %dma_start3A_83 = tpu.memref_slice %arg2[%dma_start3A_81, %dma_start3A_82] : memref<10000x128xf32, #tpu.memory_space<hbm>> -> memref<10000x128xf32, #tpu.memory_space<hbm>>
    tpu.enqueue_indirect_dma source(%dma_start3A_83 : memref<10000x128xf32, #tpu.memory_space<hbm>>) target(%arg17 : memref<16x128xf32, #tpu.memory_space<vmem>>) offsets(%dma_start3A_80 : memref<16xi32, #tpu.memory_space<vmem>>) semaphore(%arg32 : memref<!tpu.dma_semaphore, #tpu.memory_space<semaphore_mem>>)
    %dma_start3A_84 = arith.constant 160 : i32
    %dma_start3A_85 = tpu.memref_slice %arg6[%dma_start3A_84] : memref<20000xi32, #tpu.memory_space<vmem>> -> memref<16xi32, #tpu.memory_space<vmem>>
    %dma_start3A_86 = arith.constant 0 : i32
    %dma_start3A_87 = arith.constant 0 : i32
    %dma_start3A_88 = tpu.memref_slice %arg2[%dma_start3A_86, %dma_start3A_87] : memref<10000x128xf32, #tpu.memory_space<hbm>> -> memref<10000x128xf32, #tpu.memory_space<hbm>>
    tpu.enqueue_indirect_dma source(%dma_start3A_88 : memref<10000x128xf32, #tpu.memory_space<hbm>>) target(%arg18 : memref<16x128xf32, #tpu.memory_space<vmem>>) offsets(%dma_start3A_85 : memref<16xi32, #tpu.memory_space<vmem>>) semaphore(%arg33 : memref<!tpu.dma_semaphore, #tpu.memory_space<semaphore_mem>>)
    %dma_start3A_89 = arith.constant 176 : i32
    %dma_start3A_90 = tpu.memref_slice %arg6[%dma_start3A_89] : memref<20000xi32, #tpu.memory_space<vmem>> -> memref<16xi32, #tpu.memory_space<vmem>>
    %dma_start3A_91 = arith.constant 0 : i32
    %dma_start3A_92 = arith.constant 0 : i32
    %dma_start3A_93 = tpu.memref_slice %arg2[%dma_start3A_91, %dma_start3A_92] : memref<10000x128xf32, #tpu.memory_space<hbm>> -> memref<10000x128xf32, #tpu.memory_space<hbm>>
    tpu.enqueue_indirect_dma source(%dma_start3A_93 : memref<10000x128xf32, #tpu.memory_space<hbm>>) target(%arg19 : memref<16x128xf32, #tpu.memory_space<vmem>>) offsets(%dma_start3A_90 : memref<16xi32, #tpu.memory_space<vmem>>) semaphore(%arg34 : memref<!tpu.dma_semaphore, #tpu.memory_space<semaphore_mem>>)
    %dma_start3A_94 = arith.constant 192 : i32
    %dma_start3A_95 = tpu.memref_slice %arg6[%dma_start3A_94] : memref<20000xi32, #tpu.memory_space<vmem>> -> memref<16xi32, #tpu.memory_space<vmem>>
    %dma_start3A_96 = arith.constant 0 : i32
    %dma_start3A_97 = arith.constant 0 : i32
    %dma_start3A_98 = tpu.memref_slice %arg2[%dma_start3A_96, %dma_start3A_97] : memref<10000x128xf32, #tpu.memory_space<hbm>> -> memref<10000x128xf32, #tpu.memory_space<hbm>>
    tpu.enqueue_indirect_dma source(%dma_start3A_98 : memref<10000x128xf32, #tpu.memory_space<hbm>>) target(%arg20 : memref<16x128xf32, #tpu.memory_space<vmem>>) offsets(%dma_start3A_95 : memref<16xi32, #tpu.memory_space<vmem>>) semaphore(%arg35 : memref<!tpu.dma_semaphore, #tpu.memory_space<semaphore_mem>>)
    %dma_start3A_99 = arith.constant 208 : i32
    %dma_start3A_100 = tpu.memref_slice %arg6[%dma_start3A_99] : memref<20000xi32, #tpu.memory_space<vmem>> -> memref<16xi32, #tpu.memory_space<vmem>>
    %dma_start3A_101 = arith.constant 0 : i32
    %dma_start3A_102 = arith.constant 0 : i32
    %dma_start3A_103 = tpu.memref_slice %arg2[%dma_start3A_101, %dma_start3A_102] : memref<10000x128xf32, #tpu.memory_space<hbm>> -> memref<10000x128xf32, #tpu.memory_space<hbm>>
    tpu.enqueue_indirect_dma source(%dma_start3A_103 : memref<10000x128xf32, #tpu.memory_space<hbm>>) target(%arg21 : memref<16x128xf32, #tpu.memory_space<vmem>>) offsets(%dma_start3A_100 : memref<16xi32, #tpu.memory_space<vmem>>) semaphore(%arg36 : memref<!tpu.dma_semaphore, #tpu.memory_space<semaphore_mem>>)
    %dma_start3A_104 = arith.constant 224 : i32
    %dma_start3A_105 = tpu.memref_slice %arg6[%dma_start3A_104] : memref<20000xi32, #tpu.memory_space<vmem>> -> memref<16xi32, #tpu.memory_space<vmem>>
    %dma_start3A_106 = arith.constant 0 : i32
    %dma_start3A_107 = arith.constant 0 : i32
    %dma_start3A_108 = tpu.memref_slice %arg2[%dma_start3A_106, %dma_start3A_107] : memref<10000x128xf32, #tpu.memory_space<hbm>> -> memref<10000x128xf32, #tpu.memory_space<hbm>>
    tpu.enqueue_indirect_dma source(%dma_start3A_108 : memref<10000x128xf32, #tpu.memory_space<hbm>>) target(%arg22 : memref<16x128xf32, #tpu.memory_space<vmem>>) offsets(%dma_start3A_105 : memref<16xi32, #tpu.memory_space<vmem>>) semaphore(%arg37 : memref<!tpu.dma_semaphore, #tpu.memory_space<semaphore_mem>>)
    %dma_wait3A_109 = arith.constant 0 : i32
    %dma_wait3A_110 = tpu.memref_slice %arg6[%dma_wait3A_109] : memref<20000xi32, #tpu.memory_space<vmem>> -> memref<16xi32, #tpu.memory_space<vmem>>
    %dma_wait3A_111 = arith.constant 0 : i32
    %dma_wait3A_112 = arith.constant 0 : i32
    %dma_wait3A_113 = tpu.memref_slice %arg2[%dma_wait3A_111, %dma_wait3A_112] : memref<10000x128xf32, #tpu.memory_space<hbm>> -> memref<10000x128xf32, #tpu.memory_space<hbm>>
    tpu.wait_indirect_dma semaphore(%arg23 : memref<!tpu.dma_semaphore, #tpu.memory_space<semaphore_mem>>) src(%dma_wait3A_113 : memref<10000x128xf32, #tpu.memory_space<hbm>>) dst(%arg8 : memref<16x128xf32, #tpu.memory_space<vmem>>)
    %add3A_114 = arith.constant 0 : i32
    %add3A_115 = arith.addi %mul3A_2, %add3A_114 : i32
    %dma_start3A_116 = arith.constant 0 : i32
    %dma_start3A_117 = tpu.memref_slice %arg4[%add3A_115, %dma_start3A_116] : memref<320000x128xf32, #tpu.memory_space<hbm>> -> memref<16x128xf32, #tpu.memory_space<hbm>>
    %dma_start3A_118 = arith.constant 0 : i32
    %dma_start3A_119 = tpu.memref_slice %arg4[%add3A_115, %dma_start3A_118] : memref<320000x128xf32, #tpu.memory_space<hbm>> -> memref<16x128xf32, #tpu.memory_space<hbm>>
    tpu.enqueue_dma source(%arg8 : memref<16x128xf32, #tpu.memory_space<vmem>>) target(%dma_start3A_119 : memref<16x128xf32, #tpu.memory_space<hbm>>) target_semaphore(%arg38 : memref<!tpu.dma_semaphore, #tpu.memory_space<semaphore_mem>>)
    %dma_wait3A_120 = arith.constant 16 : i32
    %dma_wait3A_121 = tpu.memref_slice %arg6[%dma_wait3A_120] : memref<20000xi32, #tpu.memory_space<vmem>> -> memref<16xi32, #tpu.memory_space<vmem>>
    %dma_wait3A_122 = arith.constant 0 : i32
    %dma_wait3A_123 = arith.constant 0 : i32
    %dma_wait3A_124 = tpu.memref_slice %arg2[%dma_wait3A_122, %dma_wait3A_123] : memref<10000x128xf32, #tpu.memory_space<hbm>> -> memref<10000x128xf32, #tpu.memory_space<hbm>>
    tpu.wait_indirect_dma semaphore(%arg24 : memref<!tpu.dma_semaphore, #tpu.memory_space<semaphore_mem>>) src(%dma_wait3A_124 : memref<10000x128xf32, #tpu.memory_space<hbm>>) dst(%arg9 : memref<16x128xf32, #tpu.memory_space<vmem>>)
    %add3A_125 = arith.constant 16 : i32
    %add3A_126 = arith.addi %mul3A_2, %add3A_125 : i32
    %dma_start3A_127 = arith.constant 0 : i32
    %dma_start3A_128 = tpu.memref_slice %arg4[%add3A_126, %dma_start3A_127] : memref<320000x128xf32, #tpu.memory_space<hbm>> -> memref<16x128xf32, #tpu.memory_space<hbm>>
    %dma_start3A_129 = arith.constant 0 : i32
    %dma_start3A_130 = tpu.memref_slice %arg4[%add3A_126, %dma_start3A_129] : memref<320000x128xf32, #tpu.memory_space<hbm>> -> memref<16x128xf32, #tpu.memory_space<hbm>>
    tpu.enqueue_dma source(%arg9 : memref<16x128xf32, #tpu.memory_space<vmem>>) target(%dma_start3A_130 : memref<16x128xf32, #tpu.memory_space<hbm>>) target_semaphore(%arg39 : memref<!tpu.dma_semaphore, #tpu.memory_space<semaphore_mem>>)
    %dma_wait3A_131 = arith.constant 32 : i32
    %dma_wait3A_132 = tpu.memref_slice %arg6[%dma_wait3A_131] : memref<20000xi32, #tpu.memory_space<vmem>> -> memref<16xi32, #tpu.memory_space<vmem>>
    %dma_wait3A_133 = arith.constant 0 : i32
    %dma_wait3A_134 = arith.constant 0 : i32
    %dma_wait3A_135 = tpu.memref_slice %arg2[%dma_wait3A_133, %dma_wait3A_134] : memref<10000x128xf32, #tpu.memory_space<hbm>> -> memref<10000x128xf32, #tpu.memory_space<hbm>>
    tpu.wait_indirect_dma semaphore(%arg25 : memref<!tpu.dma_semaphore, #tpu.memory_space<semaphore_mem>>) src(%dma_wait3A_135 : memref<10000x128xf32, #tpu.memory_space<hbm>>) dst(%arg10 : memref<16x128xf32, #tpu.memory_space<vmem>>)
    %add3A_136 = arith.constant 32 : i32
    %add3A_137 = arith.addi %mul3A_2, %add3A_136 : i32
    %dma_start3A_138 = arith.constant 0 : i32
    %dma_start3A_139 = tpu.memref_slice %arg4[%add3A_137, %dma_start3A_138] : memref<320000x128xf32, #tpu.memory_space<hbm>> -> memref<16x128xf32, #tpu.memory_space<hbm>>
    %dma_start3A_140 = arith.constant 0 : i32
    %dma_start3A_141 = tpu.memref_slice %arg4[%add3A_137, %dma_start3A_140] : memref<320000x128xf32, #tpu.memory_space<hbm>> -> memref<16x128xf32, #tpu.memory_space<hbm>>
    tpu.enqueue_dma source(%arg10 : memref<16x128xf32, #tpu.memory_space<vmem>>) target(%dma_start3A_141 : memref<16x128xf32, #tpu.memory_space<hbm>>) target_semaphore(%arg40 : memref<!tpu.dma_semaphore, #tpu.memory_space<semaphore_mem>>)
    %dma_wait3A_142 = arith.constant 48 : i32
    %dma_wait3A_143 = tpu.memref_slice %arg6[%dma_wait3A_142] : memref<20000xi32, #tpu.memory_space<vmem>> -> memref<16xi32, #tpu.memory_space<vmem>>
    %dma_wait3A_144 = arith.constant 0 : i32
    %dma_wait3A_145 = arith.constant 0 : i32
    %dma_wait3A_146 = tpu.memref_slice %arg2[%dma_wait3A_144, %dma_wait3A_145] : memref<10000x128xf32, #tpu.memory_space<hbm>> -> memref<10000x128xf32, #tpu.memory_space<hbm>>
    tpu.wait_indirect_dma semaphore(%arg26 : memref<!tpu.dma_semaphore, #tpu.memory_space<semaphore_mem>>) src(%dma_wait3A_146 : memref<10000x128xf32, #tpu.memory_space<hbm>>) dst(%arg11 : memref<16x128xf32, #tpu.memory_space<vmem>>)
    %add3A_147 = arith.constant 48 : i32
    %add3A_148 = arith.addi %mul3A_2, %add3A_147 : i32
    %dma_start3A_149 = arith.constant 0 : i32
    %dma_start3A_150 = tpu.memref_slice %arg4[%add3A_148, %dma_start3A_149] : memref<320000x128xf32, #tpu.memory_space<hbm>> -> memref<16x128xf32, #tpu.memory_space<hbm>>
    %dma_start3A_151 = arith.constant 0 : i32
    %dma_start3A_152 = tpu.memref_slice %arg4[%add3A_148, %dma_start3A_151] : memref<320000x128xf32, #tpu.memory_space<hbm>> -> memref<16x128xf32, #tpu.memory_space<hbm>>
    tpu.enqueue_dma source(%arg11 : memref<16x128xf32, #tpu.memory_space<vmem>>) target(%dma_start3A_152 : memref<16x128xf32, #tpu.memory_space<hbm>>) target_semaphore(%arg41 : memref<!tpu.dma_semaphore, #tpu.memory_space<semaphore_mem>>)
    %dma_wait3A_153 = arith.constant 64 : i32
    %dma_wait3A_154 = tpu.memref_slice %arg6[%dma_wait3A_153] : memref<20000xi32, #tpu.memory_space<vmem>> -> memref<16xi32, #tpu.memory_space<vmem>>
    %dma_wait3A_155 = arith.constant 0 : i32
    %dma_wait3A_156 = arith.constant 0 : i32
    %dma_wait3A_157 = tpu.memref_slice %arg2[%dma_wait3A_155, %dma_wait3A_156] : memref<10000x128xf32, #tpu.memory_space<hbm>> -> memref<10000x128xf32, #tpu.memory_space<hbm>>
    tpu.wait_indirect_dma semaphore(%arg27 : memref<!tpu.dma_semaphore, #tpu.memory_space<semaphore_mem>>) src(%dma_wait3A_157 : memref<10000x128xf32, #tpu.memory_space<hbm>>) dst(%arg12 : memref<16x128xf32, #tpu.memory_space<vmem>>)
    %add3A_158 = arith.constant 64 : i32
    %add3A_159 = arith.addi %mul3A_2, %add3A_158 : i32
    %dma_start3A_160 = arith.constant 0 : i32
    %dma_start3A_161 = tpu.memref_slice %arg4[%add3A_159, %dma_start3A_160] : memref<320000x128xf32, #tpu.memory_space<hbm>> -> memref<16x128xf32, #tpu.memory_space<hbm>>
    %dma_start3A_162 = arith.constant 0 : i32
    %dma_start3A_163 = tpu.memref_slice %arg4[%add3A_159, %dma_start3A_162] : memref<320000x128xf32, #tpu.memory_space<hbm>> -> memref<16x128xf32, #tpu.memory_space<hbm>>
    tpu.enqueue_dma source(%arg12 : memref<16x128xf32, #tpu.memory_space<vmem>>) target(%dma_start3A_163 : memref<16x128xf32, #tpu.memory_space<hbm>>) target_semaphore(%arg42 : memref<!tpu.dma_semaphore, #tpu.memory_space<semaphore_mem>>)
    %dma_wait3A_164 = arith.constant 80 : i32
    %dma_wait3A_165 = tpu.memref_slice %arg6[%dma_wait3A_164] : memref<20000xi32, #tpu.memory_space<vmem>> -> memref<16xi32, #tpu.memory_space<vmem>>
    %dma_wait3A_166 = arith.constant 0 : i32
    %dma_wait3A_167 = arith.constant 0 : i32
    %dma_wait3A_168 = tpu.memref_slice %arg2[%dma_wait3A_166, %dma_wait3A_167] : memref<10000x128xf32, #tpu.memory_space<hbm>> -> memref<10000x128xf32, #tpu.memory_space<hbm>>
    tpu.wait_indirect_dma semaphore(%arg28 : memref<!tpu.dma_semaphore, #tpu.memory_space<semaphore_mem>>) src(%dma_wait3A_168 : memref<10000x128xf32, #tpu.memory_space<hbm>>) dst(%arg13 : memref<16x128xf32, #tpu.memory_space<vmem>>)
    %add3A_169 = arith.constant 80 : i32
    %add3A_170 = arith.addi %mul3A_2, %add3A_169 : i32
    %dma_start3A_171 = arith.constant 0 : i32
    %dma_start3A_172 = tpu.memref_slice %arg4[%add3A_170, %dma_start3A_171] : memref<320000x128xf32, #tpu.memory_space<hbm>> -> memref<16x128xf32, #tpu.memory_space<hbm>>
    %dma_start3A_173 = arith.constant 0 : i32
    %dma_start3A_174 = tpu.memref_slice %arg4[%add3A_170, %dma_start3A_173] : memref<320000x128xf32, #tpu.memory_space<hbm>> -> memref<16x128xf32, #tpu.memory_space<hbm>>
    tpu.enqueue_dma source(%arg13 : memref<16x128xf32, #tpu.memory_space<vmem>>) target(%dma_start3A_174 : memref<16x128xf32, #tpu.memory_space<hbm>>) target_semaphore(%arg43 : memref<!tpu.dma_semaphore, #tpu.memory_space<semaphore_mem>>)
    %dma_wait3A_175 = arith.constant 96 : i32
    %dma_wait3A_176 = tpu.memref_slice %arg6[%dma_wait3A_175] : memref<20000xi32, #tpu.memory_space<vmem>> -> memref<16xi32, #tpu.memory_space<vmem>>
    %dma_wait3A_177 = arith.constant 0 : i32
    %dma_wait3A_178 = arith.constant 0 : i32
    %dma_wait3A_179 = tpu.memref_slice %arg2[%dma_wait3A_177, %dma_wait3A_178] : memref<10000x128xf32, #tpu.memory_space<hbm>> -> memref<10000x128xf32, #tpu.memory_space<hbm>>
    tpu.wait_indirect_dma semaphore(%arg29 : memref<!tpu.dma_semaphore, #tpu.memory_space<semaphore_mem>>) src(%dma_wait3A_179 : memref<10000x128xf32, #tpu.memory_space<hbm>>) dst(%arg14 : memref<16x128xf32, #tpu.memory_space<vmem>>)
    %add3A_180 = arith.constant 96 : i32
    %add3A_181 = arith.addi %mul3A_2, %add3A_180 : i32
    %dma_start3A_182 = arith.constant 0 : i32
    %dma_start3A_183 = tpu.memref_slice %arg4[%add3A_181, %dma_start3A_182] : memref<320000x128xf32, #tpu.memory_space<hbm>> -> memref<16x128xf32, #tpu.memory_space<hbm>>
    %dma_start3A_184 = arith.constant 0 : i32
    %dma_start3A_185 = tpu.memref_slice %arg4[%add3A_181, %dma_start3A_184] : memref<320000x128xf32, #tpu.memory_space<hbm>> -> memref<16x128xf32, #tpu.memory_space<hbm>>
    tpu.enqueue_dma source(%arg14 : memref<16x128xf32, #tpu.memory_space<vmem>>) target(%dma_start3A_185 : memref<16x128xf32, #tpu.memory_space<hbm>>) target_semaphore(%arg44 : memref<!tpu.dma_semaphore, #tpu.memory_space<semaphore_mem>>)
    %dma_wait3A_186 = arith.constant 112 : i32
    %dma_wait3A_187 = tpu.memref_slice %arg6[%dma_wait3A_186] : memref<20000xi32, #tpu.memory_space<vmem>> -> memref<16xi32, #tpu.memory_space<vmem>>
    %dma_wait3A_188 = arith.constant 0 : i32
    %dma_wait3A_189 = arith.constant 0 : i32
    %dma_wait3A_190 = tpu.memref_slice %arg2[%dma_wait3A_188, %dma_wait3A_189] : memref<10000x128xf32, #tpu.memory_space<hbm>> -> memref<10000x128xf32, #tpu.memory_space<hbm>>
    tpu.wait_indirect_dma semaphore(%arg30 : memref<!tpu.dma_semaphore, #tpu.memory_space<semaphore_mem>>) src(%dma_wait3A_190 : memref<10000x128xf32, #tpu.memory_space<hbm>>) dst(%arg15 : memref<16x128xf32, #tpu.memory_space<vmem>>)
    %add3A_191 = arith.constant 112 : i32
    %add3A_192 = arith.addi %mul3A_2, %add3A_191 : i32
    %dma_start3A_193 = arith.constant 0 : i32
    %dma_start3A_194 = tpu.memref_slice %arg4[%add3A_192, %dma_start3A_193] : memref<320000x128xf32, #tpu.memory_space<hbm>> -> memref<16x128xf32, #tpu.memory_space<hbm>>
    %dma_start3A_195 = arith.constant 0 : i32
    %dma_start3A_196 = tpu.memref_slice %arg4[%add3A_192, %dma_start3A_195] : memref<320000x128xf32, #tpu.memory_space<hbm>> -> memref<16x128xf32, #tpu.memory_space<hbm>>
    tpu.enqueue_dma source(%arg15 : memref<16x128xf32, #tpu.memory_space<vmem>>) target(%dma_start3A_196 : memref<16x128xf32, #tpu.memory_space<hbm>>) target_semaphore(%arg45 : memref<!tpu.dma_semaphore, #tpu.memory_space<semaphore_mem>>)
    %dma_wait3A_197 = arith.constant 128 : i32
    %dma_wait3A_198 = tpu.memref_slice %arg6[%dma_wait3A_197] : memref<20000xi32, #tpu.memory_space<vmem>> -> memref<16xi32, #tpu.memory_space<vmem>>
    %dma_wait3A_199 = arith.constant 0 : i32
    %dma_wait3A_200 = arith.constant 0 : i32
    %dma_wait3A_201 = tpu.memref_slice %arg2[%dma_wait3A_199, %dma_wait3A_200] : memref<10000x128xf32, #tpu.memory_space<hbm>> -> memref<10000x128xf32, #tpu.memory_space<hbm>>
    tpu.wait_indirect_dma semaphore(%arg31 : memref<!tpu.dma_semaphore, #tpu.memory_space<semaphore_mem>>) src(%dma_wait3A_201 : memref<10000x128xf32, #tpu.memory_space<hbm>>) dst(%arg16 : memref<16x128xf32, #tpu.memory_space<vmem>>)
    %add3A_202 = arith.constant 128 : i32
    %add3A_203 = arith.addi %mul3A_2, %add3A_202 : i32
    %dma_start3A_204 = arith.constant 0 : i32
    %dma_start3A_205 = tpu.memref_slice %arg4[%add3A_203, %dma_start3A_204] : memref<320000x128xf32, #tpu.memory_space<hbm>> -> memref<16x128xf32, #tpu.memory_space<hbm>>
    %dma_start3A_206 = arith.constant 0 : i32
    %dma_start3A_207 = tpu.memref_slice %arg4[%add3A_203, %dma_start3A_206] : memref<320000x128xf32, #tpu.memory_space<hbm>> -> memref<16x128xf32, #tpu.memory_space<hbm>>
    tpu.enqueue_dma source(%arg16 : memref<16x128xf32, #tpu.memory_space<vmem>>) target(%dma_start3A_207 : memref<16x128xf32, #tpu.memory_space<hbm>>) target_semaphore(%arg46 : memref<!tpu.dma_semaphore, #tpu.memory_space<semaphore_mem>>)
    %dma_wait3A_208 = arith.constant 144 : i32
    %dma_wait3A_209 = tpu.memref_slice %arg6[%dma_wait3A_208] : memref<20000xi32, #tpu.memory_space<vmem>> -> memref<16xi32, #tpu.memory_space<vmem>>
    %dma_wait3A_210 = arith.constant 0 : i32
    %dma_wait3A_211 = arith.constant 0 : i32
    %dma_wait3A_212 = tpu.memref_slice %arg2[%dma_wait3A_210, %dma_wait3A_211] : memref<10000x128xf32, #tpu.memory_space<hbm>> -> memref<10000x128xf32, #tpu.memory_space<hbm>>
    tpu.wait_indirect_dma semaphore(%arg32 : memref<!tpu.dma_semaphore, #tpu.memory_space<semaphore_mem>>) src(%dma_wait3A_212 : memref<10000x128xf32, #tpu.memory_space<hbm>>) dst(%arg17 : memref<16x128xf32, #tpu.memory_space<vmem>>)
    %add3A_213 = arith.constant 144 : i32
    %add3A_214 = arith.addi %mul3A_2, %add3A_213 : i32
    %dma_start3A_215 = arith.constant 0 : i32
    %dma_start3A_216 = tpu.memref_slice %arg4[%add3A_214, %dma_start3A_215] : memref<320000x128xf32, #tpu.memory_space<hbm>> -> memref<16x128xf32, #tpu.memory_space<hbm>>
    %dma_start3A_217 = arith.constant 0 : i32
    %dma_start3A_218 = tpu.memref_slice %arg4[%add3A_214, %dma_start3A_217] : memref<320000x128xf32, #tpu.memory_space<hbm>> -> memref<16x128xf32, #tpu.memory_space<hbm>>
    tpu.enqueue_dma source(%arg17 : memref<16x128xf32, #tpu.memory_space<vmem>>) target(%dma_start3A_218 : memref<16x128xf32, #tpu.memory_space<hbm>>) target_semaphore(%arg47 : memref<!tpu.dma_semaphore, #tpu.memory_space<semaphore_mem>>)
    %dma_wait3A_219 = arith.constant 160 : i32
    %dma_wait3A_220 = tpu.memref_slice %arg6[%dma_wait3A_219] : memref<20000xi32, #tpu.memory_space<vmem>> -> memref<16xi32, #tpu.memory_space<vmem>>
    %dma_wait3A_221 = arith.constant 0 : i32
    %dma_wait3A_222 = arith.constant 0 : i32
    %dma_wait3A_223 = tpu.memref_slice %arg2[%dma_wait3A_221, %dma_wait3A_222] : memref<10000x128xf32, #tpu.memory_space<hbm>> -> memref<10000x128xf32, #tpu.memory_space<hbm>>
    tpu.wait_indirect_dma semaphore(%arg33 : memref<!tpu.dma_semaphore, #tpu.memory_space<semaphore_mem>>) src(%dma_wait3A_223 : memref<10000x128xf32, #tpu.memory_space<hbm>>) dst(%arg18 : memref<16x128xf32, #tpu.memory_space<vmem>>)
    %add3A_224 = arith.constant 160 : i32
    %add3A_225 = arith.addi %mul3A_2, %add3A_224 : i32
    %dma_start3A_226 = arith.constant 0 : i32
    %dma_start3A_227 = tpu.memref_slice %arg4[%add3A_225, %dma_start3A_226] : memref<320000x128xf32, #tpu.memory_space<hbm>> -> memref<16x128xf32, #tpu.memory_space<hbm>>
    %dma_start3A_228 = arith.constant 0 : i32
    %dma_start3A_229 = tpu.memref_slice %arg4[%add3A_225, %dma_start3A_228] : memref<320000x128xf32, #tpu.memory_space<hbm>> -> memref<16x128xf32, #tpu.memory_space<hbm>>
    tpu.enqueue_dma source(%arg18 : memref<16x128xf32, #tpu.memory_space<vmem>>) target(%dma_start3A_229 : memref<16x128xf32, #tpu.memory_space<hbm>>) target_semaphore(%arg48 : memref<!tpu.dma_semaphore, #tpu.memory_space<semaphore_mem>>)
    %dma_wait3A_230 = arith.constant 176 : i32
    %dma_wait3A_231 = tpu.memref_slice %arg6[%dma_wait3A_230] : memref<20000xi32, #tpu.memory_space<vmem>> -> memref<16xi32, #tpu.memory_space<vmem>>
    %dma_wait3A_232 = arith.constant 0 : i32
    %dma_wait3A_233 = arith.constant 0 : i32
    %dma_wait3A_234 = tpu.memref_slice %arg2[%dma_wait3A_232, %dma_wait3A_233] : memref<10000x128xf32, #tpu.memory_space<hbm>> -> memref<10000x128xf32, #tpu.memory_space<hbm>>
    tpu.wait_indirect_dma semaphore(%arg34 : memref<!tpu.dma_semaphore, #tpu.memory_space<semaphore_mem>>) src(%dma_wait3A_234 : memref<10000x128xf32, #tpu.memory_space<hbm>>) dst(%arg19 : memref<16x128xf32, #tpu.memory_space<vmem>>)
    %add3A_235 = arith.constant 176 : i32
    %add3A_236 = arith.addi %mul3A_2, %add3A_235 : i32
    %dma_start3A_237 = arith.constant 0 : i32
    %dma_start3A_238 = tpu.memref_slice %arg4[%add3A_236, %dma_start3A_237] : memref<320000x128xf32, #tpu.memory_space<hbm>> -> memref<16x128xf32, #tpu.memory_space<hbm>>
    %dma_start3A_239 = arith.constant 0 : i32
    %dma_start3A_240 = tpu.memref_slice %arg4[%add3A_236, %dma_start3A_239] : memref<320000x128xf32, #tpu.memory_space<hbm>> -> memref<16x128xf32, #tpu.memory_space<hbm>>
    tpu.enqueue_dma source(%arg19 : memref<16x128xf32, #tpu.memory_space<vmem>>) target(%dma_start3A_240 : memref<16x128xf32, #tpu.memory_space<hbm>>) target_semaphore(%arg49 : memref<!tpu.dma_semaphore, #tpu.memory_space<semaphore_mem>>)
    %dma_wait3A_241 = arith.constant 192 : i32
    %dma_wait3A_242 = tpu.memref_slice %arg6[%dma_wait3A_241] : memref<20000xi32, #tpu.memory_space<vmem>> -> memref<16xi32, #tpu.memory_space<vmem>>
    %dma_wait3A_243 = arith.constant 0 : i32
    %dma_wait3A_244 = arith.constant 0 : i32
    %dma_wait3A_245 = tpu.memref_slice %arg2[%dma_wait3A_243, %dma_wait3A_244] : memref<10000x128xf32, #tpu.memory_space<hbm>> -> memref<10000x128xf32, #tpu.memory_space<hbm>>
    tpu.wait_indirect_dma semaphore(%arg35 : memref<!tpu.dma_semaphore, #tpu.memory_space<semaphore_mem>>) src(%dma_wait3A_245 : memref<10000x128xf32, #tpu.memory_space<hbm>>) dst(%arg20 : memref<16x128xf32, #tpu.memory_space<vmem>>)
    %add3A_246 = arith.constant 192 : i32
    %add3A_247 = arith.addi %mul3A_2, %add3A_246 : i32
    %dma_start3A_248 = arith.constant 0 : i32
    %dma_start3A_249 = tpu.memref_slice %arg4[%add3A_247, %dma_start3A_248] : memref<320000x128xf32, #tpu.memory_space<hbm>> -> memref<16x128xf32, #tpu.memory_space<hbm>>
    %dma_start3A_250 = arith.constant 0 : i32
    %dma_start3A_251 = tpu.memref_slice %arg4[%add3A_247, %dma_start3A_250] : memref<320000x128xf32, #tpu.memory_space<hbm>> -> memref<16x128xf32, #tpu.memory_space<hbm>>
    tpu.enqueue_dma source(%arg20 : memref<16x128xf32, #tpu.memory_space<vmem>>) target(%dma_start3A_251 : memref<16x128xf32, #tpu.memory_space<hbm>>) target_semaphore(%arg50 : memref<!tpu.dma_semaphore, #tpu.memory_space<semaphore_mem>>)
    %dma_wait3A_252 = arith.constant 208 : i32
    %dma_wait3A_253 = tpu.memref_slice %arg6[%dma_wait3A_252] : memref<20000xi32, #tpu.memory_space<vmem>> -> memref<16xi32, #tpu.memory_space<vmem>>
    %dma_wait3A_254 = arith.constant 0 : i32
    %dma_wait3A_255 = arith.constant 0 : i32
    %dma_wait3A_256 = tpu.memref_slice %arg2[%dma_wait3A_254, %dma_wait3A_255] : memref<10000x128xf32, #tpu.memory_space<hbm>> -> memref<10000x128xf32, #tpu.memory_space<hbm>>
    tpu.wait_indirect_dma semaphore(%arg36 : memref<!tpu.dma_semaphore, #tpu.memory_space<semaphore_mem>>) src(%dma_wait3A_256 : memref<10000x128xf32, #tpu.memory_space<hbm>>) dst(%arg21 : memref<16x128xf32, #tpu.memory_space<vmem>>)
    %add3A_257 = arith.constant 208 : i32
    %add3A_258 = arith.addi %mul3A_2, %add3A_257 : i32
    %dma_start3A_259 = arith.constant 0 : i32
    %dma_start3A_260 = tpu.memref_slice %arg4[%add3A_258, %dma_start3A_259] : memref<320000x128xf32, #tpu.memory_space<hbm>> -> memref<16x128xf32, #tpu.memory_space<hbm>>
    %dma_start3A_261 = arith.constant 0 : i32
    %dma_start3A_262 = tpu.memref_slice %arg4[%add3A_258, %dma_start3A_261] : memref<320000x128xf32, #tpu.memory_space<hbm>> -> memref<16x128xf32, #tpu.memory_space<hbm>>
    tpu.enqueue_dma source(%arg21 : memref<16x128xf32, #tpu.memory_space<vmem>>) target(%dma_start3A_262 : memref<16x128xf32, #tpu.memory_space<hbm>>) target_semaphore(%arg51 : memref<!tpu.dma_semaphore, #tpu.memory_space<semaphore_mem>>)
    %dma_wait3A_263 = arith.constant 224 : i32
    %dma_wait3A_264 = tpu.memref_slice %arg6[%dma_wait3A_263] : memref<20000xi32, #tpu.memory_space<vmem>> -> memref<16xi32, #tpu.memory_space<vmem>>
    %dma_wait3A_265 = arith.constant 0 : i32
    %dma_wait3A_266 = arith.constant 0 : i32
    %dma_wait3A_267 = tpu.memref_slice %arg2[%dma_wait3A_265, %dma_wait3A_266] : memref<10000x128xf32, #tpu.memory_space<hbm>> -> memref<10000x128xf32, #tpu.memory_space<hbm>>
    tpu.wait_indirect_dma semaphore(%arg37 : memref<!tpu.dma_semaphore, #tpu.memory_space<semaphore_mem>>) src(%dma_wait3A_267 : memref<10000x128xf32, #tpu.memory_space<hbm>>) dst(%arg22 : memref<16x128xf32, #tpu.memory_space<vmem>>)
    %add3A_268 = arith.constant 224 : i32
    %add3A_269 = arith.addi %mul3A_2, %add3A_268 : i32
    %dma_start3A_270 = arith.constant 0 : i32
    %dma_start3A_271 = tpu.memref_slice %arg4[%add3A_269, %dma_start3A_270] : memref<320000x128xf32, #tpu.memory_space<hbm>> -> memref<16x128xf32, #tpu.memory_space<hbm>>
    %dma_start3A_272 = arith.constant 0 : i32
    %dma_start3A_273 = tpu.memref_slice %arg4[%add3A_269, %dma_start3A_272] : memref<320000x128xf32, #tpu.memory_space<hbm>> -> memref<16x128xf32, #tpu.memory_space<hbm>>
    tpu.enqueue_dma source(%arg22 : memref<16x128xf32, #tpu.memory_space<vmem>>) target(%dma_start3A_273 : memref<16x128xf32, #tpu.memory_space<hbm>>) target_semaphore(%arg52 : memref<!tpu.dma_semaphore, #tpu.memory_space<semaphore_mem>>)
    %dma_wait3A_274 = arith.constant 0 : i32
    %dma_wait3A_275 = tpu.memref_slice %arg7[%multiple_of3A, %dma_wait3A_274] : memref<10000x128xf32, #tpu.memory_space<vmem_shared>> -> memref<632x128xf32, #tpu.memory_space<vmem_shared>>
    %dma_wait3A_276 = arith.constant 0 : i32
    %dma_wait3A_277 = tpu.memref_slice %arg2[%multiple_of3A, %dma_wait3A_276] : memref<10000x128xf32, #tpu.memory_space<hbm>> -> memref<632x128xf32, #tpu.memory_space<hbm>>
    tpu.wait_dma2 semaphore(%arg53 : memref<!tpu.dma_semaphore, #tpu.memory_space<semaphore_mem>>) src(%dma_wait3A_277 : memref<632x128xf32, #tpu.memory_space<hbm>>) dst(%dma_wait3A_275 : memref<632x128xf32, #tpu.memory_space<vmem_shared>>)
    %barrier3A = arith.constant 0 : index
    tpu.barrier barrier_id(%barrier3A)
    %scan3A = arith.constant 0 : i32
    %scan3A_278 = arith.constant 1 : i32
    %scan3A_279 = arith.constant 41 : i32
    %scan3A_280 = arith.addi %scan3A_278, %scan3A_279 : i32
    %scan3A_281 = arith.constant 1 : i32
    scf.for %scan3A_469 = %scan3A_278 to %scan3A_280 step %scan3A_281  : i32 {
      %mul3A_470 = arith.constant 15 : i32
      %mul3A_471 = arith.muli %mul3A_470, %scan3A_469 : i32
      %ne3A = arith.constant 0 : i32
      %ne3A_472 = arith.cmpi ne, %scan3A_469, %ne3A : i32
      %add3A_473 = arith.constant 0 : i32
      %add3A_474 = arith.addi %mul3A_471, %add3A_473 : i32
      %lt3A = arith.constant 625 : i32
      %lt3A_475 = arith.cmpi slt, %add3A_474, %lt3A : i32
      %and3A = arith.andi %ne3A_472, %lt3A_475 : i1
      %convert_element_type3A = arith.extui %and3A : i1 to i32
      %cond3A = arith.constant 0 : i32
      %cond3A_476 = arith.cmpi ne, %convert_element_type3A, %cond3A : i32
      scf.if %cond3A_476 {
        %add3A_827 = arith.constant 0 : i32
        %add3A_828 = arith.addi %mul3A_471, %add3A_827 : i32
        %sub3A = arith.constant 15 : i32
        %sub3A_829 = arith.subi %add3A_828, %sub3A : i32
        %mul3A_830 = arith.constant 16 : i32
        %mul3A_831 = arith.muli %sub3A_829, %mul3A_830 : i32
        %add3A_832 = arith.addi %mul3A_2, %mul3A_831 : i32
        %dma_wait3A_833 = arith.constant 0 : i32
        %dma_wait3A_834 = tpu.memref_slice %arg4[%add3A_832, %dma_wait3A_833] : memref<320000x128xf32, #tpu.memory_space<hbm>> -> memref<16x128xf32, #tpu.memory_space<hbm>>
        %dma_wait3A_835 = arith.constant 0 : i32
        %dma_wait3A_836 = tpu.memref_slice %arg4[%add3A_832, %dma_wait3A_835] : memref<320000x128xf32, #tpu.memory_space<hbm>> -> memref<16x128xf32, #tpu.memory_space<hbm>>
        tpu.wait_dma2 semaphore(%arg38 : memref<!tpu.dma_semaphore, #tpu.memory_space<semaphore_mem>>) src(%arg8 : memref<16x128xf32, #tpu.memory_space<vmem>>) dst(%dma_wait3A_836 : memref<16x128xf32, #tpu.memory_space<hbm>>)
      } else {
      }
      %add3A_477 = arith.constant 0 : i32
      %add3A_478 = arith.addi %mul3A_471, %add3A_477 : i32
      %lt3A_479 = arith.constant 625 : i32
      %lt3A_480 = arith.cmpi slt, %add3A_478, %lt3A_479 : i32
      %convert_element_type3A_481 = arith.extui %lt3A_480 : i1 to i32
      %cond3A_482 = arith.constant 0 : i32
      %cond3A_483 = arith.cmpi ne, %convert_element_type3A_481, %cond3A_482 : i32
      scf.if %cond3A_483 {
        %add3A_827 = arith.constant 0 : i32
        %add3A_828 = arith.addi %mul3A_471, %add3A_827 : i32
        %mul3A_829 = arith.constant 16 : i32
        %mul3A_830 = arith.muli %add3A_828, %mul3A_829 : i32
        %add3A_831 = arith.constant 0 : i32
        %add3A_832 = arith.addi %add3A_831, %mul3A_830 : i32
        %dma_start3A_833 = tpu.memref_slice %arg6[%add3A_832] : memref<20000xi32, #tpu.memory_space<vmem>> -> memref<16xi32, #tpu.memory_space<vmem>>
        %dma_start3A_834 = arith.constant 0 : i32
        %dma_start3A_835 = arith.constant 0 : i32
        %dma_start3A_836 = tpu.memref_slice %arg7[%dma_start3A_834, %dma_start3A_835] : memref<10000x128xf32, #tpu.memory_space<vmem_shared>> -> memref<10000x128xf32, #tpu.memory_space<vmem_shared>>
        tpu.enqueue_indirect_dma source(%dma_start3A_836 : memref<10000x128xf32, #tpu.memory_space<vmem_shared>>) target(%arg8 : memref<16x128xf32, #tpu.memory_space<vmem>>) offsets(%dma_start3A_833 : memref<16xi32, #tpu.memory_space<vmem>>) semaphore(%arg23 : memref<!tpu.dma_semaphore, #tpu.memory_space<semaphore_mem>>)
      } else {
      }
      %ne3A_484 = arith.constant 0 : i32
      %ne3A_485 = arith.cmpi ne, %scan3A_469, %ne3A_484 : i32
      %add3A_486 = arith.constant 1 : i32
      %add3A_487 = arith.addi %mul3A_471, %add3A_486 : i32
      %lt3A_488 = arith.constant 625 : i32
      %lt3A_489 = arith.cmpi slt, %add3A_487, %lt3A_488 : i32
      %and3A_490 = arith.andi %ne3A_485, %lt3A_489 : i1
      %convert_element_type3A_491 = arith.extui %and3A_490 : i1 to i32
      %cond3A_492 = arith.constant 0 : i32
      %cond3A_493 = arith.cmpi ne, %convert_element_type3A_491, %cond3A_492 : i32
      scf.if %cond3A_493 {
        %add3A_827 = arith.constant 1 : i32
        %add3A_828 = arith.addi %mul3A_471, %add3A_827 : i32
        %sub3A = arith.constant 15 : i32
        %sub3A_829 = arith.subi %add3A_828, %sub3A : i32
        %mul3A_830 = arith.constant 16 : i32
        %mul3A_831 = arith.muli %sub3A_829, %mul3A_830 : i32
        %add3A_832 = arith.addi %mul3A_2, %mul3A_831 : i32
        %dma_wait3A_833 = arith.constant 0 : i32
        %dma_wait3A_834 = tpu.memref_slice %arg4[%add3A_832, %dma_wait3A_833] : memref<320000x128xf32, #tpu.memory_space<hbm>> -> memref<16x128xf32, #tpu.memory_space<hbm>>
        %dma_wait3A_835 = arith.constant 0 : i32
        %dma_wait3A_836 = tpu.memref_slice %arg4[%add3A_832, %dma_wait3A_835] : memref<320000x128xf32, #tpu.memory_space<hbm>> -> memref<16x128xf32, #tpu.memory_space<hbm>>
        tpu.wait_dma2 semaphore(%arg39 : memref<!tpu.dma_semaphore, #tpu.memory_space<semaphore_mem>>) src(%arg9 : memref<16x128xf32, #tpu.memory_space<vmem>>) dst(%dma_wait3A_836 : memref<16x128xf32, #tpu.memory_space<hbm>>)
      } else {
      }
      %add3A_494 = arith.constant 1 : i32
      %add3A_495 = arith.addi %mul3A_471, %add3A_494 : i32
      %lt3A_496 = arith.constant 625 : i32
      %lt3A_497 = arith.cmpi slt, %add3A_495, %lt3A_496 : i32
      %convert_element_type3A_498 = arith.extui %lt3A_497 : i1 to i32
      %cond3A_499 = arith.constant 0 : i32
      %cond3A_500 = arith.cmpi ne, %convert_element_type3A_498, %cond3A_499 : i32
      scf.if %cond3A_500 {
        %add3A_827 = arith.constant 1 : i32
        %add3A_828 = arith.addi %mul3A_471, %add3A_827 : i32
        %mul3A_829 = arith.constant 16 : i32
        %mul3A_830 = arith.muli %add3A_828, %mul3A_829 : i32
        %add3A_831 = arith.constant 0 : i32
        %add3A_832 = arith.addi %add3A_831, %mul3A_830 : i32
        %dma_start3A_833 = tpu.memref_slice %arg6[%add3A_832] : memref<20000xi32, #tpu.memory_space<vmem>> -> memref<16xi32, #tpu.memory_space<vmem>>
        %dma_start3A_834 = arith.constant 0 : i32
        %dma_start3A_835 = arith.constant 0 : i32
        %dma_start3A_836 = tpu.memref_slice %arg7[%dma_start3A_834, %dma_start3A_835] : memref<10000x128xf32, #tpu.memory_space<vmem_shared>> -> memref<10000x128xf32, #tpu.memory_space<vmem_shared>>
        tpu.enqueue_indirect_dma source(%dma_start3A_836 : memref<10000x128xf32, #tpu.memory_space<vmem_shared>>) target(%arg9 : memref<16x128xf32, #tpu.memory_space<vmem>>) offsets(%dma_start3A_833 : memref<16xi32, #tpu.memory_space<vmem>>) semaphore(%arg24 : memref<!tpu.dma_semaphore, #tpu.memory_space<semaphore_mem>>)
      } else {
      }
      %ne3A_501 = arith.constant 0 : i32
      %ne3A_502 = arith.cmpi ne, %scan3A_469, %ne3A_501 : i32
      %add3A_503 = arith.constant 2 : i32
      %add3A_504 = arith.addi %mul3A_471, %add3A_503 : i32
      %lt3A_505 = arith.constant 625 : i32
      %lt3A_506 = arith.cmpi slt, %add3A_504, %lt3A_505 : i32
      %and3A_507 = arith.andi %ne3A_502, %lt3A_506 : i1
      %convert_element_type3A_508 = arith.extui %and3A_507 : i1 to i32
      %cond3A_509 = arith.constant 0 : i32
      %cond3A_510 = arith.cmpi ne, %convert_element_type3A_508, %cond3A_509 : i32
      scf.if %cond3A_510 {
        %add3A_827 = arith.constant 2 : i32
        %add3A_828 = arith.addi %mul3A_471, %add3A_827 : i32
        %sub3A = arith.constant 15 : i32
        %sub3A_829 = arith.subi %add3A_828, %sub3A : i32
        %mul3A_830 = arith.constant 16 : i32
        %mul3A_831 = arith.muli %sub3A_829, %mul3A_830 : i32
        %add3A_832 = arith.addi %mul3A_2, %mul3A_831 : i32
        %dma_wait3A_833 = arith.constant 0 : i32
        %dma_wait3A_834 = tpu.memref_slice %arg4[%add3A_832, %dma_wait3A_833] : memref<320000x128xf32, #tpu.memory_space<hbm>> -> memref<16x128xf32, #tpu.memory_space<hbm>>
        %dma_wait3A_835 = arith.constant 0 : i32
        %dma_wait3A_836 = tpu.memref_slice %arg4[%add3A_832, %dma_wait3A_835] : memref<320000x128xf32, #tpu.memory_space<hbm>> -> memref<16x128xf32, #tpu.memory_space<hbm>>
        tpu.wait_dma2 semaphore(%arg40 : memref<!tpu.dma_semaphore, #tpu.memory_space<semaphore_mem>>) src(%arg10 : memref<16x128xf32, #tpu.memory_space<vmem>>) dst(%dma_wait3A_836 : memref<16x128xf32, #tpu.memory_space<hbm>>)
      } else {
      }
      %add3A_511 = arith.constant 2 : i32
      %add3A_512 = arith.addi %mul3A_471, %add3A_511 : i32
      %lt3A_513 = arith.constant 625 : i32
      %lt3A_514 = arith.cmpi slt, %add3A_512, %lt3A_513 : i32
      %convert_element_type3A_515 = arith.extui %lt3A_514 : i1 to i32
      %cond3A_516 = arith.constant 0 : i32
      %cond3A_517 = arith.cmpi ne, %convert_element_type3A_515, %cond3A_516 : i32
      scf.if %cond3A_517 {
        %add3A_827 = arith.constant 2 : i32
        %add3A_828 = arith.addi %mul3A_471, %add3A_827 : i32
        %mul3A_829 = arith.constant 16 : i32
        %mul3A_830 = arith.muli %add3A_828, %mul3A_829 : i32
        %add3A_831 = arith.constant 0 : i32
        %add3A_832 = arith.addi %add3A_831, %mul3A_830 : i32
        %dma_start3A_833 = tpu.memref_slice %arg6[%add3A_832] : memref<20000xi32, #tpu.memory_space<vmem>> -> memref<16xi32, #tpu.memory_space<vmem>>
        %dma_start3A_834 = arith.constant 0 : i32
        %dma_start3A_835 = arith.constant 0 : i32
        %dma_start3A_836 = tpu.memref_slice %arg7[%dma_start3A_834, %dma_start3A_835] : memref<10000x128xf32, #tpu.memory_space<vmem_shared>> -> memref<10000x128xf32, #tpu.memory_space<vmem_shared>>
        tpu.enqueue_indirect_dma source(%dma_start3A_836 : memref<10000x128xf32, #tpu.memory_space<vmem_shared>>) target(%arg10 : memref<16x128xf32, #tpu.memory_space<vmem>>) offsets(%dma_start3A_833 : memref<16xi32, #tpu.memory_space<vmem>>) semaphore(%arg25 : memref<!tpu.dma_semaphore, #tpu.memory_space<semaphore_mem>>)
      } else {
      }
      %ne3A_518 = arith.constant 0 : i32
      %ne3A_519 = arith.cmpi ne, %scan3A_469, %ne3A_518 : i32
      %add3A_520 = arith.constant 3 : i32
      %add3A_521 = arith.addi %mul3A_471, %add3A_520 : i32
      %lt3A_522 = arith.constant 625 : i32
      %lt3A_523 = arith.cmpi slt, %add3A_521, %lt3A_522 : i32
      %and3A_524 = arith.andi %ne3A_519, %lt3A_523 : i1
      %convert_element_type3A_525 = arith.extui %and3A_524 : i1 to i32
      %cond3A_526 = arith.constant 0 : i32
      %cond3A_527 = arith.cmpi ne, %convert_element_type3A_525, %cond3A_526 : i32
      scf.if %cond3A_527 {
        %add3A_827 = arith.constant 3 : i32
        %add3A_828 = arith.addi %mul3A_471, %add3A_827 : i32
        %sub3A = arith.constant 15 : i32
        %sub3A_829 = arith.subi %add3A_828, %sub3A : i32
        %mul3A_830 = arith.constant 16 : i32
        %mul3A_831 = arith.muli %sub3A_829, %mul3A_830 : i32
        %add3A_832 = arith.addi %mul3A_2, %mul3A_831 : i32
        %dma_wait3A_833 = arith.constant 0 : i32
        %dma_wait3A_834 = tpu.memref_slice %arg4[%add3A_832, %dma_wait3A_833] : memref<320000x128xf32, #tpu.memory_space<hbm>> -> memref<16x128xf32, #tpu.memory_space<hbm>>
        %dma_wait3A_835 = arith.constant 0 : i32
        %dma_wait3A_836 = tpu.memref_slice %arg4[%add3A_832, %dma_wait3A_835] : memref<320000x128xf32, #tpu.memory_space<hbm>> -> memref<16x128xf32, #tpu.memory_space<hbm>>
        tpu.wait_dma2 semaphore(%arg41 : memref<!tpu.dma_semaphore, #tpu.memory_space<semaphore_mem>>) src(%arg11 : memref<16x128xf32, #tpu.memory_space<vmem>>) dst(%dma_wait3A_836 : memref<16x128xf32, #tpu.memory_space<hbm>>)
      } else {
      }
      %add3A_528 = arith.constant 3 : i32
      %add3A_529 = arith.addi %mul3A_471, %add3A_528 : i32
      %lt3A_530 = arith.constant 625 : i32
      %lt3A_531 = arith.cmpi slt, %add3A_529, %lt3A_530 : i32
      %convert_element_type3A_532 = arith.extui %lt3A_531 : i1 to i32
      %cond3A_533 = arith.constant 0 : i32
      %cond3A_534 = arith.cmpi ne, %convert_element_type3A_532, %cond3A_533 : i32
      scf.if %cond3A_534 {
        %add3A_827 = arith.constant 3 : i32
        %add3A_828 = arith.addi %mul3A_471, %add3A_827 : i32
        %mul3A_829 = arith.constant 16 : i32
        %mul3A_830 = arith.muli %add3A_828, %mul3A_829 : i32
        %add3A_831 = arith.constant 0 : i32
        %add3A_832 = arith.addi %add3A_831, %mul3A_830 : i32
        %dma_start3A_833 = tpu.memref_slice %arg6[%add3A_832] : memref<20000xi32, #tpu.memory_space<vmem>> -> memref<16xi32, #tpu.memory_space<vmem>>
        %dma_start3A_834 = arith.constant 0 : i32
        %dma_start3A_835 = arith.constant 0 : i32
        %dma_start3A_836 = tpu.memref_slice %arg7[%dma_start3A_834, %dma_start3A_835] : memref<10000x128xf32, #tpu.memory_space<vmem_shared>> -> memref<10000x128xf32, #tpu.memory_space<vmem_shared>>
        tpu.enqueue_indirect_dma source(%dma_start3A_836 : memref<10000x128xf32, #tpu.memory_space<vmem_shared>>) target(%arg11 : memref<16x128xf32, #tpu.memory_space<vmem>>) offsets(%dma_start3A_833 : memref<16xi32, #tpu.memory_space<vmem>>) semaphore(%arg26 : memref<!tpu.dma_semaphore, #tpu.memory_space<semaphore_mem>>)
      } else {
      }
      %ne3A_535 = arith.constant 0 : i32
      %ne3A_536 = arith.cmpi ne, %scan3A_469, %ne3A_535 : i32
      %add3A_537 = arith.constant 4 : i32
      %add3A_538 = arith.addi %mul3A_471, %add3A_537 : i32
      %lt3A_539 = arith.constant 625 : i32
      %lt3A_540 = arith.cmpi slt, %add3A_538, %lt3A_539 : i32
      %and3A_541 = arith.andi %ne3A_536, %lt3A_540 : i1
      %convert_element_type3A_542 = arith.extui %and3A_541 : i1 to i32
      %cond3A_543 = arith.constant 0 : i32
      %cond3A_544 = arith.cmpi ne, %convert_element_type3A_542, %cond3A_543 : i32
      scf.if %cond3A_544 {
        %add3A_827 = arith.constant 4 : i32
        %add3A_828 = arith.addi %mul3A_471, %add3A_827 : i32
        %sub3A = arith.constant 15 : i32
        %sub3A_829 = arith.subi %add3A_828, %sub3A : i32
        %mul3A_830 = arith.constant 16 : i32
        %mul3A_831 = arith.muli %sub3A_829, %mul3A_830 : i32
        %add3A_832 = arith.addi %mul3A_2, %mul3A_831 : i32
        %dma_wait3A_833 = arith.constant 0 : i32
        %dma_wait3A_834 = tpu.memref_slice %arg4[%add3A_832, %dma_wait3A_833] : memref<320000x128xf32, #tpu.memory_space<hbm>> -> memref<16x128xf32, #tpu.memory_space<hbm>>
        %dma_wait3A_835 = arith.constant 0 : i32
        %dma_wait3A_836 = tpu.memref_slice %arg4[%add3A_832, %dma_wait3A_835] : memref<320000x128xf32, #tpu.memory_space<hbm>> -> memref<16x128xf32, #tpu.memory_space<hbm>>
        tpu.wait_dma2 semaphore(%arg42 : memref<!tpu.dma_semaphore, #tpu.memory_space<semaphore_mem>>) src(%arg12 : memref<16x128xf32, #tpu.memory_space<vmem>>) dst(%dma_wait3A_836 : memref<16x128xf32, #tpu.memory_space<hbm>>)
      } else {
      }
      %add3A_545 = arith.constant 4 : i32
      %add3A_546 = arith.addi %mul3A_471, %add3A_545 : i32
      %lt3A_547 = arith.constant 625 : i32
      %lt3A_548 = arith.cmpi slt, %add3A_546, %lt3A_547 : i32
      %convert_element_type3A_549 = arith.extui %lt3A_548 : i1 to i32
      %cond3A_550 = arith.constant 0 : i32
      %cond3A_551 = arith.cmpi ne, %convert_element_type3A_549, %cond3A_550 : i32
      scf.if %cond3A_551 {
        %add3A_827 = arith.constant 4 : i32
        %add3A_828 = arith.addi %mul3A_471, %add3A_827 : i32
        %mul3A_829 = arith.constant 16 : i32
        %mul3A_830 = arith.muli %add3A_828, %mul3A_829 : i32
        %add3A_831 = arith.constant 0 : i32
        %add3A_832 = arith.addi %add3A_831, %mul3A_830 : i32
        %dma_start3A_833 = tpu.memref_slice %arg6[%add3A_832] : memref<20000xi32, #tpu.memory_space<vmem>> -> memref<16xi32, #tpu.memory_space<vmem>>
        %dma_start3A_834 = arith.constant 0 : i32
        %dma_start3A_835 = arith.constant 0 : i32
        %dma_start3A_836 = tpu.memref_slice %arg7[%dma_start3A_834, %dma_start3A_835] : memref<10000x128xf32, #tpu.memory_space<vmem_shared>> -> memref<10000x128xf32, #tpu.memory_space<vmem_shared>>
        tpu.enqueue_indirect_dma source(%dma_start3A_836 : memref<10000x128xf32, #tpu.memory_space<vmem_shared>>) target(%arg12 : memref<16x128xf32, #tpu.memory_space<vmem>>) offsets(%dma_start3A_833 : memref<16xi32, #tpu.memory_space<vmem>>) semaphore(%arg27 : memref<!tpu.dma_semaphore, #tpu.memory_space<semaphore_mem>>)
      } else {
      }
      %ne3A_552 = arith.constant 0 : i32
      %ne3A_553 = arith.cmpi ne, %scan3A_469, %ne3A_552 : i32
      %add3A_554 = arith.constant 5 : i32
      %add3A_555 = arith.addi %mul3A_471, %add3A_554 : i32
      %lt3A_556 = arith.constant 625 : i32
      %lt3A_557 = arith.cmpi slt, %add3A_555, %lt3A_556 : i32
      %and3A_558 = arith.andi %ne3A_553, %lt3A_557 : i1
      %convert_element_type3A_559 = arith.extui %and3A_558 : i1 to i32
      %cond3A_560 = arith.constant 0 : i32
      %cond3A_561 = arith.cmpi ne, %convert_element_type3A_559, %cond3A_560 : i32
      scf.if %cond3A_561 {
        %add3A_827 = arith.constant 5 : i32
        %add3A_828 = arith.addi %mul3A_471, %add3A_827 : i32
        %sub3A = arith.constant 15 : i32
        %sub3A_829 = arith.subi %add3A_828, %sub3A : i32
        %mul3A_830 = arith.constant 16 : i32
        %mul3A_831 = arith.muli %sub3A_829, %mul3A_830 : i32
        %add3A_832 = arith.addi %mul3A_2, %mul3A_831 : i32
        %dma_wait3A_833 = arith.constant 0 : i32
        %dma_wait3A_834 = tpu.memref_slice %arg4[%add3A_832, %dma_wait3A_833] : memref<320000x128xf32, #tpu.memory_space<hbm>> -> memref<16x128xf32, #tpu.memory_space<hbm>>
        %dma_wait3A_835 = arith.constant 0 : i32
        %dma_wait3A_836 = tpu.memref_slice %arg4[%add3A_832, %dma_wait3A_835] : memref<320000x128xf32, #tpu.memory_space<hbm>> -> memref<16x128xf32, #tpu.memory_space<hbm>>
        tpu.wait_dma2 semaphore(%arg43 : memref<!tpu.dma_semaphore, #tpu.memory_space<semaphore_mem>>) src(%arg13 : memref<16x128xf32, #tpu.memory_space<vmem>>) dst(%dma_wait3A_836 : memref<16x128xf32, #tpu.memory_space<hbm>>)
      } else {
      }
      %add3A_562 = arith.constant 5 : i32
      %add3A_563 = arith.addi %mul3A_471, %add3A_562 : i32
      %lt3A_564 = arith.constant 625 : i32
      %lt3A_565 = arith.cmpi slt, %add3A_563, %lt3A_564 : i32
      %convert_element_type3A_566 = arith.extui %lt3A_565 : i1 to i32
      %cond3A_567 = arith.constant 0 : i32
      %cond3A_568 = arith.cmpi ne, %convert_element_type3A_566, %cond3A_567 : i32
      scf.if %cond3A_568 {
        %add3A_827 = arith.constant 5 : i32
        %add3A_828 = arith.addi %mul3A_471, %add3A_827 : i32
        %mul3A_829 = arith.constant 16 : i32
        %mul3A_830 = arith.muli %add3A_828, %mul3A_829 : i32
        %add3A_831 = arith.constant 0 : i32
        %add3A_832 = arith.addi %add3A_831, %mul3A_830 : i32
        %dma_start3A_833 = tpu.memref_slice %arg6[%add3A_832] : memref<20000xi32, #tpu.memory_space<vmem>> -> memref<16xi32, #tpu.memory_space<vmem>>
        %dma_start3A_834 = arith.constant 0 : i32
        %dma_start3A_835 = arith.constant 0 : i32
        %dma_start3A_836 = tpu.memref_slice %arg7[%dma_start3A_834, %dma_start3A_835] : memref<10000x128xf32, #tpu.memory_space<vmem_shared>> -> memref<10000x128xf32, #tpu.memory_space<vmem_shared>>
        tpu.enqueue_indirect_dma source(%dma_start3A_836 : memref<10000x128xf32, #tpu.memory_space<vmem_shared>>) target(%arg13 : memref<16x128xf32, #tpu.memory_space<vmem>>) offsets(%dma_start3A_833 : memref<16xi32, #tpu.memory_space<vmem>>) semaphore(%arg28 : memref<!tpu.dma_semaphore, #tpu.memory_space<semaphore_mem>>)
      } else {
      }
      %ne3A_569 = arith.constant 0 : i32
      %ne3A_570 = arith.cmpi ne, %scan3A_469, %ne3A_569 : i32
      %add3A_571 = arith.constant 6 : i32
      %add3A_572 = arith.addi %mul3A_471, %add3A_571 : i32
      %lt3A_573 = arith.constant 625 : i32
      %lt3A_574 = arith.cmpi slt, %add3A_572, %lt3A_573 : i32
      %and3A_575 = arith.andi %ne3A_570, %lt3A_574 : i1
      %convert_element_type3A_576 = arith.extui %and3A_575 : i1 to i32
      %cond3A_577 = arith.constant 0 : i32
      %cond3A_578 = arith.cmpi ne, %convert_element_type3A_576, %cond3A_577 : i32
      scf.if %cond3A_578 {
        %add3A_827 = arith.constant 6 : i32
        %add3A_828 = arith.addi %mul3A_471, %add3A_827 : i32
        %sub3A = arith.constant 15 : i32
        %sub3A_829 = arith.subi %add3A_828, %sub3A : i32
        %mul3A_830 = arith.constant 16 : i32
        %mul3A_831 = arith.muli %sub3A_829, %mul3A_830 : i32
        %add3A_832 = arith.addi %mul3A_2, %mul3A_831 : i32
        %dma_wait3A_833 = arith.constant 0 : i32
        %dma_wait3A_834 = tpu.memref_slice %arg4[%add3A_832, %dma_wait3A_833] : memref<320000x128xf32, #tpu.memory_space<hbm>> -> memref<16x128xf32, #tpu.memory_space<hbm>>
        %dma_wait3A_835 = arith.constant 0 : i32
        %dma_wait3A_836 = tpu.memref_slice %arg4[%add3A_832, %dma_wait3A_835] : memref<320000x128xf32, #tpu.memory_space<hbm>> -> memref<16x128xf32, #tpu.memory_space<hbm>>
        tpu.wait_dma2 semaphore(%arg44 : memref<!tpu.dma_semaphore, #tpu.memory_space<semaphore_mem>>) src(%arg14 : memref<16x128xf32, #tpu.memory_space<vmem>>) dst(%dma_wait3A_836 : memref<16x128xf32, #tpu.memory_space<hbm>>)
      } else {
      }
      %add3A_579 = arith.constant 6 : i32
      %add3A_580 = arith.addi %mul3A_471, %add3A_579 : i32
      %lt3A_581 = arith.constant 625 : i32
      %lt3A_582 = arith.cmpi slt, %add3A_580, %lt3A_581 : i32
      %convert_element_type3A_583 = arith.extui %lt3A_582 : i1 to i32
      %cond3A_584 = arith.constant 0 : i32
      %cond3A_585 = arith.cmpi ne, %convert_element_type3A_583, %cond3A_584 : i32
      scf.if %cond3A_585 {
        %add3A_827 = arith.constant 6 : i32
        %add3A_828 = arith.addi %mul3A_471, %add3A_827 : i32
        %mul3A_829 = arith.constant 16 : i32
        %mul3A_830 = arith.muli %add3A_828, %mul3A_829 : i32
        %add3A_831 = arith.constant 0 : i32
        %add3A_832 = arith.addi %add3A_831, %mul3A_830 : i32
        %dma_start3A_833 = tpu.memref_slice %arg6[%add3A_832] : memref<20000xi32, #tpu.memory_space<vmem>> -> memref<16xi32, #tpu.memory_space<vmem>>
        %dma_start3A_834 = arith.constant 0 : i32
        %dma_start3A_835 = arith.constant 0 : i32
        %dma_start3A_836 = tpu.memref_slice %arg7[%dma_start3A_834, %dma_start3A_835] : memref<10000x128xf32, #tpu.memory_space<vmem_shared>> -> memref<10000x128xf32, #tpu.memory_space<vmem_shared>>
        tpu.enqueue_indirect_dma source(%dma_start3A_836 : memref<10000x128xf32, #tpu.memory_space<vmem_shared>>) target(%arg14 : memref<16x128xf32, #tpu.memory_space<vmem>>) offsets(%dma_start3A_833 : memref<16xi32, #tpu.memory_space<vmem>>) semaphore(%arg29 : memref<!tpu.dma_semaphore, #tpu.memory_space<semaphore_mem>>)
      } else {
      }
      %ne3A_586 = arith.constant 0 : i32
      %ne3A_587 = arith.cmpi ne, %scan3A_469, %ne3A_586 : i32
      %add3A_588 = arith.constant 7 : i32
      %add3A_589 = arith.addi %mul3A_471, %add3A_588 : i32
      %lt3A_590 = arith.constant 625 : i32
      %lt3A_591 = arith.cmpi slt, %add3A_589, %lt3A_590 : i32
      %and3A_592 = arith.andi %ne3A_587, %lt3A_591 : i1
      %convert_element_type3A_593 = arith.extui %and3A_592 : i1 to i32
      %cond3A_594 = arith.constant 0 : i32
      %cond3A_595 = arith.cmpi ne, %convert_element_type3A_593, %cond3A_594 : i32
      scf.if %cond3A_595 {
        %add3A_827 = arith.constant 7 : i32
        %add3A_828 = arith.addi %mul3A_471, %add3A_827 : i32
        %sub3A = arith.constant 15 : i32
        %sub3A_829 = arith.subi %add3A_828, %sub3A : i32
        %mul3A_830 = arith.constant 16 : i32
        %mul3A_831 = arith.muli %sub3A_829, %mul3A_830 : i32
        %add3A_832 = arith.addi %mul3A_2, %mul3A_831 : i32
        %dma_wait3A_833 = arith.constant 0 : i32
        %dma_wait3A_834 = tpu.memref_slice %arg4[%add3A_832, %dma_wait3A_833] : memref<320000x128xf32, #tpu.memory_space<hbm>> -> memref<16x128xf32, #tpu.memory_space<hbm>>
        %dma_wait3A_835 = arith.constant 0 : i32
        %dma_wait3A_836 = tpu.memref_slice %arg4[%add3A_832, %dma_wait3A_835] : memref<320000x128xf32, #tpu.memory_space<hbm>> -> memref<16x128xf32, #tpu.memory_space<hbm>>
        tpu.wait_dma2 semaphore(%arg45 : memref<!tpu.dma_semaphore, #tpu.memory_space<semaphore_mem>>) src(%arg15 : memref<16x128xf32, #tpu.memory_space<vmem>>) dst(%dma_wait3A_836 : memref<16x128xf32, #tpu.memory_space<hbm>>)
      } else {
      }
      %add3A_596 = arith.constant 7 : i32
      %add3A_597 = arith.addi %mul3A_471, %add3A_596 : i32
      %lt3A_598 = arith.constant 625 : i32
      %lt3A_599 = arith.cmpi slt, %add3A_597, %lt3A_598 : i32
      %convert_element_type3A_600 = arith.extui %lt3A_599 : i1 to i32
      %cond3A_601 = arith.constant 0 : i32
      %cond3A_602 = arith.cmpi ne, %convert_element_type3A_600, %cond3A_601 : i32
      scf.if %cond3A_602 {
        %add3A_827 = arith.constant 7 : i32
        %add3A_828 = arith.addi %mul3A_471, %add3A_827 : i32
        %mul3A_829 = arith.constant 16 : i32
        %mul3A_830 = arith.muli %add3A_828, %mul3A_829 : i32
        %add3A_831 = arith.constant 0 : i32
        %add3A_832 = arith.addi %add3A_831, %mul3A_830 : i32
        %dma_start3A_833 = tpu.memref_slice %arg6[%add3A_832] : memref<20000xi32, #tpu.memory_space<vmem>> -> memref<16xi32, #tpu.memory_space<vmem>>
        %dma_start3A_834 = arith.constant 0 : i32
        %dma_start3A_835 = arith.constant 0 : i32
        %dma_start3A_836 = tpu.memref_slice %arg7[%dma_start3A_834, %dma_start3A_835] : memref<10000x128xf32, #tpu.memory_space<vmem_shared>> -> memref<10000x128xf32, #tpu.memory_space<vmem_shared>>
        tpu.enqueue_indirect_dma source(%dma_start3A_836 : memref<10000x128xf32, #tpu.memory_space<vmem_shared>>) target(%arg15 : memref<16x128xf32, #tpu.memory_space<vmem>>) offsets(%dma_start3A_833 : memref<16xi32, #tpu.memory_space<vmem>>) semaphore(%arg30 : memref<!tpu.dma_semaphore, #tpu.memory_space<semaphore_mem>>)
      } else {
      }
      %ne3A_603 = arith.constant 0 : i32
      %ne3A_604 = arith.cmpi ne, %scan3A_469, %ne3A_603 : i32
      %add3A_605 = arith.constant 8 : i32
      %add3A_606 = arith.addi %mul3A_471, %add3A_605 : i32
      %lt3A_607 = arith.constant 625 : i32
      %lt3A_608 = arith.cmpi slt, %add3A_606, %lt3A_607 : i32
      %and3A_609 = arith.andi %ne3A_604, %lt3A_608 : i1
      %convert_element_type3A_610 = arith.extui %and3A_609 : i1 to i32
      %cond3A_611 = arith.constant 0 : i32
      %cond3A_612 = arith.cmpi ne, %convert_element_type3A_610, %cond3A_611 : i32
      scf.if %cond3A_612 {
        %add3A_827 = arith.constant 8 : i32
        %add3A_828 = arith.addi %mul3A_471, %add3A_827 : i32
        %sub3A = arith.constant 15 : i32
        %sub3A_829 = arith.subi %add3A_828, %sub3A : i32
        %mul3A_830 = arith.constant 16 : i32
        %mul3A_831 = arith.muli %sub3A_829, %mul3A_830 : i32
        %add3A_832 = arith.addi %mul3A_2, %mul3A_831 : i32
        %dma_wait3A_833 = arith.constant 0 : i32
        %dma_wait3A_834 = tpu.memref_slice %arg4[%add3A_832, %dma_wait3A_833] : memref<320000x128xf32, #tpu.memory_space<hbm>> -> memref<16x128xf32, #tpu.memory_space<hbm>>
        %dma_wait3A_835 = arith.constant 0 : i32
        %dma_wait3A_836 = tpu.memref_slice %arg4[%add3A_832, %dma_wait3A_835] : memref<320000x128xf32, #tpu.memory_space<hbm>> -> memref<16x128xf32, #tpu.memory_space<hbm>>
        tpu.wait_dma2 semaphore(%arg46 : memref<!tpu.dma_semaphore, #tpu.memory_space<semaphore_mem>>) src(%arg16 : memref<16x128xf32, #tpu.memory_space<vmem>>) dst(%dma_wait3A_836 : memref<16x128xf32, #tpu.memory_space<hbm>>)
      } else {
      }
      %add3A_613 = arith.constant 8 : i32
      %add3A_614 = arith.addi %mul3A_471, %add3A_613 : i32
      %lt3A_615 = arith.constant 625 : i32
      %lt3A_616 = arith.cmpi slt, %add3A_614, %lt3A_615 : i32
      %convert_element_type3A_617 = arith.extui %lt3A_616 : i1 to i32
      %cond3A_618 = arith.constant 0 : i32
      %cond3A_619 = arith.cmpi ne, %convert_element_type3A_617, %cond3A_618 : i32
      scf.if %cond3A_619 {
        %add3A_827 = arith.constant 8 : i32
        %add3A_828 = arith.addi %mul3A_471, %add3A_827 : i32
        %mul3A_829 = arith.constant 16 : i32
        %mul3A_830 = arith.muli %add3A_828, %mul3A_829 : i32
        %add3A_831 = arith.constant 0 : i32
        %add3A_832 = arith.addi %add3A_831, %mul3A_830 : i32
        %dma_start3A_833 = tpu.memref_slice %arg6[%add3A_832] : memref<20000xi32, #tpu.memory_space<vmem>> -> memref<16xi32, #tpu.memory_space<vmem>>
        %dma_start3A_834 = arith.constant 0 : i32
        %dma_start3A_835 = arith.constant 0 : i32
        %dma_start3A_836 = tpu.memref_slice %arg7[%dma_start3A_834, %dma_start3A_835] : memref<10000x128xf32, #tpu.memory_space<vmem_shared>> -> memref<10000x128xf32, #tpu.memory_space<vmem_shared>>
        tpu.enqueue_indirect_dma source(%dma_start3A_836 : memref<10000x128xf32, #tpu.memory_space<vmem_shared>>) target(%arg16 : memref<16x128xf32, #tpu.memory_space<vmem>>) offsets(%dma_start3A_833 : memref<16xi32, #tpu.memory_space<vmem>>) semaphore(%arg31 : memref<!tpu.dma_semaphore, #tpu.memory_space<semaphore_mem>>)
      } else {
      }
      %ne3A_620 = arith.constant 0 : i32
      %ne3A_621 = arith.cmpi ne, %scan3A_469, %ne3A_620 : i32
      %add3A_622 = arith.constant 9 : i32
      %add3A_623 = arith.addi %mul3A_471, %add3A_622 : i32
      %lt3A_624 = arith.constant 625 : i32
      %lt3A_625 = arith.cmpi slt, %add3A_623, %lt3A_624 : i32
      %and3A_626 = arith.andi %ne3A_621, %lt3A_625 : i1
      %convert_element_type3A_627 = arith.extui %and3A_626 : i1 to i32
      %cond3A_628 = arith.constant 0 : i32
      %cond3A_629 = arith.cmpi ne, %convert_element_type3A_627, %cond3A_628 : i32
      scf.if %cond3A_629 {
        %add3A_827 = arith.constant 9 : i32
        %add3A_828 = arith.addi %mul3A_471, %add3A_827 : i32
        %sub3A = arith.constant 15 : i32
        %sub3A_829 = arith.subi %add3A_828, %sub3A : i32
        %mul3A_830 = arith.constant 16 : i32
        %mul3A_831 = arith.muli %sub3A_829, %mul3A_830 : i32
        %add3A_832 = arith.addi %mul3A_2, %mul3A_831 : i32
        %dma_wait3A_833 = arith.constant 0 : i32
        %dma_wait3A_834 = tpu.memref_slice %arg4[%add3A_832, %dma_wait3A_833] : memref<320000x128xf32, #tpu.memory_space<hbm>> -> memref<16x128xf32, #tpu.memory_space<hbm>>
        %dma_wait3A_835 = arith.constant 0 : i32
        %dma_wait3A_836 = tpu.memref_slice %arg4[%add3A_832, %dma_wait3A_835] : memref<320000x128xf32, #tpu.memory_space<hbm>> -> memref<16x128xf32, #tpu.memory_space<hbm>>
        tpu.wait_dma2 semaphore(%arg47 : memref<!tpu.dma_semaphore, #tpu.memory_space<semaphore_mem>>) src(%arg17 : memref<16x128xf32, #tpu.memory_space<vmem>>) dst(%dma_wait3A_836 : memref<16x128xf32, #tpu.memory_space<hbm>>)
      } else {
      }
      %add3A_630 = arith.constant 9 : i32
      %add3A_631 = arith.addi %mul3A_471, %add3A_630 : i32
      %lt3A_632 = arith.constant 625 : i32
      %lt3A_633 = arith.cmpi slt, %add3A_631, %lt3A_632 : i32
      %convert_element_type3A_634 = arith.extui %lt3A_633 : i1 to i32
      %cond3A_635 = arith.constant 0 : i32
      %cond3A_636 = arith.cmpi ne, %convert_element_type3A_634, %cond3A_635 : i32
      scf.if %cond3A_636 {
        %add3A_827 = arith.constant 9 : i32
        %add3A_828 = arith.addi %mul3A_471, %add3A_827 : i32
        %mul3A_829 = arith.constant 16 : i32
        %mul3A_830 = arith.muli %add3A_828, %mul3A_829 : i32
        %add3A_831 = arith.constant 0 : i32
        %add3A_832 = arith.addi %add3A_831, %mul3A_830 : i32
        %dma_start3A_833 = tpu.memref_slice %arg6[%add3A_832] : memref<20000xi32, #tpu.memory_space<vmem>> -> memref<16xi32, #tpu.memory_space<vmem>>
        %dma_start3A_834 = arith.constant 0 : i32
        %dma_start3A_835 = arith.constant 0 : i32
        %dma_start3A_836 = tpu.memref_slice %arg7[%dma_start3A_834, %dma_start3A_835] : memref<10000x128xf32, #tpu.memory_space<vmem_shared>> -> memref<10000x128xf32, #tpu.memory_space<vmem_shared>>
        tpu.enqueue_indirect_dma source(%dma_start3A_836 : memref<10000x128xf32, #tpu.memory_space<vmem_shared>>) target(%arg17 : memref<16x128xf32, #tpu.memory_space<vmem>>) offsets(%dma_start3A_833 : memref<16xi32, #tpu.memory_space<vmem>>) semaphore(%arg32 : memref<!tpu.dma_semaphore, #tpu.memory_space<semaphore_mem>>)
      } else {
      }
      %ne3A_637 = arith.constant 0 : i32
      %ne3A_638 = arith.cmpi ne, %scan3A_469, %ne3A_637 : i32
      %add3A_639 = arith.constant 10 : i32
      %add3A_640 = arith.addi %mul3A_471, %add3A_639 : i32
      %lt3A_641 = arith.constant 625 : i32
      %lt3A_642 = arith.cmpi slt, %add3A_640, %lt3A_641 : i32
      %and3A_643 = arith.andi %ne3A_638, %lt3A_642 : i1
      %convert_element_type3A_644 = arith.extui %and3A_643 : i1 to i32
      %cond3A_645 = arith.constant 0 : i32
      %cond3A_646 = arith.cmpi ne, %convert_element_type3A_644, %cond3A_645 : i32
      scf.if %cond3A_646 {
        %add3A_827 = arith.constant 10 : i32
        %add3A_828 = arith.addi %mul3A_471, %add3A_827 : i32
        %sub3A = arith.constant 15 : i32
        %sub3A_829 = arith.subi %add3A_828, %sub3A : i32
        %mul3A_830 = arith.constant 16 : i32
        %mul3A_831 = arith.muli %sub3A_829, %mul3A_830 : i32
        %add3A_832 = arith.addi %mul3A_2, %mul3A_831 : i32
        %dma_wait3A_833 = arith.constant 0 : i32
        %dma_wait3A_834 = tpu.memref_slice %arg4[%add3A_832, %dma_wait3A_833] : memref<320000x128xf32, #tpu.memory_space<hbm>> -> memref<16x128xf32, #tpu.memory_space<hbm>>
        %dma_wait3A_835 = arith.constant 0 : i32
        %dma_wait3A_836 = tpu.memref_slice %arg4[%add3A_832, %dma_wait3A_835] : memref<320000x128xf32, #tpu.memory_space<hbm>> -> memref<16x128xf32, #tpu.memory_space<hbm>>
        tpu.wait_dma2 semaphore(%arg48 : memref<!tpu.dma_semaphore, #tpu.memory_space<semaphore_mem>>) src(%arg18 : memref<16x128xf32, #tpu.memory_space<vmem>>) dst(%dma_wait3A_836 : memref<16x128xf32, #tpu.memory_space<hbm>>)
      } else {
      }
      %add3A_647 = arith.constant 10 : i32
      %add3A_648 = arith.addi %mul3A_471, %add3A_647 : i32
      %lt3A_649 = arith.constant 625 : i32
      %lt3A_650 = arith.cmpi slt, %add3A_648, %lt3A_649 : i32
      %convert_element_type3A_651 = arith.extui %lt3A_650 : i1 to i32
      %cond3A_652 = arith.constant 0 : i32
      %cond3A_653 = arith.cmpi ne, %convert_element_type3A_651, %cond3A_652 : i32
      scf.if %cond3A_653 {
        %add3A_827 = arith.constant 10 : i32
        %add3A_828 = arith.addi %mul3A_471, %add3A_827 : i32
        %mul3A_829 = arith.constant 16 : i32
        %mul3A_830 = arith.muli %add3A_828, %mul3A_829 : i32
        %add3A_831 = arith.constant 0 : i32
        %add3A_832 = arith.addi %add3A_831, %mul3A_830 : i32
        %dma_start3A_833 = tpu.memref_slice %arg6[%add3A_832] : memref<20000xi32, #tpu.memory_space<vmem>> -> memref<16xi32, #tpu.memory_space<vmem>>
        %dma_start3A_834 = arith.constant 0 : i32
        %dma_start3A_835 = arith.constant 0 : i32
        %dma_start3A_836 = tpu.memref_slice %arg7[%dma_start3A_834, %dma_start3A_835] : memref<10000x128xf32, #tpu.memory_space<vmem_shared>> -> memref<10000x128xf32, #tpu.memory_space<vmem_shared>>
        tpu.enqueue_indirect_dma source(%dma_start3A_836 : memref<10000x128xf32, #tpu.memory_space<vmem_shared>>) target(%arg18 : memref<16x128xf32, #tpu.memory_space<vmem>>) offsets(%dma_start3A_833 : memref<16xi32, #tpu.memory_space<vmem>>) semaphore(%arg33 : memref<!tpu.dma_semaphore, #tpu.memory_space<semaphore_mem>>)
      } else {
      }
      %ne3A_654 = arith.constant 0 : i32
      %ne3A_655 = arith.cmpi ne, %scan3A_469, %ne3A_654 : i32
      %add3A_656 = arith.constant 11 : i32
      %add3A_657 = arith.addi %mul3A_471, %add3A_656 : i32
      %lt3A_658 = arith.constant 625 : i32
      %lt3A_659 = arith.cmpi slt, %add3A_657, %lt3A_658 : i32
      %and3A_660 = arith.andi %ne3A_655, %lt3A_659 : i1
      %convert_element_type3A_661 = arith.extui %and3A_660 : i1 to i32
      %cond3A_662 = arith.constant 0 : i32
      %cond3A_663 = arith.cmpi ne, %convert_element_type3A_661, %cond3A_662 : i32
      scf.if %cond3A_663 {
        %add3A_827 = arith.constant 11 : i32
        %add3A_828 = arith.addi %mul3A_471, %add3A_827 : i32
        %sub3A = arith.constant 15 : i32
        %sub3A_829 = arith.subi %add3A_828, %sub3A : i32
        %mul3A_830 = arith.constant 16 : i32
        %mul3A_831 = arith.muli %sub3A_829, %mul3A_830 : i32
        %add3A_832 = arith.addi %mul3A_2, %mul3A_831 : i32
        %dma_wait3A_833 = arith.constant 0 : i32
        %dma_wait3A_834 = tpu.memref_slice %arg4[%add3A_832, %dma_wait3A_833] : memref<320000x128xf32, #tpu.memory_space<hbm>> -> memref<16x128xf32, #tpu.memory_space<hbm>>
        %dma_wait3A_835 = arith.constant 0 : i32
        %dma_wait3A_836 = tpu.memref_slice %arg4[%add3A_832, %dma_wait3A_835] : memref<320000x128xf32, #tpu.memory_space<hbm>> -> memref<16x128xf32, #tpu.memory_space<hbm>>
        tpu.wait_dma2 semaphore(%arg49 : memref<!tpu.dma_semaphore, #tpu.memory_space<semaphore_mem>>) src(%arg19 : memref<16x128xf32, #tpu.memory_space<vmem>>) dst(%dma_wait3A_836 : memref<16x128xf32, #tpu.memory_space<hbm>>)
      } else {
      }
      %add3A_664 = arith.constant 11 : i32
      %add3A_665 = arith.addi %mul3A_471, %add3A_664 : i32
      %lt3A_666 = arith.constant 625 : i32
      %lt3A_667 = arith.cmpi slt, %add3A_665, %lt3A_666 : i32
      %convert_element_type3A_668 = arith.extui %lt3A_667 : i1 to i32
      %cond3A_669 = arith.constant 0 : i32
      %cond3A_670 = arith.cmpi ne, %convert_element_type3A_668, %cond3A_669 : i32
      scf.if %cond3A_670 {
        %add3A_827 = arith.constant 11 : i32
        %add3A_828 = arith.addi %mul3A_471, %add3A_827 : i32
        %mul3A_829 = arith.constant 16 : i32
        %mul3A_830 = arith.muli %add3A_828, %mul3A_829 : i32
        %add3A_831 = arith.constant 0 : i32
        %add3A_832 = arith.addi %add3A_831, %mul3A_830 : i32
        %dma_start3A_833 = tpu.memref_slice %arg6[%add3A_832] : memref<20000xi32, #tpu.memory_space<vmem>> -> memref<16xi32, #tpu.memory_space<vmem>>
        %dma_start3A_834 = arith.constant 0 : i32
        %dma_start3A_835 = arith.constant 0 : i32
        %dma_start3A_836 = tpu.memref_slice %arg7[%dma_start3A_834, %dma_start3A_835] : memref<10000x128xf32, #tpu.memory_space<vmem_shared>> -> memref<10000x128xf32, #tpu.memory_space<vmem_shared>>
        tpu.enqueue_indirect_dma source(%dma_start3A_836 : memref<10000x128xf32, #tpu.memory_space<vmem_shared>>) target(%arg19 : memref<16x128xf32, #tpu.memory_space<vmem>>) offsets(%dma_start3A_833 : memref<16xi32, #tpu.memory_space<vmem>>) semaphore(%arg34 : memref<!tpu.dma_semaphore, #tpu.memory_space<semaphore_mem>>)
      } else {
      }
      %ne3A_671 = arith.constant 0 : i32
      %ne3A_672 = arith.cmpi ne, %scan3A_469, %ne3A_671 : i32
      %add3A_673 = arith.constant 12 : i32
      %add3A_674 = arith.addi %mul3A_471, %add3A_673 : i32
      %lt3A_675 = arith.constant 625 : i32
      %lt3A_676 = arith.cmpi slt, %add3A_674, %lt3A_675 : i32
      %and3A_677 = arith.andi %ne3A_672, %lt3A_676 : i1
      %convert_element_type3A_678 = arith.extui %and3A_677 : i1 to i32
      %cond3A_679 = arith.constant 0 : i32
      %cond3A_680 = arith.cmpi ne, %convert_element_type3A_678, %cond3A_679 : i32
      scf.if %cond3A_680 {
        %add3A_827 = arith.constant 12 : i32
        %add3A_828 = arith.addi %mul3A_471, %add3A_827 : i32
        %sub3A = arith.constant 15 : i32
        %sub3A_829 = arith.subi %add3A_828, %sub3A : i32
        %mul3A_830 = arith.constant 16 : i32
        %mul3A_831 = arith.muli %sub3A_829, %mul3A_830 : i32
        %add3A_832 = arith.addi %mul3A_2, %mul3A_831 : i32
        %dma_wait3A_833 = arith.constant 0 : i32
        %dma_wait3A_834 = tpu.memref_slice %arg4[%add3A_832, %dma_wait3A_833] : memref<320000x128xf32, #tpu.memory_space<hbm>> -> memref<16x128xf32, #tpu.memory_space<hbm>>
        %dma_wait3A_835 = arith.constant 0 : i32
        %dma_wait3A_836 = tpu.memref_slice %arg4[%add3A_832, %dma_wait3A_835] : memref<320000x128xf32, #tpu.memory_space<hbm>> -> memref<16x128xf32, #tpu.memory_space<hbm>>
        tpu.wait_dma2 semaphore(%arg50 : memref<!tpu.dma_semaphore, #tpu.memory_space<semaphore_mem>>) src(%arg20 : memref<16x128xf32, #tpu.memory_space<vmem>>) dst(%dma_wait3A_836 : memref<16x128xf32, #tpu.memory_space<hbm>>)
      } else {
      }
      %add3A_681 = arith.constant 12 : i32
      %add3A_682 = arith.addi %mul3A_471, %add3A_681 : i32
      %lt3A_683 = arith.constant 625 : i32
      %lt3A_684 = arith.cmpi slt, %add3A_682, %lt3A_683 : i32
      %convert_element_type3A_685 = arith.extui %lt3A_684 : i1 to i32
      %cond3A_686 = arith.constant 0 : i32
      %cond3A_687 = arith.cmpi ne, %convert_element_type3A_685, %cond3A_686 : i32
      scf.if %cond3A_687 {
        %add3A_827 = arith.constant 12 : i32
        %add3A_828 = arith.addi %mul3A_471, %add3A_827 : i32
        %mul3A_829 = arith.constant 16 : i32
        %mul3A_830 = arith.muli %add3A_828, %mul3A_829 : i32
        %add3A_831 = arith.constant 0 : i32
        %add3A_832 = arith.addi %add3A_831, %mul3A_830 : i32
        %dma_start3A_833 = tpu.memref_slice %arg6[%add3A_832] : memref<20000xi32, #tpu.memory_space<vmem>> -> memref<16xi32, #tpu.memory_space<vmem>>
        %dma_start3A_834 = arith.constant 0 : i32
        %dma_start3A_835 = arith.constant 0 : i32
        %dma_start3A_836 = tpu.memref_slice %arg7[%dma_start3A_834, %dma_start3A_835] : memref<10000x128xf32, #tpu.memory_space<vmem_shared>> -> memref<10000x128xf32, #tpu.memory_space<vmem_shared>>
        tpu.enqueue_indirect_dma source(%dma_start3A_836 : memref<10000x128xf32, #tpu.memory_space<vmem_shared>>) target(%arg20 : memref<16x128xf32, #tpu.memory_space<vmem>>) offsets(%dma_start3A_833 : memref<16xi32, #tpu.memory_space<vmem>>) semaphore(%arg35 : memref<!tpu.dma_semaphore, #tpu.memory_space<semaphore_mem>>)
      } else {
      }
      %ne3A_688 = arith.constant 0 : i32
      %ne3A_689 = arith.cmpi ne, %scan3A_469, %ne3A_688 : i32
      %add3A_690 = arith.constant 13 : i32
      %add3A_691 = arith.addi %mul3A_471, %add3A_690 : i32
      %lt3A_692 = arith.constant 625 : i32
      %lt3A_693 = arith.cmpi slt, %add3A_691, %lt3A_692 : i32
      %and3A_694 = arith.andi %ne3A_689, %lt3A_693 : i1
      %convert_element_type3A_695 = arith.extui %and3A_694 : i1 to i32
      %cond3A_696 = arith.constant 0 : i32
      %cond3A_697 = arith.cmpi ne, %convert_element_type3A_695, %cond3A_696 : i32
      scf.if %cond3A_697 {
        %add3A_827 = arith.constant 13 : i32
        %add3A_828 = arith.addi %mul3A_471, %add3A_827 : i32
        %sub3A = arith.constant 15 : i32
        %sub3A_829 = arith.subi %add3A_828, %sub3A : i32
        %mul3A_830 = arith.constant 16 : i32
        %mul3A_831 = arith.muli %sub3A_829, %mul3A_830 : i32
        %add3A_832 = arith.addi %mul3A_2, %mul3A_831 : i32
        %dma_wait3A_833 = arith.constant 0 : i32
        %dma_wait3A_834 = tpu.memref_slice %arg4[%add3A_832, %dma_wait3A_833] : memref<320000x128xf32, #tpu.memory_space<hbm>> -> memref<16x128xf32, #tpu.memory_space<hbm>>
        %dma_wait3A_835 = arith.constant 0 : i32
        %dma_wait3A_836 = tpu.memref_slice %arg4[%add3A_832, %dma_wait3A_835] : memref<320000x128xf32, #tpu.memory_space<hbm>> -> memref<16x128xf32, #tpu.memory_space<hbm>>
        tpu.wait_dma2 semaphore(%arg51 : memref<!tpu.dma_semaphore, #tpu.memory_space<semaphore_mem>>) src(%arg21 : memref<16x128xf32, #tpu.memory_space<vmem>>) dst(%dma_wait3A_836 : memref<16x128xf32, #tpu.memory_space<hbm>>)
      } else {
      }
      %add3A_698 = arith.constant 13 : i32
      %add3A_699 = arith.addi %mul3A_471, %add3A_698 : i32
      %lt3A_700 = arith.constant 625 : i32
      %lt3A_701 = arith.cmpi slt, %add3A_699, %lt3A_700 : i32
      %convert_element_type3A_702 = arith.extui %lt3A_701 : i1 to i32
      %cond3A_703 = arith.constant 0 : i32
      %cond3A_704 = arith.cmpi ne, %convert_element_type3A_702, %cond3A_703 : i32
      scf.if %cond3A_704 {
        %add3A_827 = arith.constant 13 : i32
        %add3A_828 = arith.addi %mul3A_471, %add3A_827 : i32
        %mul3A_829 = arith.constant 16 : i32
        %mul3A_830 = arith.muli %add3A_828, %mul3A_829 : i32
        %add3A_831 = arith.constant 0 : i32
        %add3A_832 = arith.addi %add3A_831, %mul3A_830 : i32
        %dma_start3A_833 = tpu.memref_slice %arg6[%add3A_832] : memref<20000xi32, #tpu.memory_space<vmem>> -> memref<16xi32, #tpu.memory_space<vmem>>
        %dma_start3A_834 = arith.constant 0 : i32
        %dma_start3A_835 = arith.constant 0 : i32
        %dma_start3A_836 = tpu.memref_slice %arg7[%dma_start3A_834, %dma_start3A_835] : memref<10000x128xf32, #tpu.memory_space<vmem_shared>> -> memref<10000x128xf32, #tpu.memory_space<vmem_shared>>
        tpu.enqueue_indirect_dma source(%dma_start3A_836 : memref<10000x128xf32, #tpu.memory_space<vmem_shared>>) target(%arg21 : memref<16x128xf32, #tpu.memory_space<vmem>>) offsets(%dma_start3A_833 : memref<16xi32, #tpu.memory_space<vmem>>) semaphore(%arg36 : memref<!tpu.dma_semaphore, #tpu.memory_space<semaphore_mem>>)
      } else {
      }
      %ne3A_705 = arith.constant 0 : i32
      %ne3A_706 = arith.cmpi ne, %scan3A_469, %ne3A_705 : i32
      %add3A_707 = arith.constant 14 : i32
      %add3A_708 = arith.addi %mul3A_471, %add3A_707 : i32
      %lt3A_709 = arith.constant 625 : i32
      %lt3A_710 = arith.cmpi slt, %add3A_708, %lt3A_709 : i32
      %and3A_711 = arith.andi %ne3A_706, %lt3A_710 : i1
      %convert_element_type3A_712 = arith.extui %and3A_711 : i1 to i32
      %cond3A_713 = arith.constant 0 : i32
      %cond3A_714 = arith.cmpi ne, %convert_element_type3A_712, %cond3A_713 : i32
      scf.if %cond3A_714 {
        %add3A_827 = arith.constant 14 : i32
        %add3A_828 = arith.addi %mul3A_471, %add3A_827 : i32
        %sub3A = arith.constant 15 : i32
        %sub3A_829 = arith.subi %add3A_828, %sub3A : i32
        %mul3A_830 = arith.constant 16 : i32
        %mul3A_831 = arith.muli %sub3A_829, %mul3A_830 : i32
        %add3A_832 = arith.addi %mul3A_2, %mul3A_831 : i32
        %dma_wait3A_833 = arith.constant 0 : i32
        %dma_wait3A_834 = tpu.memref_slice %arg4[%add3A_832, %dma_wait3A_833] : memref<320000x128xf32, #tpu.memory_space<hbm>> -> memref<16x128xf32, #tpu.memory_space<hbm>>
        %dma_wait3A_835 = arith.constant 0 : i32
        %dma_wait3A_836 = tpu.memref_slice %arg4[%add3A_832, %dma_wait3A_835] : memref<320000x128xf32, #tpu.memory_space<hbm>> -> memref<16x128xf32, #tpu.memory_space<hbm>>
        tpu.wait_dma2 semaphore(%arg52 : memref<!tpu.dma_semaphore, #tpu.memory_space<semaphore_mem>>) src(%arg22 : memref<16x128xf32, #tpu.memory_space<vmem>>) dst(%dma_wait3A_836 : memref<16x128xf32, #tpu.memory_space<hbm>>)
      } else {
      }
      %add3A_715 = arith.constant 14 : i32
      %add3A_716 = arith.addi %mul3A_471, %add3A_715 : i32
      %lt3A_717 = arith.constant 625 : i32
      %lt3A_718 = arith.cmpi slt, %add3A_716, %lt3A_717 : i32
      %convert_element_type3A_719 = arith.extui %lt3A_718 : i1 to i32
      %cond3A_720 = arith.constant 0 : i32
      %cond3A_721 = arith.cmpi ne, %convert_element_type3A_719, %cond3A_720 : i32
      scf.if %cond3A_721 {
        %add3A_827 = arith.constant 14 : i32
        %add3A_828 = arith.addi %mul3A_471, %add3A_827 : i32
        %mul3A_829 = arith.constant 16 : i32
        %mul3A_830 = arith.muli %add3A_828, %mul3A_829 : i32
        %add3A_831 = arith.constant 0 : i32
        %add3A_832 = arith.addi %add3A_831, %mul3A_830 : i32
        %dma_start3A_833 = tpu.memref_slice %arg6[%add3A_832] : memref<20000xi32, #tpu.memory_space<vmem>> -> memref<16xi32, #tpu.memory_space<vmem>>
        %dma_start3A_834 = arith.constant 0 : i32
        %dma_start3A_835 = arith.constant 0 : i32
        %dma_start3A_836 = tpu.memref_slice %arg7[%dma_start3A_834, %dma_start3A_835] : memref<10000x128xf32, #tpu.memory_space<vmem_shared>> -> memref<10000x128xf32, #tpu.memory_space<vmem_shared>>
        tpu.enqueue_indirect_dma source(%dma_start3A_836 : memref<10000x128xf32, #tpu.memory_space<vmem_shared>>) target(%arg22 : memref<16x128xf32, #tpu.memory_space<vmem>>) offsets(%dma_start3A_833 : memref<16xi32, #tpu.memory_space<vmem>>) semaphore(%arg37 : memref<!tpu.dma_semaphore, #tpu.memory_space<semaphore_mem>>)
      } else {
      }
      %add3A_722 = arith.constant 0 : i32
      %add3A_723 = arith.addi %mul3A_471, %add3A_722 : i32
      %lt3A_724 = arith.constant 625 : i32
      %lt3A_725 = arith.cmpi slt, %add3A_723, %lt3A_724 : i32
      %convert_element_type3A_726 = arith.extui %lt3A_725 : i1 to i32
      %cond3A_727 = arith.constant 0 : i32
      %cond3A_728 = arith.cmpi ne, %convert_element_type3A_726, %cond3A_727 : i32
      scf.if %cond3A_728 {
        %add3A_827 = arith.constant 0 : i32
        %add3A_828 = arith.addi %mul3A_471, %add3A_827 : i32
        %mul3A_829 = arith.constant 16 : i32
        %mul3A_830 = arith.muli %add3A_828, %mul3A_829 : i32
        %add3A_831 = arith.constant 0 : i32
        %add3A_832 = arith.addi %add3A_831, %mul3A_830 : i32
        %dma_wait3A_833 = tpu.memref_slice %arg6[%add3A_832] : memref<20000xi32, #tpu.memory_space<vmem>> -> memref<16xi32, #tpu.memory_space<vmem>>
        %dma_wait3A_834 = arith.constant 0 : i32
        %dma_wait3A_835 = arith.constant 0 : i32
        %dma_wait3A_836 = tpu.memref_slice %arg7[%dma_wait3A_834, %dma_wait3A_835] : memref<10000x128xf32, #tpu.memory_space<vmem_shared>> -> memref<10000x128xf32, #tpu.memory_space<vmem_shared>>
        tpu.wait_indirect_dma semaphore(%arg23 : memref<!tpu.dma_semaphore, #tpu.memory_space<semaphore_mem>>) src(%dma_wait3A_836 : memref<10000x128xf32, #tpu.memory_space<vmem_shared>>) dst(%arg8 : memref<16x128xf32, #tpu.memory_space<vmem>>)
        %add3A_837 = arith.constant 0 : i32
        %add3A_838 = arith.addi %mul3A_471, %add3A_837 : i32
        %mul3A_839 = arith.constant 16 : i32
        %mul3A_840 = arith.muli %add3A_838, %mul3A_839 : i32
        %add3A_841 = arith.addi %mul3A_2, %mul3A_840 : i32
        %dma_start3A_842 = arith.constant 0 : i32
        %dma_start3A_843 = tpu.memref_slice %arg4[%add3A_841, %dma_start3A_842] : memref<320000x128xf32, #tpu.memory_space<hbm>> -> memref<16x128xf32, #tpu.memory_space<hbm>>
        %dma_start3A_844 = arith.constant 0 : i32
        %dma_start3A_845 = tpu.memref_slice %arg4[%add3A_841, %dma_start3A_844] : memref<320000x128xf32, #tpu.memory_space<hbm>> -> memref<16x128xf32, #tpu.memory_space<hbm>>
        tpu.enqueue_dma source(%arg8 : memref<16x128xf32, #tpu.memory_space<vmem>>) target(%dma_start3A_845 : memref<16x128xf32, #tpu.memory_space<hbm>>) target_semaphore(%arg38 : memref<!tpu.dma_semaphore, #tpu.memory_space<semaphore_mem>>)
      } else {
      }
      %add3A_729 = arith.constant 1 : i32
      %add3A_730 = arith.addi %mul3A_471, %add3A_729 : i32
      %lt3A_731 = arith.constant 625 : i32
      %lt3A_732 = arith.cmpi slt, %add3A_730, %lt3A_731 : i32
      %convert_element_type3A_733 = arith.extui %lt3A_732 : i1 to i32
      %cond3A_734 = arith.constant 0 : i32
      %cond3A_735 = arith.cmpi ne, %convert_element_type3A_733, %cond3A_734 : i32
      scf.if %cond3A_735 {
        %add3A_827 = arith.constant 1 : i32
        %add3A_828 = arith.addi %mul3A_471, %add3A_827 : i32
        %mul3A_829 = arith.constant 16 : i32
        %mul3A_830 = arith.muli %add3A_828, %mul3A_829 : i32
        %add3A_831 = arith.constant 0 : i32
        %add3A_832 = arith.addi %add3A_831, %mul3A_830 : i32
        %dma_wait3A_833 = tpu.memref_slice %arg6[%add3A_832] : memref<20000xi32, #tpu.memory_space<vmem>> -> memref<16xi32, #tpu.memory_space<vmem>>
        %dma_wait3A_834 = arith.constant 0 : i32
        %dma_wait3A_835 = arith.constant 0 : i32
        %dma_wait3A_836 = tpu.memref_slice %arg7[%dma_wait3A_834, %dma_wait3A_835] : memref<10000x128xf32, #tpu.memory_space<vmem_shared>> -> memref<10000x128xf32, #tpu.memory_space<vmem_shared>>
        tpu.wait_indirect_dma semaphore(%arg24 : memref<!tpu.dma_semaphore, #tpu.memory_space<semaphore_mem>>) src(%dma_wait3A_836 : memref<10000x128xf32, #tpu.memory_space<vmem_shared>>) dst(%arg9 : memref<16x128xf32, #tpu.memory_space<vmem>>)
        %add3A_837 = arith.constant 1 : i32
        %add3A_838 = arith.addi %mul3A_471, %add3A_837 : i32
        %mul3A_839 = arith.constant 16 : i32
        %mul3A_840 = arith.muli %add3A_838, %mul3A_839 : i32
        %add3A_841 = arith.addi %mul3A_2, %mul3A_840 : i32
        %dma_start3A_842 = arith.constant 0 : i32
        %dma_start3A_843 = tpu.memref_slice %arg4[%add3A_841, %dma_start3A_842] : memref<320000x128xf32, #tpu.memory_space<hbm>> -> memref<16x128xf32, #tpu.memory_space<hbm>>
        %dma_start3A_844 = arith.constant 0 : i32
        %dma_start3A_845 = tpu.memref_slice %arg4[%add3A_841, %dma_start3A_844] : memref<320000x128xf32, #tpu.memory_space<hbm>> -> memref<16x128xf32, #tpu.memory_space<hbm>>
        tpu.enqueue_dma source(%arg9 : memref<16x128xf32, #tpu.memory_space<vmem>>) target(%dma_start3A_845 : memref<16x128xf32, #tpu.memory_space<hbm>>) target_semaphore(%arg39 : memref<!tpu.dma_semaphore, #tpu.memory_space<semaphore_mem>>)
      } else {
      }
      %add3A_736 = arith.constant 2 : i32
      %add3A_737 = arith.addi %mul3A_471, %add3A_736 : i32
      %lt3A_738 = arith.constant 625 : i32
      %lt3A_739 = arith.cmpi slt, %add3A_737, %lt3A_738 : i32
      %convert_element_type3A_740 = arith.extui %lt3A_739 : i1 to i32
      %cond3A_741 = arith.constant 0 : i32
      %cond3A_742 = arith.cmpi ne, %convert_element_type3A_740, %cond3A_741 : i32
      scf.if %cond3A_742 {
        %add3A_827 = arith.constant 2 : i32
        %add3A_828 = arith.addi %mul3A_471, %add3A_827 : i32
        %mul3A_829 = arith.constant 16 : i32
        %mul3A_830 = arith.muli %add3A_828, %mul3A_829 : i32
        %add3A_831 = arith.constant 0 : i32
        %add3A_832 = arith.addi %add3A_831, %mul3A_830 : i32
        %dma_wait3A_833 = tpu.memref_slice %arg6[%add3A_832] : memref<20000xi32, #tpu.memory_space<vmem>> -> memref<16xi32, #tpu.memory_space<vmem>>
        %dma_wait3A_834 = arith.constant 0 : i32
        %dma_wait3A_835 = arith.constant 0 : i32
        %dma_wait3A_836 = tpu.memref_slice %arg7[%dma_wait3A_834, %dma_wait3A_835] : memref<10000x128xf32, #tpu.memory_space<vmem_shared>> -> memref<10000x128xf32, #tpu.memory_space<vmem_shared>>
        tpu.wait_indirect_dma semaphore(%arg25 : memref<!tpu.dma_semaphore, #tpu.memory_space<semaphore_mem>>) src(%dma_wait3A_836 : memref<10000x128xf32, #tpu.memory_space<vmem_shared>>) dst(%arg10 : memref<16x128xf32, #tpu.memory_space<vmem>>)
        %add3A_837 = arith.constant 2 : i32
        %add3A_838 = arith.addi %mul3A_471, %add3A_837 : i32
        %mul3A_839 = arith.constant 16 : i32
        %mul3A_840 = arith.muli %add3A_838, %mul3A_839 : i32
        %add3A_841 = arith.addi %mul3A_2, %mul3A_840 : i32
        %dma_start3A_842 = arith.constant 0 : i32
        %dma_start3A_843 = tpu.memref_slice %arg4[%add3A_841, %dma_start3A_842] : memref<320000x128xf32, #tpu.memory_space<hbm>> -> memref<16x128xf32, #tpu.memory_space<hbm>>
        %dma_start3A_844 = arith.constant 0 : i32
        %dma_start3A_845 = tpu.memref_slice %arg4[%add3A_841, %dma_start3A_844] : memref<320000x128xf32, #tpu.memory_space<hbm>> -> memref<16x128xf32, #tpu.memory_space<hbm>>
        tpu.enqueue_dma source(%arg10 : memref<16x128xf32, #tpu.memory_space<vmem>>) target(%dma_start3A_845 : memref<16x128xf32, #tpu.memory_space<hbm>>) target_semaphore(%arg40 : memref<!tpu.dma_semaphore, #tpu.memory_space<semaphore_mem>>)
      } else {
      }
      %add3A_743 = arith.constant 3 : i32
      %add3A_744 = arith.addi %mul3A_471, %add3A_743 : i32
      %lt3A_745 = arith.constant 625 : i32
      %lt3A_746 = arith.cmpi slt, %add3A_744, %lt3A_745 : i32
      %convert_element_type3A_747 = arith.extui %lt3A_746 : i1 to i32
      %cond3A_748 = arith.constant 0 : i32
      %cond3A_749 = arith.cmpi ne, %convert_element_type3A_747, %cond3A_748 : i32
      scf.if %cond3A_749 {
        %add3A_827 = arith.constant 3 : i32
        %add3A_828 = arith.addi %mul3A_471, %add3A_827 : i32
        %mul3A_829 = arith.constant 16 : i32
        %mul3A_830 = arith.muli %add3A_828, %mul3A_829 : i32
        %add3A_831 = arith.constant 0 : i32
        %add3A_832 = arith.addi %add3A_831, %mul3A_830 : i32
        %dma_wait3A_833 = tpu.memref_slice %arg6[%add3A_832] : memref<20000xi32, #tpu.memory_space<vmem>> -> memref<16xi32, #tpu.memory_space<vmem>>
        %dma_wait3A_834 = arith.constant 0 : i32
        %dma_wait3A_835 = arith.constant 0 : i32
        %dma_wait3A_836 = tpu.memref_slice %arg7[%dma_wait3A_834, %dma_wait3A_835] : memref<10000x128xf32, #tpu.memory_space<vmem_shared>> -> memref<10000x128xf32, #tpu.memory_space<vmem_shared>>
        tpu.wait_indirect_dma semaphore(%arg26 : memref<!tpu.dma_semaphore, #tpu.memory_space<semaphore_mem>>) src(%dma_wait3A_836 : memref<10000x128xf32, #tpu.memory_space<vmem_shared>>) dst(%arg11 : memref<16x128xf32, #tpu.memory_space<vmem>>)
        %add3A_837 = arith.constant 3 : i32
        %add3A_838 = arith.addi %mul3A_471, %add3A_837 : i32
        %mul3A_839 = arith.constant 16 : i32
        %mul3A_840 = arith.muli %add3A_838, %mul3A_839 : i32
        %add3A_841 = arith.addi %mul3A_2, %mul3A_840 : i32
        %dma_start3A_842 = arith.constant 0 : i32
        %dma_start3A_843 = tpu.memref_slice %arg4[%add3A_841, %dma_start3A_842] : memref<320000x128xf32, #tpu.memory_space<hbm>> -> memref<16x128xf32, #tpu.memory_space<hbm>>
        %dma_start3A_844 = arith.constant 0 : i32
        %dma_start3A_845 = tpu.memref_slice %arg4[%add3A_841, %dma_start3A_844] : memref<320000x128xf32, #tpu.memory_space<hbm>> -> memref<16x128xf32, #tpu.memory_space<hbm>>
        tpu.enqueue_dma source(%arg11 : memref<16x128xf32, #tpu.memory_space<vmem>>) target(%dma_start3A_845 : memref<16x128xf32, #tpu.memory_space<hbm>>) target_semaphore(%arg41 : memref<!tpu.dma_semaphore, #tpu.memory_space<semaphore_mem>>)
      } else {
      }
      %add3A_750 = arith.constant 4 : i32
      %add3A_751 = arith.addi %mul3A_471, %add3A_750 : i32
      %lt3A_752 = arith.constant 625 : i32
      %lt3A_753 = arith.cmpi slt, %add3A_751, %lt3A_752 : i32
      %convert_element_type3A_754 = arith.extui %lt3A_753 : i1 to i32
      %cond3A_755 = arith.constant 0 : i32
      %cond3A_756 = arith.cmpi ne, %convert_element_type3A_754, %cond3A_755 : i32
      scf.if %cond3A_756 {
        %add3A_827 = arith.constant 4 : i32
        %add3A_828 = arith.addi %mul3A_471, %add3A_827 : i32
        %mul3A_829 = arith.constant 16 : i32
        %mul3A_830 = arith.muli %add3A_828, %mul3A_829 : i32
        %add3A_831 = arith.constant 0 : i32
        %add3A_832 = arith.addi %add3A_831, %mul3A_830 : i32
        %dma_wait3A_833 = tpu.memref_slice %arg6[%add3A_832] : memref<20000xi32, #tpu.memory_space<vmem>> -> memref<16xi32, #tpu.memory_space<vmem>>
        %dma_wait3A_834 = arith.constant 0 : i32
        %dma_wait3A_835 = arith.constant 0 : i32
        %dma_wait3A_836 = tpu.memref_slice %arg7[%dma_wait3A_834, %dma_wait3A_835] : memref<10000x128xf32, #tpu.memory_space<vmem_shared>> -> memref<10000x128xf32, #tpu.memory_space<vmem_shared>>
        tpu.wait_indirect_dma semaphore(%arg27 : memref<!tpu.dma_semaphore, #tpu.memory_space<semaphore_mem>>) src(%dma_wait3A_836 : memref<10000x128xf32, #tpu.memory_space<vmem_shared>>) dst(%arg12 : memref<16x128xf32, #tpu.memory_space<vmem>>)
        %add3A_837 = arith.constant 4 : i32
        %add3A_838 = arith.addi %mul3A_471, %add3A_837 : i32
        %mul3A_839 = arith.constant 16 : i32
        %mul3A_840 = arith.muli %add3A_838, %mul3A_839 : i32
        %add3A_841 = arith.addi %mul3A_2, %mul3A_840 : i32
        %dma_start3A_842 = arith.constant 0 : i32
        %dma_start3A_843 = tpu.memref_slice %arg4[%add3A_841, %dma_start3A_842] : memref<320000x128xf32, #tpu.memory_space<hbm>> -> memref<16x128xf32, #tpu.memory_space<hbm>>
        %dma_start3A_844 = arith.constant 0 : i32
        %dma_start3A_845 = tpu.memref_slice %arg4[%add3A_841, %dma_start3A_844] : memref<320000x128xf32, #tpu.memory_space<hbm>> -> memref<16x128xf32, #tpu.memory_space<hbm>>
        tpu.enqueue_dma source(%arg12 : memref<16x128xf32, #tpu.memory_space<vmem>>) target(%dma_start3A_845 : memref<16x128xf32, #tpu.memory_space<hbm>>) target_semaphore(%arg42 : memref<!tpu.dma_semaphore, #tpu.memory_space<semaphore_mem>>)
      } else {
      }
      %add3A_757 = arith.constant 5 : i32
      %add3A_758 = arith.addi %mul3A_471, %add3A_757 : i32
      %lt3A_759 = arith.constant 625 : i32
      %lt3A_760 = arith.cmpi slt, %add3A_758, %lt3A_759 : i32
      %convert_element_type3A_761 = arith.extui %lt3A_760 : i1 to i32
      %cond3A_762 = arith.constant 0 : i32
      %cond3A_763 = arith.cmpi ne, %convert_element_type3A_761, %cond3A_762 : i32
      scf.if %cond3A_763 {
        %add3A_827 = arith.constant 5 : i32
        %add3A_828 = arith.addi %mul3A_471, %add3A_827 : i32
        %mul3A_829 = arith.constant 16 : i32
        %mul3A_830 = arith.muli %add3A_828, %mul3A_829 : i32
        %add3A_831 = arith.constant 0 : i32
        %add3A_832 = arith.addi %add3A_831, %mul3A_830 : i32
        %dma_wait3A_833 = tpu.memref_slice %arg6[%add3A_832] : memref<20000xi32, #tpu.memory_space<vmem>> -> memref<16xi32, #tpu.memory_space<vmem>>
        %dma_wait3A_834 = arith.constant 0 : i32
        %dma_wait3A_835 = arith.constant 0 : i32
        %dma_wait3A_836 = tpu.memref_slice %arg7[%dma_wait3A_834, %dma_wait3A_835] : memref<10000x128xf32, #tpu.memory_space<vmem_shared>> -> memref<10000x128xf32, #tpu.memory_space<vmem_shared>>
        tpu.wait_indirect_dma semaphore(%arg28 : memref<!tpu.dma_semaphore, #tpu.memory_space<semaphore_mem>>) src(%dma_wait3A_836 : memref<10000x128xf32, #tpu.memory_space<vmem_shared>>) dst(%arg13 : memref<16x128xf32, #tpu.memory_space<vmem>>)
        %add3A_837 = arith.constant 5 : i32
        %add3A_838 = arith.addi %mul3A_471, %add3A_837 : i32
        %mul3A_839 = arith.constant 16 : i32
        %mul3A_840 = arith.muli %add3A_838, %mul3A_839 : i32
        %add3A_841 = arith.addi %mul3A_2, %mul3A_840 : i32
        %dma_start3A_842 = arith.constant 0 : i32
        %dma_start3A_843 = tpu.memref_slice %arg4[%add3A_841, %dma_start3A_842] : memref<320000x128xf32, #tpu.memory_space<hbm>> -> memref<16x128xf32, #tpu.memory_space<hbm>>
        %dma_start3A_844 = arith.constant 0 : i32
        %dma_start3A_845 = tpu.memref_slice %arg4[%add3A_841, %dma_start3A_844] : memref<320000x128xf32, #tpu.memory_space<hbm>> -> memref<16x128xf32, #tpu.memory_space<hbm>>
        tpu.enqueue_dma source(%arg13 : memref<16x128xf32, #tpu.memory_space<vmem>>) target(%dma_start3A_845 : memref<16x128xf32, #tpu.memory_space<hbm>>) target_semaphore(%arg43 : memref<!tpu.dma_semaphore, #tpu.memory_space<semaphore_mem>>)
      } else {
      }
      %add3A_764 = arith.constant 6 : i32
      %add3A_765 = arith.addi %mul3A_471, %add3A_764 : i32
      %lt3A_766 = arith.constant 625 : i32
      %lt3A_767 = arith.cmpi slt, %add3A_765, %lt3A_766 : i32
      %convert_element_type3A_768 = arith.extui %lt3A_767 : i1 to i32
      %cond3A_769 = arith.constant 0 : i32
      %cond3A_770 = arith.cmpi ne, %convert_element_type3A_768, %cond3A_769 : i32
      scf.if %cond3A_770 {
        %add3A_827 = arith.constant 6 : i32
        %add3A_828 = arith.addi %mul3A_471, %add3A_827 : i32
        %mul3A_829 = arith.constant 16 : i32
        %mul3A_830 = arith.muli %add3A_828, %mul3A_829 : i32
        %add3A_831 = arith.constant 0 : i32
        %add3A_832 = arith.addi %add3A_831, %mul3A_830 : i32
        %dma_wait3A_833 = tpu.memref_slice %arg6[%add3A_832] : memref<20000xi32, #tpu.memory_space<vmem>> -> memref<16xi32, #tpu.memory_space<vmem>>
        %dma_wait3A_834 = arith.constant 0 : i32
        %dma_wait3A_835 = arith.constant 0 : i32
        %dma_wait3A_836 = tpu.memref_slice %arg7[%dma_wait3A_834, %dma_wait3A_835] : memref<10000x128xf32, #tpu.memory_space<vmem_shared>> -> memref<10000x128xf32, #tpu.memory_space<vmem_shared>>
        tpu.wait_indirect_dma semaphore(%arg29 : memref<!tpu.dma_semaphore, #tpu.memory_space<semaphore_mem>>) src(%dma_wait3A_836 : memref<10000x128xf32, #tpu.memory_space<vmem_shared>>) dst(%arg14 : memref<16x128xf32, #tpu.memory_space<vmem>>)
        %add3A_837 = arith.constant 6 : i32
        %add3A_838 = arith.addi %mul3A_471, %add3A_837 : i32
        %mul3A_839 = arith.constant 16 : i32
        %mul3A_840 = arith.muli %add3A_838, %mul3A_839 : i32
        %add3A_841 = arith.addi %mul3A_2, %mul3A_840 : i32
        %dma_start3A_842 = arith.constant 0 : i32
        %dma_start3A_843 = tpu.memref_slice %arg4[%add3A_841, %dma_start3A_842] : memref<320000x128xf32, #tpu.memory_space<hbm>> -> memref<16x128xf32, #tpu.memory_space<hbm>>
        %dma_start3A_844 = arith.constant 0 : i32
        %dma_start3A_845 = tpu.memref_slice %arg4[%add3A_841, %dma_start3A_844] : memref<320000x128xf32, #tpu.memory_space<hbm>> -> memref<16x128xf32, #tpu.memory_space<hbm>>
        tpu.enqueue_dma source(%arg14 : memref<16x128xf32, #tpu.memory_space<vmem>>) target(%dma_start3A_845 : memref<16x128xf32, #tpu.memory_space<hbm>>) target_semaphore(%arg44 : memref<!tpu.dma_semaphore, #tpu.memory_space<semaphore_mem>>)
      } else {
      }
      %add3A_771 = arith.constant 7 : i32
      %add3A_772 = arith.addi %mul3A_471, %add3A_771 : i32
      %lt3A_773 = arith.constant 625 : i32
      %lt3A_774 = arith.cmpi slt, %add3A_772, %lt3A_773 : i32
      %convert_element_type3A_775 = arith.extui %lt3A_774 : i1 to i32
      %cond3A_776 = arith.constant 0 : i32
      %cond3A_777 = arith.cmpi ne, %convert_element_type3A_775, %cond3A_776 : i32
      scf.if %cond3A_777 {
        %add3A_827 = arith.constant 7 : i32
        %add3A_828 = arith.addi %mul3A_471, %add3A_827 : i32
        %mul3A_829 = arith.constant 16 : i32
        %mul3A_830 = arith.muli %add3A_828, %mul3A_829 : i32
        %add3A_831 = arith.constant 0 : i32
        %add3A_832 = arith.addi %add3A_831, %mul3A_830 : i32
        %dma_wait3A_833 = tpu.memref_slice %arg6[%add3A_832] : memref<20000xi32, #tpu.memory_space<vmem>> -> memref<16xi32, #tpu.memory_space<vmem>>
        %dma_wait3A_834 = arith.constant 0 : i32
        %dma_wait3A_835 = arith.constant 0 : i32
        %dma_wait3A_836 = tpu.memref_slice %arg7[%dma_wait3A_834, %dma_wait3A_835] : memref<10000x128xf32, #tpu.memory_space<vmem_shared>> -> memref<10000x128xf32, #tpu.memory_space<vmem_shared>>
        tpu.wait_indirect_dma semaphore(%arg30 : memref<!tpu.dma_semaphore, #tpu.memory_space<semaphore_mem>>) src(%dma_wait3A_836 : memref<10000x128xf32, #tpu.memory_space<vmem_shared>>) dst(%arg15 : memref<16x128xf32, #tpu.memory_space<vmem>>)
        %add3A_837 = arith.constant 7 : i32
        %add3A_838 = arith.addi %mul3A_471, %add3A_837 : i32
        %mul3A_839 = arith.constant 16 : i32
        %mul3A_840 = arith.muli %add3A_838, %mul3A_839 : i32
        %add3A_841 = arith.addi %mul3A_2, %mul3A_840 : i32
        %dma_start3A_842 = arith.constant 0 : i32
        %dma_start3A_843 = tpu.memref_slice %arg4[%add3A_841, %dma_start3A_842] : memref<320000x128xf32, #tpu.memory_space<hbm>> -> memref<16x128xf32, #tpu.memory_space<hbm>>
        %dma_start3A_844 = arith.constant 0 : i32
        %dma_start3A_845 = tpu.memref_slice %arg4[%add3A_841, %dma_start3A_844] : memref<320000x128xf32, #tpu.memory_space<hbm>> -> memref<16x128xf32, #tpu.memory_space<hbm>>
        tpu.enqueue_dma source(%arg15 : memref<16x128xf32, #tpu.memory_space<vmem>>) target(%dma_start3A_845 : memref<16x128xf32, #tpu.memory_space<hbm>>) target_semaphore(%arg45 : memref<!tpu.dma_semaphore, #tpu.memory_space<semaphore_mem>>)
      } else {
      }
      %add3A_778 = arith.constant 8 : i32
      %add3A_779 = arith.addi %mul3A_471, %add3A_778 : i32
      %lt3A_780 = arith.constant 625 : i32
      %lt3A_781 = arith.cmpi slt, %add3A_779, %lt3A_780 : i32
      %convert_element_type3A_782 = arith.extui %lt3A_781 : i1 to i32
      %cond3A_783 = arith.constant 0 : i32
      %cond3A_784 = arith.cmpi ne, %convert_element_type3A_782, %cond3A_783 : i32
      scf.if %cond3A_784 {
        %add3A_827 = arith.constant 8 : i32
        %add3A_828 = arith.addi %mul3A_471, %add3A_827 : i32
        %mul3A_829 = arith.constant 16 : i32
        %mul3A_830 = arith.muli %add3A_828, %mul3A_829 : i32
        %add3A_831 = arith.constant 0 : i32
        %add3A_832 = arith.addi %add3A_831, %mul3A_830 : i32
        %dma_wait3A_833 = tpu.memref_slice %arg6[%add3A_832] : memref<20000xi32, #tpu.memory_space<vmem>> -> memref<16xi32, #tpu.memory_space<vmem>>
        %dma_wait3A_834 = arith.constant 0 : i32
        %dma_wait3A_835 = arith.constant 0 : i32
        %dma_wait3A_836 = tpu.memref_slice %arg7[%dma_wait3A_834, %dma_wait3A_835] : memref<10000x128xf32, #tpu.memory_space<vmem_shared>> -> memref<10000x128xf32, #tpu.memory_space<vmem_shared>>
        tpu.wait_indirect_dma semaphore(%arg31 : memref<!tpu.dma_semaphore, #tpu.memory_space<semaphore_mem>>) src(%dma_wait3A_836 : memref<10000x128xf32, #tpu.memory_space<vmem_shared>>) dst(%arg16 : memref<16x128xf32, #tpu.memory_space<vmem>>)
        %add3A_837 = arith.constant 8 : i32
        %add3A_838 = arith.addi %mul3A_471, %add3A_837 : i32
        %mul3A_839 = arith.constant 16 : i32
        %mul3A_840 = arith.muli %add3A_838, %mul3A_839 : i32
        %add3A_841 = arith.addi %mul3A_2, %mul3A_840 : i32
        %dma_start3A_842 = arith.constant 0 : i32
        %dma_start3A_843 = tpu.memref_slice %arg4[%add3A_841, %dma_start3A_842] : memref<320000x128xf32, #tpu.memory_space<hbm>> -> memref<16x128xf32, #tpu.memory_space<hbm>>
        %dma_start3A_844 = arith.constant 0 : i32
        %dma_start3A_845 = tpu.memref_slice %arg4[%add3A_841, %dma_start3A_844] : memref<320000x128xf32, #tpu.memory_space<hbm>> -> memref<16x128xf32, #tpu.memory_space<hbm>>
        tpu.enqueue_dma source(%arg16 : memref<16x128xf32, #tpu.memory_space<vmem>>) target(%dma_start3A_845 : memref<16x128xf32, #tpu.memory_space<hbm>>) target_semaphore(%arg46 : memref<!tpu.dma_semaphore, #tpu.memory_space<semaphore_mem>>)
      } else {
      }
      %add3A_785 = arith.constant 9 : i32
      %add3A_786 = arith.addi %mul3A_471, %add3A_785 : i32
      %lt3A_787 = arith.constant 625 : i32
      %lt3A_788 = arith.cmpi slt, %add3A_786, %lt3A_787 : i32
      %convert_element_type3A_789 = arith.extui %lt3A_788 : i1 to i32
      %cond3A_790 = arith.constant 0 : i32
      %cond3A_791 = arith.cmpi ne, %convert_element_type3A_789, %cond3A_790 : i32
      scf.if %cond3A_791 {
        %add3A_827 = arith.constant 9 : i32
        %add3A_828 = arith.addi %mul3A_471, %add3A_827 : i32
        %mul3A_829 = arith.constant 16 : i32
        %mul3A_830 = arith.muli %add3A_828, %mul3A_829 : i32
        %add3A_831 = arith.constant 0 : i32
        %add3A_832 = arith.addi %add3A_831, %mul3A_830 : i32
        %dma_wait3A_833 = tpu.memref_slice %arg6[%add3A_832] : memref<20000xi32, #tpu.memory_space<vmem>> -> memref<16xi32, #tpu.memory_space<vmem>>
        %dma_wait3A_834 = arith.constant 0 : i32
        %dma_wait3A_835 = arith.constant 0 : i32
        %dma_wait3A_836 = tpu.memref_slice %arg7[%dma_wait3A_834, %dma_wait3A_835] : memref<10000x128xf32, #tpu.memory_space<vmem_shared>> -> memref<10000x128xf32, #tpu.memory_space<vmem_shared>>
        tpu.wait_indirect_dma semaphore(%arg32 : memref<!tpu.dma_semaphore, #tpu.memory_space<semaphore_mem>>) src(%dma_wait3A_836 : memref<10000x128xf32, #tpu.memory_space<vmem_shared>>) dst(%arg17 : memref<16x128xf32, #tpu.memory_space<vmem>>)
        %add3A_837 = arith.constant 9 : i32
        %add3A_838 = arith.addi %mul3A_471, %add3A_837 : i32
        %mul3A_839 = arith.constant 16 : i32
        %mul3A_840 = arith.muli %add3A_838, %mul3A_839 : i32
        %add3A_841 = arith.addi %mul3A_2, %mul3A_840 : i32
        %dma_start3A_842 = arith.constant 0 : i32
        %dma_start3A_843 = tpu.memref_slice %arg4[%add3A_841, %dma_start3A_842] : memref<320000x128xf32, #tpu.memory_space<hbm>> -> memref<16x128xf32, #tpu.memory_space<hbm>>
        %dma_start3A_844 = arith.constant 0 : i32
        %dma_start3A_845 = tpu.memref_slice %arg4[%add3A_841, %dma_start3A_844] : memref<320000x128xf32, #tpu.memory_space<hbm>> -> memref<16x128xf32, #tpu.memory_space<hbm>>
        tpu.enqueue_dma source(%arg17 : memref<16x128xf32, #tpu.memory_space<vmem>>) target(%dma_start3A_845 : memref<16x128xf32, #tpu.memory_space<hbm>>) target_semaphore(%arg47 : memref<!tpu.dma_semaphore, #tpu.memory_space<semaphore_mem>>)
      } else {
      }
      %add3A_792 = arith.constant 10 : i32
      %add3A_793 = arith.addi %mul3A_471, %add3A_792 : i32
      %lt3A_794 = arith.constant 625 : i32
      %lt3A_795 = arith.cmpi slt, %add3A_793, %lt3A_794 : i32
      %convert_element_type3A_796 = arith.extui %lt3A_795 : i1 to i32
      %cond3A_797 = arith.constant 0 : i32
      %cond3A_798 = arith.cmpi ne, %convert_element_type3A_796, %cond3A_797 : i32
      scf.if %cond3A_798 {
        %add3A_827 = arith.constant 10 : i32
        %add3A_828 = arith.addi %mul3A_471, %add3A_827 : i32
        %mul3A_829 = arith.constant 16 : i32
        %mul3A_830 = arith.muli %add3A_828, %mul3A_829 : i32
        %add3A_831 = arith.constant 0 : i32
        %add3A_832 = arith.addi %add3A_831, %mul3A_830 : i32
        %dma_wait3A_833 = tpu.memref_slice %arg6[%add3A_832] : memref<20000xi32, #tpu.memory_space<vmem>> -> memref<16xi32, #tpu.memory_space<vmem>>
        %dma_wait3A_834 = arith.constant 0 : i32
        %dma_wait3A_835 = arith.constant 0 : i32
        %dma_wait3A_836 = tpu.memref_slice %arg7[%dma_wait3A_834, %dma_wait3A_835] : memref<10000x128xf32, #tpu.memory_space<vmem_shared>> -> memref<10000x128xf32, #tpu.memory_space<vmem_shared>>
        tpu.wait_indirect_dma semaphore(%arg33 : memref<!tpu.dma_semaphore, #tpu.memory_space<semaphore_mem>>) src(%dma_wait3A_836 : memref<10000x128xf32, #tpu.memory_space<vmem_shared>>) dst(%arg18 : memref<16x128xf32, #tpu.memory_space<vmem>>)
        %add3A_837 = arith.constant 10 : i32
        %add3A_838 = arith.addi %mul3A_471, %add3A_837 : i32
        %mul3A_839 = arith.constant 16 : i32
        %mul3A_840 = arith.muli %add3A_838, %mul3A_839 : i32
        %add3A_841 = arith.addi %mul3A_2, %mul3A_840 : i32
        %dma_start3A_842 = arith.constant 0 : i32
        %dma_start3A_843 = tpu.memref_slice %arg4[%add3A_841, %dma_start3A_842] : memref<320000x128xf32, #tpu.memory_space<hbm>> -> memref<16x128xf32, #tpu.memory_space<hbm>>
        %dma_start3A_844 = arith.constant 0 : i32
        %dma_start3A_845 = tpu.memref_slice %arg4[%add3A_841, %dma_start3A_844] : memref<320000x128xf32, #tpu.memory_space<hbm>> -> memref<16x128xf32, #tpu.memory_space<hbm>>
        tpu.enqueue_dma source(%arg18 : memref<16x128xf32, #tpu.memory_space<vmem>>) target(%dma_start3A_845 : memref<16x128xf32, #tpu.memory_space<hbm>>) target_semaphore(%arg48 : memref<!tpu.dma_semaphore, #tpu.memory_space<semaphore_mem>>)
      } else {
      }
      %add3A_799 = arith.constant 11 : i32
      %add3A_800 = arith.addi %mul3A_471, %add3A_799 : i32
      %lt3A_801 = arith.constant 625 : i32
      %lt3A_802 = arith.cmpi slt, %add3A_800, %lt3A_801 : i32
      %convert_element_type3A_803 = arith.extui %lt3A_802 : i1 to i32
      %cond3A_804 = arith.constant 0 : i32
      %cond3A_805 = arith.cmpi ne, %convert_element_type3A_803, %cond3A_804 : i32
      scf.if %cond3A_805 {
        %add3A_827 = arith.constant 11 : i32
        %add3A_828 = arith.addi %mul3A_471, %add3A_827 : i32
        %mul3A_829 = arith.constant 16 : i32
        %mul3A_830 = arith.muli %add3A_828, %mul3A_829 : i32
        %add3A_831 = arith.constant 0 : i32
        %add3A_832 = arith.addi %add3A_831, %mul3A_830 : i32
        %dma_wait3A_833 = tpu.memref_slice %arg6[%add3A_832] : memref<20000xi32, #tpu.memory_space<vmem>> -> memref<16xi32, #tpu.memory_space<vmem>>
        %dma_wait3A_834 = arith.constant 0 : i32
        %dma_wait3A_835 = arith.constant 0 : i32
        %dma_wait3A_836 = tpu.memref_slice %arg7[%dma_wait3A_834, %dma_wait3A_835] : memref<10000x128xf32, #tpu.memory_space<vmem_shared>> -> memref<10000x128xf32, #tpu.memory_space<vmem_shared>>
        tpu.wait_indirect_dma semaphore(%arg34 : memref<!tpu.dma_semaphore, #tpu.memory_space<semaphore_mem>>) src(%dma_wait3A_836 : memref<10000x128xf32, #tpu.memory_space<vmem_shared>>) dst(%arg19 : memref<16x128xf32, #tpu.memory_space<vmem>>)
        %add3A_837 = arith.constant 11 : i32
        %add3A_838 = arith.addi %mul3A_471, %add3A_837 : i32
        %mul3A_839 = arith.constant 16 : i32
        %mul3A_840 = arith.muli %add3A_838, %mul3A_839 : i32
        %add3A_841 = arith.addi %mul3A_2, %mul3A_840 : i32
        %dma_start3A_842 = arith.constant 0 : i32
        %dma_start3A_843 = tpu.memref_slice %arg4[%add3A_841, %dma_start3A_842] : memref<320000x128xf32, #tpu.memory_space<hbm>> -> memref<16x128xf32, #tpu.memory_space<hbm>>
        %dma_start3A_844 = arith.constant 0 : i32
        %dma_start3A_845 = tpu.memref_slice %arg4[%add3A_841, %dma_start3A_844] : memref<320000x128xf32, #tpu.memory_space<hbm>> -> memref<16x128xf32, #tpu.memory_space<hbm>>
        tpu.enqueue_dma source(%arg19 : memref<16x128xf32, #tpu.memory_space<vmem>>) target(%dma_start3A_845 : memref<16x128xf32, #tpu.memory_space<hbm>>) target_semaphore(%arg49 : memref<!tpu.dma_semaphore, #tpu.memory_space<semaphore_mem>>)
      } else {
      }
      %add3A_806 = arith.constant 12 : i32
      %add3A_807 = arith.addi %mul3A_471, %add3A_806 : i32
      %lt3A_808 = arith.constant 625 : i32
      %lt3A_809 = arith.cmpi slt, %add3A_807, %lt3A_808 : i32
      %convert_element_type3A_810 = arith.extui %lt3A_809 : i1 to i32
      %cond3A_811 = arith.constant 0 : i32
      %cond3A_812 = arith.cmpi ne, %convert_element_type3A_810, %cond3A_811 : i32
      scf.if %cond3A_812 {
        %add3A_827 = arith.constant 12 : i32
        %add3A_828 = arith.addi %mul3A_471, %add3A_827 : i32
        %mul3A_829 = arith.constant 16 : i32
        %mul3A_830 = arith.muli %add3A_828, %mul3A_829 : i32
        %add3A_831 = arith.constant 0 : i32
        %add3A_832 = arith.addi %add3A_831, %mul3A_830 : i32
        %dma_wait3A_833 = tpu.memref_slice %arg6[%add3A_832] : memref<20000xi32, #tpu.memory_space<vmem>> -> memref<16xi32, #tpu.memory_space<vmem>>
        %dma_wait3A_834 = arith.constant 0 : i32
        %dma_wait3A_835 = arith.constant 0 : i32
        %dma_wait3A_836 = tpu.memref_slice %arg7[%dma_wait3A_834, %dma_wait3A_835] : memref<10000x128xf32, #tpu.memory_space<vmem_shared>> -> memref<10000x128xf32, #tpu.memory_space<vmem_shared>>
        tpu.wait_indirect_dma semaphore(%arg35 : memref<!tpu.dma_semaphore, #tpu.memory_space<semaphore_mem>>) src(%dma_wait3A_836 : memref<10000x128xf32, #tpu.memory_space<vmem_shared>>) dst(%arg20 : memref<16x128xf32, #tpu.memory_space<vmem>>)
        %add3A_837 = arith.constant 12 : i32
        %add3A_838 = arith.addi %mul3A_471, %add3A_837 : i32
        %mul3A_839 = arith.constant 16 : i32
        %mul3A_840 = arith.muli %add3A_838, %mul3A_839 : i32
        %add3A_841 = arith.addi %mul3A_2, %mul3A_840 : i32
        %dma_start3A_842 = arith.constant 0 : i32
        %dma_start3A_843 = tpu.memref_slice %arg4[%add3A_841, %dma_start3A_842] : memref<320000x128xf32, #tpu.memory_space<hbm>> -> memref<16x128xf32, #tpu.memory_space<hbm>>
        %dma_start3A_844 = arith.constant 0 : i32
        %dma_start3A_845 = tpu.memref_slice %arg4[%add3A_841, %dma_start3A_844] : memref<320000x128xf32, #tpu.memory_space<hbm>> -> memref<16x128xf32, #tpu.memory_space<hbm>>
        tpu.enqueue_dma source(%arg20 : memref<16x128xf32, #tpu.memory_space<vmem>>) target(%dma_start3A_845 : memref<16x128xf32, #tpu.memory_space<hbm>>) target_semaphore(%arg50 : memref<!tpu.dma_semaphore, #tpu.memory_space<semaphore_mem>>)
      } else {
      }
      %add3A_813 = arith.constant 13 : i32
      %add3A_814 = arith.addi %mul3A_471, %add3A_813 : i32
      %lt3A_815 = arith.constant 625 : i32
      %lt3A_816 = arith.cmpi slt, %add3A_814, %lt3A_815 : i32
      %convert_element_type3A_817 = arith.extui %lt3A_816 : i1 to i32
      %cond3A_818 = arith.constant 0 : i32
      %cond3A_819 = arith.cmpi ne, %convert_element_type3A_817, %cond3A_818 : i32
      scf.if %cond3A_819 {
        %add3A_827 = arith.constant 13 : i32
        %add3A_828 = arith.addi %mul3A_471, %add3A_827 : i32
        %mul3A_829 = arith.constant 16 : i32
        %mul3A_830 = arith.muli %add3A_828, %mul3A_829 : i32
        %add3A_831 = arith.constant 0 : i32
        %add3A_832 = arith.addi %add3A_831, %mul3A_830 : i32
        %dma_wait3A_833 = tpu.memref_slice %arg6[%add3A_832] : memref<20000xi32, #tpu.memory_space<vmem>> -> memref<16xi32, #tpu.memory_space<vmem>>
        %dma_wait3A_834 = arith.constant 0 : i32
        %dma_wait3A_835 = arith.constant 0 : i32
        %dma_wait3A_836 = tpu.memref_slice %arg7[%dma_wait3A_834, %dma_wait3A_835] : memref<10000x128xf32, #tpu.memory_space<vmem_shared>> -> memref<10000x128xf32, #tpu.memory_space<vmem_shared>>
        tpu.wait_indirect_dma semaphore(%arg36 : memref<!tpu.dma_semaphore, #tpu.memory_space<semaphore_mem>>) src(%dma_wait3A_836 : memref<10000x128xf32, #tpu.memory_space<vmem_shared>>) dst(%arg21 : memref<16x128xf32, #tpu.memory_space<vmem>>)
        %add3A_837 = arith.constant 13 : i32
        %add3A_838 = arith.addi %mul3A_471, %add3A_837 : i32
        %mul3A_839 = arith.constant 16 : i32
        %mul3A_840 = arith.muli %add3A_838, %mul3A_839 : i32
        %add3A_841 = arith.addi %mul3A_2, %mul3A_840 : i32
        %dma_start3A_842 = arith.constant 0 : i32
        %dma_start3A_843 = tpu.memref_slice %arg4[%add3A_841, %dma_start3A_842] : memref<320000x128xf32, #tpu.memory_space<hbm>> -> memref<16x128xf32, #tpu.memory_space<hbm>>
        %dma_start3A_844 = arith.constant 0 : i32
        %dma_start3A_845 = tpu.memref_slice %arg4[%add3A_841, %dma_start3A_844] : memref<320000x128xf32, #tpu.memory_space<hbm>> -> memref<16x128xf32, #tpu.memory_space<hbm>>
        tpu.enqueue_dma source(%arg21 : memref<16x128xf32, #tpu.memory_space<vmem>>) target(%dma_start3A_845 : memref<16x128xf32, #tpu.memory_space<hbm>>) target_semaphore(%arg51 : memref<!tpu.dma_semaphore, #tpu.memory_space<semaphore_mem>>)
      } else {
      }
      %add3A_820 = arith.constant 14 : i32
      %add3A_821 = arith.addi %mul3A_471, %add3A_820 : i32
      %lt3A_822 = arith.constant 625 : i32
      %lt3A_823 = arith.cmpi slt, %add3A_821, %lt3A_822 : i32
      %convert_element_type3A_824 = arith.extui %lt3A_823 : i1 to i32
      %cond3A_825 = arith.constant 0 : i32
      %cond3A_826 = arith.cmpi ne, %convert_element_type3A_824, %cond3A_825 : i32
      scf.if %cond3A_826 {
        %add3A_827 = arith.constant 14 : i32
        %add3A_828 = arith.addi %mul3A_471, %add3A_827 : i32
        %mul3A_829 = arith.constant 16 : i32
        %mul3A_830 = arith.muli %add3A_828, %mul3A_829 : i32
        %add3A_831 = arith.constant 0 : i32
        %add3A_832 = arith.addi %add3A_831, %mul3A_830 : i32
        %dma_wait3A_833 = tpu.memref_slice %arg6[%add3A_832] : memref<20000xi32, #tpu.memory_space<vmem>> -> memref<16xi32, #tpu.memory_space<vmem>>
        %dma_wait3A_834 = arith.constant 0 : i32
        %dma_wait3A_835 = arith.constant 0 : i32
        %dma_wait3A_836 = tpu.memref_slice %arg7[%dma_wait3A_834, %dma_wait3A_835] : memref<10000x128xf32, #tpu.memory_space<vmem_shared>> -> memref<10000x128xf32, #tpu.memory_space<vmem_shared>>
        tpu.wait_indirect_dma semaphore(%arg37 : memref<!tpu.dma_semaphore, #tpu.memory_space<semaphore_mem>>) src(%dma_wait3A_836 : memref<10000x128xf32, #tpu.memory_space<vmem_shared>>) dst(%arg22 : memref<16x128xf32, #tpu.memory_space<vmem>>)
        %add3A_837 = arith.constant 14 : i32
        %add3A_838 = arith.addi %mul3A_471, %add3A_837 : i32
        %mul3A_839 = arith.constant 16 : i32
        %mul3A_840 = arith.muli %add3A_838, %mul3A_839 : i32
        %add3A_841 = arith.addi %mul3A_2, %mul3A_840 : i32
        %dma_start3A_842 = arith.constant 0 : i32
        %dma_start3A_843 = tpu.memref_slice %arg4[%add3A_841, %dma_start3A_842] : memref<320000x128xf32, #tpu.memory_space<hbm>> -> memref<16x128xf32, #tpu.memory_space<hbm>>
        %dma_start3A_844 = arith.constant 0 : i32
        %dma_start3A_845 = tpu.memref_slice %arg4[%add3A_841, %dma_start3A_844] : memref<320000x128xf32, #tpu.memory_space<hbm>> -> memref<16x128xf32, #tpu.memory_space<hbm>>
        tpu.enqueue_dma source(%arg22 : memref<16x128xf32, #tpu.memory_space<vmem>>) target(%dma_start3A_845 : memref<16x128xf32, #tpu.memory_space<hbm>>) target_semaphore(%arg52 : memref<!tpu.dma_semaphore, #tpu.memory_space<semaphore_mem>>)
      } else {
      }
    }
    %scan3A_282 = arith.constant 41 : i32
    %add3A_283 = arith.constant 9840 : i32
    %add3A_284 = arith.addi %mul3A_2, %add3A_283 : i32
    %dma_wait3A_285 = arith.constant 0 : i32
    %dma_wait3A_286 = tpu.memref_slice %arg4[%add3A_284, %dma_wait3A_285] : memref<320000x128xf32, #tpu.memory_space<hbm>> -> memref<16x128xf32, #tpu.memory_space<hbm>>
    %dma_wait3A_287 = arith.constant 0 : i32
    %dma_wait3A_288 = tpu.memref_slice %arg4[%add3A_284, %dma_wait3A_287] : memref<320000x128xf32, #tpu.memory_space<hbm>> -> memref<16x128xf32, #tpu.memory_space<hbm>>
    tpu.wait_dma2 semaphore(%arg38 : memref<!tpu.dma_semaphore, #tpu.memory_space<semaphore_mem>>) src(%arg8 : memref<16x128xf32, #tpu.memory_space<vmem>>) dst(%dma_wait3A_288 : memref<16x128xf32, #tpu.memory_space<hbm>>)
    %add3A_289 = arith.constant 9856 : i32
    %add3A_290 = arith.addi %mul3A_2, %add3A_289 : i32
    %dma_wait3A_291 = arith.constant 0 : i32
    %dma_wait3A_292 = tpu.memref_slice %arg4[%add3A_290, %dma_wait3A_291] : memref<320000x128xf32, #tpu.memory_space<hbm>> -> memref<16x128xf32, #tpu.memory_space<hbm>>
    %dma_wait3A_293 = arith.constant 0 : i32
    %dma_wait3A_294 = tpu.memref_slice %arg4[%add3A_290, %dma_wait3A_293] : memref<320000x128xf32, #tpu.memory_space<hbm>> -> memref<16x128xf32, #tpu.memory_space<hbm>>
    tpu.wait_dma2 semaphore(%arg39 : memref<!tpu.dma_semaphore, #tpu.memory_space<semaphore_mem>>) src(%arg9 : memref<16x128xf32, #tpu.memory_space<vmem>>) dst(%dma_wait3A_294 : memref<16x128xf32, #tpu.memory_space<hbm>>)
    %add3A_295 = arith.constant 9872 : i32
    %add3A_296 = arith.addi %mul3A_2, %add3A_295 : i32
    %dma_wait3A_297 = arith.constant 0 : i32
    %dma_wait3A_298 = tpu.memref_slice %arg4[%add3A_296, %dma_wait3A_297] : memref<320000x128xf32, #tpu.memory_space<hbm>> -> memref<16x128xf32, #tpu.memory_space<hbm>>
    %dma_wait3A_299 = arith.constant 0 : i32
    %dma_wait3A_300 = tpu.memref_slice %arg4[%add3A_296, %dma_wait3A_299] : memref<320000x128xf32, #tpu.memory_space<hbm>> -> memref<16x128xf32, #tpu.memory_space<hbm>>
    tpu.wait_dma2 semaphore(%arg40 : memref<!tpu.dma_semaphore, #tpu.memory_space<semaphore_mem>>) src(%arg10 : memref<16x128xf32, #tpu.memory_space<vmem>>) dst(%dma_wait3A_300 : memref<16x128xf32, #tpu.memory_space<hbm>>)
    %add3A_301 = arith.constant 9888 : i32
    %add3A_302 = arith.addi %mul3A_2, %add3A_301 : i32
    %dma_wait3A_303 = arith.constant 0 : i32
    %dma_wait3A_304 = tpu.memref_slice %arg4[%add3A_302, %dma_wait3A_303] : memref<320000x128xf32, #tpu.memory_space<hbm>> -> memref<16x128xf32, #tpu.memory_space<hbm>>
    %dma_wait3A_305 = arith.constant 0 : i32
    %dma_wait3A_306 = tpu.memref_slice %arg4[%add3A_302, %dma_wait3A_305] : memref<320000x128xf32, #tpu.memory_space<hbm>> -> memref<16x128xf32, #tpu.memory_space<hbm>>
    tpu.wait_dma2 semaphore(%arg41 : memref<!tpu.dma_semaphore, #tpu.memory_space<semaphore_mem>>) src(%arg11 : memref<16x128xf32, #tpu.memory_space<vmem>>) dst(%dma_wait3A_306 : memref<16x128xf32, #tpu.memory_space<hbm>>)
    %add3A_307 = arith.constant 9904 : i32
    %add3A_308 = arith.addi %mul3A_2, %add3A_307 : i32
    %dma_wait3A_309 = arith.constant 0 : i32
    %dma_wait3A_310 = tpu.memref_slice %arg4[%add3A_308, %dma_wait3A_309] : memref<320000x128xf32, #tpu.memory_space<hbm>> -> memref<16x128xf32, #tpu.memory_space<hbm>>
    %dma_wait3A_311 = arith.constant 0 : i32
    %dma_wait3A_312 = tpu.memref_slice %arg4[%add3A_308, %dma_wait3A_311] : memref<320000x128xf32, #tpu.memory_space<hbm>> -> memref<16x128xf32, #tpu.memory_space<hbm>>
    tpu.wait_dma2 semaphore(%arg42 : memref<!tpu.dma_semaphore, #tpu.memory_space<semaphore_mem>>) src(%arg12 : memref<16x128xf32, #tpu.memory_space<vmem>>) dst(%dma_wait3A_312 : memref<16x128xf32, #tpu.memory_space<hbm>>)
    %add3A_313 = arith.constant 9920 : i32
    %add3A_314 = arith.addi %mul3A_2, %add3A_313 : i32
    %dma_wait3A_315 = arith.constant 0 : i32
    %dma_wait3A_316 = tpu.memref_slice %arg4[%add3A_314, %dma_wait3A_315] : memref<320000x128xf32, #tpu.memory_space<hbm>> -> memref<16x128xf32, #tpu.memory_space<hbm>>
    %dma_wait3A_317 = arith.constant 0 : i32
    %dma_wait3A_318 = tpu.memref_slice %arg4[%add3A_314, %dma_wait3A_317] : memref<320000x128xf32, #tpu.memory_space<hbm>> -> memref<16x128xf32, #tpu.memory_space<hbm>>
    tpu.wait_dma2 semaphore(%arg43 : memref<!tpu.dma_semaphore, #tpu.memory_space<semaphore_mem>>) src(%arg13 : memref<16x128xf32, #tpu.memory_space<vmem>>) dst(%dma_wait3A_318 : memref<16x128xf32, #tpu.memory_space<hbm>>)
    %add3A_319 = arith.constant 9936 : i32
    %add3A_320 = arith.addi %mul3A_2, %add3A_319 : i32
    %dma_wait3A_321 = arith.constant 0 : i32
    %dma_wait3A_322 = tpu.memref_slice %arg4[%add3A_320, %dma_wait3A_321] : memref<320000x128xf32, #tpu.memory_space<hbm>> -> memref<16x128xf32, #tpu.memory_space<hbm>>
    %dma_wait3A_323 = arith.constant 0 : i32
    %dma_wait3A_324 = tpu.memref_slice %arg4[%add3A_320, %dma_wait3A_323] : memref<320000x128xf32, #tpu.memory_space<hbm>> -> memref<16x128xf32, #tpu.memory_space<hbm>>
    tpu.wait_dma2 semaphore(%arg44 : memref<!tpu.dma_semaphore, #tpu.memory_space<semaphore_mem>>) src(%arg14 : memref<16x128xf32, #tpu.memory_space<vmem>>) dst(%dma_wait3A_324 : memref<16x128xf32, #tpu.memory_space<hbm>>)
    %add3A_325 = arith.constant 9952 : i32
    %add3A_326 = arith.addi %mul3A_2, %add3A_325 : i32
    %dma_wait3A_327 = arith.constant 0 : i32
    %dma_wait3A_328 = tpu.memref_slice %arg4[%add3A_326, %dma_wait3A_327] : memref<320000x128xf32, #tpu.memory_space<hbm>> -> memref<16x128xf32, #tpu.memory_space<hbm>>
    %dma_wait3A_329 = arith.constant 0 : i32
    %dma_wait3A_330 = tpu.memref_slice %arg4[%add3A_326, %dma_wait3A_329] : memref<320000x128xf32, #tpu.memory_space<hbm>> -> memref<16x128xf32, #tpu.memory_space<hbm>>
    tpu.wait_dma2 semaphore(%arg45 : memref<!tpu.dma_semaphore, #tpu.memory_space<semaphore_mem>>) src(%arg15 : memref<16x128xf32, #tpu.memory_space<vmem>>) dst(%dma_wait3A_330 : memref<16x128xf32, #tpu.memory_space<hbm>>)
    %add3A_331 = arith.constant 9968 : i32
    %add3A_332 = arith.addi %mul3A_2, %add3A_331 : i32
    %dma_wait3A_333 = arith.constant 0 : i32
    %dma_wait3A_334 = tpu.memref_slice %arg4[%add3A_332, %dma_wait3A_333] : memref<320000x128xf32, #tpu.memory_space<hbm>> -> memref<16x128xf32, #tpu.memory_space<hbm>>
    %dma_wait3A_335 = arith.constant 0 : i32
    %dma_wait3A_336 = tpu.memref_slice %arg4[%add3A_332, %dma_wait3A_335] : memref<320000x128xf32, #tpu.memory_space<hbm>> -> memref<16x128xf32, #tpu.memory_space<hbm>>
    tpu.wait_dma2 semaphore(%arg46 : memref<!tpu.dma_semaphore, #tpu.memory_space<semaphore_mem>>) src(%arg16 : memref<16x128xf32, #tpu.memory_space<vmem>>) dst(%dma_wait3A_336 : memref<16x128xf32, #tpu.memory_space<hbm>>)
    %add3A_337 = arith.constant 9984 : i32
    %add3A_338 = arith.addi %mul3A_2, %add3A_337 : i32
    %dma_wait3A_339 = arith.constant 0 : i32
    %dma_wait3A_340 = tpu.memref_slice %arg4[%add3A_338, %dma_wait3A_339] : memref<320000x128xf32, #tpu.memory_space<hbm>> -> memref<16x128xf32, #tpu.memory_space<hbm>>
    %dma_wait3A_341 = arith.constant 0 : i32
    %dma_wait3A_342 = tpu.memref_slice %arg4[%add3A_338, %dma_wait3A_341] : memref<320000x128xf32, #tpu.memory_space<hbm>> -> memref<16x128xf32, #tpu.memory_space<hbm>>
    tpu.wait_dma2 semaphore(%arg47 : memref<!tpu.dma_semaphore, #tpu.memory_space<semaphore_mem>>) src(%arg17 : memref<16x128xf32, #tpu.memory_space<vmem>>) dst(%dma_wait3A_342 : memref<16x128xf32, #tpu.memory_space<hbm>>)
    %add3A_343 = arith.constant 9760 : i32
    %add3A_344 = arith.addi %mul3A_2, %add3A_343 : i32
    %dma_wait3A_345 = arith.constant 0 : i32
    %dma_wait3A_346 = tpu.memref_slice %arg4[%add3A_344, %dma_wait3A_345] : memref<320000x128xf32, #tpu.memory_space<hbm>> -> memref<16x128xf32, #tpu.memory_space<hbm>>
    %dma_wait3A_347 = arith.constant 0 : i32
    %dma_wait3A_348 = tpu.memref_slice %arg4[%add3A_344, %dma_wait3A_347] : memref<320000x128xf32, #tpu.memory_space<hbm>> -> memref<16x128xf32, #tpu.memory_space<hbm>>
    tpu.wait_dma2 semaphore(%arg48 : memref<!tpu.dma_semaphore, #tpu.memory_space<semaphore_mem>>) src(%arg18 : memref<16x128xf32, #tpu.memory_space<vmem>>) dst(%dma_wait3A_348 : memref<16x128xf32, #tpu.memory_space<hbm>>)
    %add3A_349 = arith.constant 9776 : i32
    %add3A_350 = arith.addi %mul3A_2, %add3A_349 : i32
    %dma_wait3A_351 = arith.constant 0 : i32
    %dma_wait3A_352 = tpu.memref_slice %arg4[%add3A_350, %dma_wait3A_351] : memref<320000x128xf32, #tpu.memory_space<hbm>> -> memref<16x128xf32, #tpu.memory_space<hbm>>
    %dma_wait3A_353 = arith.constant 0 : i32
    %dma_wait3A_354 = tpu.memref_slice %arg4[%add3A_350, %dma_wait3A_353] : memref<320000x128xf32, #tpu.memory_space<hbm>> -> memref<16x128xf32, #tpu.memory_space<hbm>>
    tpu.wait_dma2 semaphore(%arg49 : memref<!tpu.dma_semaphore, #tpu.memory_space<semaphore_mem>>) src(%arg19 : memref<16x128xf32, #tpu.memory_space<vmem>>) dst(%dma_wait3A_354 : memref<16x128xf32, #tpu.memory_space<hbm>>)
    %add3A_355 = arith.constant 9792 : i32
    %add3A_356 = arith.addi %mul3A_2, %add3A_355 : i32
    %dma_wait3A_357 = arith.constant 0 : i32
    %dma_wait3A_358 = tpu.memref_slice %arg4[%add3A_356, %dma_wait3A_357] : memref<320000x128xf32, #tpu.memory_space<hbm>> -> memref<16x128xf32, #tpu.memory_space<hbm>>
    %dma_wait3A_359 = arith.constant 0 : i32
    %dma_wait3A_360 = tpu.memref_slice %arg4[%add3A_356, %dma_wait3A_359] : memref<320000x128xf32, #tpu.memory_space<hbm>> -> memref<16x128xf32, #tpu.memory_space<hbm>>
    tpu.wait_dma2 semaphore(%arg50 : memref<!tpu.dma_semaphore, #tpu.memory_space<semaphore_mem>>) src(%arg20 : memref<16x128xf32, #tpu.memory_space<vmem>>) dst(%dma_wait3A_360 : memref<16x128xf32, #tpu.memory_space<hbm>>)
    %add3A_361 = arith.constant 9808 : i32
    %add3A_362 = arith.addi %mul3A_2, %add3A_361 : i32
    %dma_wait3A_363 = arith.constant 0 : i32
    %dma_wait3A_364 = tpu.memref_slice %arg4[%add3A_362, %dma_wait3A_363] : memref<320000x128xf32, #tpu.memory_space<hbm>> -> memref<16x128xf32, #tpu.memory_space<hbm>>
    %dma_wait3A_365 = arith.constant 0 : i32
    %dma_wait3A_366 = tpu.memref_slice %arg4[%add3A_362, %dma_wait3A_365] : memref<320000x128xf32, #tpu.memory_space<hbm>> -> memref<16x128xf32, #tpu.memory_space<hbm>>
    tpu.wait_dma2 semaphore(%arg51 : memref<!tpu.dma_semaphore, #tpu.memory_space<semaphore_mem>>) src(%arg21 : memref<16x128xf32, #tpu.memory_space<vmem>>) dst(%dma_wait3A_366 : memref<16x128xf32, #tpu.memory_space<hbm>>)
    %add3A_367 = arith.constant 9824 : i32
    %add3A_368 = arith.addi %mul3A_2, %add3A_367 : i32
    %dma_wait3A_369 = arith.constant 0 : i32
    %dma_wait3A_370 = tpu.memref_slice %arg4[%add3A_368, %dma_wait3A_369] : memref<320000x128xf32, #tpu.memory_space<hbm>> -> memref<16x128xf32, #tpu.memory_space<hbm>>
    %dma_wait3A_371 = arith.constant 0 : i32
    %dma_wait3A_372 = tpu.memref_slice %arg4[%add3A_368, %dma_wait3A_371] : memref<320000x128xf32, #tpu.memory_space<hbm>> -> memref<16x128xf32, #tpu.memory_space<hbm>>
    tpu.wait_dma2 semaphore(%arg52 : memref<!tpu.dma_semaphore, #tpu.memory_space<semaphore_mem>>) src(%arg22 : memref<16x128xf32, #tpu.memory_space<vmem>>) dst(%dma_wait3A_372 : memref<16x128xf32, #tpu.memory_space<hbm>>)
    %scan3A_373 = arith.constant 0 : i32
    %scan3A_374 = arith.constant 0 : i32
    %scan3A_375 = arith.constant 42 : i32
    %scan3A_376 = arith.addi %scan3A_374, %scan3A_375 : i32
    %scan3A_377 = arith.constant 1 : i32
    scf.for %scan3A_469 = %scan3A_374 to %scan3A_376 step %scan3A_377  : i32 {
      %mul3A_470 = arith.constant 15 : i32
      %mul3A_471 = arith.muli %mul3A_470, %scan3A_469 : i32
      %ne3A = arith.constant 0 : i32
      %ne3A_472 = arith.cmpi ne, %scan3A_469, %ne3A : i32
      %add3A_473 = arith.constant 0 : i32
      %add3A_474 = arith.addi %mul3A_471, %add3A_473 : i32
      %lt3A = arith.constant 625 : i32
      %lt3A_475 = arith.cmpi slt, %add3A_474, %lt3A : i32
      %and3A = arith.andi %ne3A_472, %lt3A_475 : i1
      %convert_element_type3A = arith.extui %and3A : i1 to i32
      %cond3A = arith.constant 0 : i32
      %cond3A_476 = arith.cmpi ne, %convert_element_type3A, %cond3A : i32
      scf.if %cond3A_476 {
        %add3A_827 = arith.constant 0 : i32
        %add3A_828 = arith.addi %mul3A_471, %add3A_827 : i32
        %sub3A = arith.constant 15 : i32
        %sub3A_829 = arith.subi %add3A_828, %sub3A : i32
        %mul3A_830 = arith.constant 16 : i32
        %mul3A_831 = arith.muli %sub3A_829, %mul3A_830 : i32
        %add3A_832 = arith.addi %mul3A_2, %mul3A_831 : i32
        %dma_wait3A_833 = arith.constant 0 : i32
        %dma_wait3A_834 = tpu.memref_slice %arg5[%add3A_832, %dma_wait3A_833] : memref<320000x128xf32, #tpu.memory_space<hbm>> -> memref<16x128xf32, #tpu.memory_space<hbm>>
        %dma_wait3A_835 = arith.constant 0 : i32
        %dma_wait3A_836 = tpu.memref_slice %arg5[%add3A_832, %dma_wait3A_835] : memref<320000x128xf32, #tpu.memory_space<hbm>> -> memref<16x128xf32, #tpu.memory_space<hbm>>
        tpu.wait_dma2 semaphore(%arg38 : memref<!tpu.dma_semaphore, #tpu.memory_space<semaphore_mem>>) src(%arg8 : memref<16x128xf32, #tpu.memory_space<vmem>>) dst(%dma_wait3A_836 : memref<16x128xf32, #tpu.memory_space<hbm>>)
      } else {
      }
      %add3A_477 = arith.constant 0 : i32
      %add3A_478 = arith.addi %mul3A_471, %add3A_477 : i32
      %lt3A_479 = arith.constant 625 : i32
      %lt3A_480 = arith.cmpi slt, %add3A_478, %lt3A_479 : i32
      %convert_element_type3A_481 = arith.extui %lt3A_480 : i1 to i32
      %cond3A_482 = arith.constant 0 : i32
      %cond3A_483 = arith.cmpi ne, %convert_element_type3A_481, %cond3A_482 : i32
      scf.if %cond3A_483 {
        %add3A_827 = arith.constant 0 : i32
        %add3A_828 = arith.addi %mul3A_471, %add3A_827 : i32
        %mul3A_829 = arith.constant 16 : i32
        %mul3A_830 = arith.muli %add3A_828, %mul3A_829 : i32
        %add3A_831 = arith.constant 10000 : i32
        %add3A_832 = arith.addi %add3A_831, %mul3A_830 : i32
        %dma_start3A_833 = tpu.memref_slice %arg6[%add3A_832] : memref<20000xi32, #tpu.memory_space<vmem>> -> memref<16xi32, #tpu.memory_space<vmem>>
        %dma_start3A_834 = arith.constant 0 : i32
        %dma_start3A_835 = arith.constant 0 : i32
        %dma_start3A_836 = tpu.memref_slice %arg7[%dma_start3A_834, %dma_start3A_835] : memref<10000x128xf32, #tpu.memory_space<vmem_shared>> -> memref<10000x128xf32, #tpu.memory_space<vmem_shared>>
        tpu.enqueue_indirect_dma source(%dma_start3A_836 : memref<10000x128xf32, #tpu.memory_space<vmem_shared>>) target(%arg8 : memref<16x128xf32, #tpu.memory_space<vmem>>) offsets(%dma_start3A_833 : memref<16xi32, #tpu.memory_space<vmem>>) semaphore(%arg23 : memref<!tpu.dma_semaphore, #tpu.memory_space<semaphore_mem>>)
      } else {
      }
      %ne3A_484 = arith.constant 0 : i32
      %ne3A_485 = arith.cmpi ne, %scan3A_469, %ne3A_484 : i32
      %add3A_486 = arith.constant 1 : i32
      %add3A_487 = arith.addi %mul3A_471, %add3A_486 : i32
      %lt3A_488 = arith.constant 625 : i32
      %lt3A_489 = arith.cmpi slt, %add3A_487, %lt3A_488 : i32
      %and3A_490 = arith.andi %ne3A_485, %lt3A_489 : i1
      %convert_element_type3A_491 = arith.extui %and3A_490 : i1 to i32
      %cond3A_492 = arith.constant 0 : i32
      %cond3A_493 = arith.cmpi ne, %convert_element_type3A_491, %cond3A_492 : i32
      scf.if %cond3A_493 {
        %add3A_827 = arith.constant 1 : i32
        %add3A_828 = arith.addi %mul3A_471, %add3A_827 : i32
        %sub3A = arith.constant 15 : i32
        %sub3A_829 = arith.subi %add3A_828, %sub3A : i32
        %mul3A_830 = arith.constant 16 : i32
        %mul3A_831 = arith.muli %sub3A_829, %mul3A_830 : i32
        %add3A_832 = arith.addi %mul3A_2, %mul3A_831 : i32
        %dma_wait3A_833 = arith.constant 0 : i32
        %dma_wait3A_834 = tpu.memref_slice %arg5[%add3A_832, %dma_wait3A_833] : memref<320000x128xf32, #tpu.memory_space<hbm>> -> memref<16x128xf32, #tpu.memory_space<hbm>>
        %dma_wait3A_835 = arith.constant 0 : i32
        %dma_wait3A_836 = tpu.memref_slice %arg5[%add3A_832, %dma_wait3A_835] : memref<320000x128xf32, #tpu.memory_space<hbm>> -> memref<16x128xf32, #tpu.memory_space<hbm>>
        tpu.wait_dma2 semaphore(%arg39 : memref<!tpu.dma_semaphore, #tpu.memory_space<semaphore_mem>>) src(%arg9 : memref<16x128xf32, #tpu.memory_space<vmem>>) dst(%dma_wait3A_836 : memref<16x128xf32, #tpu.memory_space<hbm>>)
      } else {
      }
      %add3A_494 = arith.constant 1 : i32
      %add3A_495 = arith.addi %mul3A_471, %add3A_494 : i32
      %lt3A_496 = arith.constant 625 : i32
      %lt3A_497 = arith.cmpi slt, %add3A_495, %lt3A_496 : i32
      %convert_element_type3A_498 = arith.extui %lt3A_497 : i1 to i32
      %cond3A_499 = arith.constant 0 : i32
      %cond3A_500 = arith.cmpi ne, %convert_element_type3A_498, %cond3A_499 : i32
      scf.if %cond3A_500 {
        %add3A_827 = arith.constant 1 : i32
        %add3A_828 = arith.addi %mul3A_471, %add3A_827 : i32
        %mul3A_829 = arith.constant 16 : i32
        %mul3A_830 = arith.muli %add3A_828, %mul3A_829 : i32
        %add3A_831 = arith.constant 10000 : i32
        %add3A_832 = arith.addi %add3A_831, %mul3A_830 : i32
        %dma_start3A_833 = tpu.memref_slice %arg6[%add3A_832] : memref<20000xi32, #tpu.memory_space<vmem>> -> memref<16xi32, #tpu.memory_space<vmem>>
        %dma_start3A_834 = arith.constant 0 : i32
        %dma_start3A_835 = arith.constant 0 : i32
        %dma_start3A_836 = tpu.memref_slice %arg7[%dma_start3A_834, %dma_start3A_835] : memref<10000x128xf32, #tpu.memory_space<vmem_shared>> -> memref<10000x128xf32, #tpu.memory_space<vmem_shared>>
        tpu.enqueue_indirect_dma source(%dma_start3A_836 : memref<10000x128xf32, #tpu.memory_space<vmem_shared>>) target(%arg9 : memref<16x128xf32, #tpu.memory_space<vmem>>) offsets(%dma_start3A_833 : memref<16xi32, #tpu.memory_space<vmem>>) semaphore(%arg24 : memref<!tpu.dma_semaphore, #tpu.memory_space<semaphore_mem>>)
      } else {
      }
      %ne3A_501 = arith.constant 0 : i32
      %ne3A_502 = arith.cmpi ne, %scan3A_469, %ne3A_501 : i32
      %add3A_503 = arith.constant 2 : i32
      %add3A_504 = arith.addi %mul3A_471, %add3A_503 : i32
      %lt3A_505 = arith.constant 625 : i32
      %lt3A_506 = arith.cmpi slt, %add3A_504, %lt3A_505 : i32
      %and3A_507 = arith.andi %ne3A_502, %lt3A_506 : i1
      %convert_element_type3A_508 = arith.extui %and3A_507 : i1 to i32
      %cond3A_509 = arith.constant 0 : i32
      %cond3A_510 = arith.cmpi ne, %convert_element_type3A_508, %cond3A_509 : i32
      scf.if %cond3A_510 {
        %add3A_827 = arith.constant 2 : i32
        %add3A_828 = arith.addi %mul3A_471, %add3A_827 : i32
        %sub3A = arith.constant 15 : i32
        %sub3A_829 = arith.subi %add3A_828, %sub3A : i32
        %mul3A_830 = arith.constant 16 : i32
        %mul3A_831 = arith.muli %sub3A_829, %mul3A_830 : i32
        %add3A_832 = arith.addi %mul3A_2, %mul3A_831 : i32
        %dma_wait3A_833 = arith.constant 0 : i32
        %dma_wait3A_834 = tpu.memref_slice %arg5[%add3A_832, %dma_wait3A_833] : memref<320000x128xf32, #tpu.memory_space<hbm>> -> memref<16x128xf32, #tpu.memory_space<hbm>>
        %dma_wait3A_835 = arith.constant 0 : i32
        %dma_wait3A_836 = tpu.memref_slice %arg5[%add3A_832, %dma_wait3A_835] : memref<320000x128xf32, #tpu.memory_space<hbm>> -> memref<16x128xf32, #tpu.memory_space<hbm>>
        tpu.wait_dma2 semaphore(%arg40 : memref<!tpu.dma_semaphore, #tpu.memory_space<semaphore_mem>>) src(%arg10 : memref<16x128xf32, #tpu.memory_space<vmem>>) dst(%dma_wait3A_836 : memref<16x128xf32, #tpu.memory_space<hbm>>)
      } else {
      }
      %add3A_511 = arith.constant 2 : i32
      %add3A_512 = arith.addi %mul3A_471, %add3A_511 : i32
      %lt3A_513 = arith.constant 625 : i32
      %lt3A_514 = arith.cmpi slt, %add3A_512, %lt3A_513 : i32
      %convert_element_type3A_515 = arith.extui %lt3A_514 : i1 to i32
      %cond3A_516 = arith.constant 0 : i32
      %cond3A_517 = arith.cmpi ne, %convert_element_type3A_515, %cond3A_516 : i32
      scf.if %cond3A_517 {
        %add3A_827 = arith.constant 2 : i32
        %add3A_828 = arith.addi %mul3A_471, %add3A_827 : i32
        %mul3A_829 = arith.constant 16 : i32
        %mul3A_830 = arith.muli %add3A_828, %mul3A_829 : i32
        %add3A_831 = arith.constant 10000 : i32
        %add3A_832 = arith.addi %add3A_831, %mul3A_830 : i32
        %dma_start3A_833 = tpu.memref_slice %arg6[%add3A_832] : memref<20000xi32, #tpu.memory_space<vmem>> -> memref<16xi32, #tpu.memory_space<vmem>>
        %dma_start3A_834 = arith.constant 0 : i32
        %dma_start3A_835 = arith.constant 0 : i32
        %dma_start3A_836 = tpu.memref_slice %arg7[%dma_start3A_834, %dma_start3A_835] : memref<10000x128xf32, #tpu.memory_space<vmem_shared>> -> memref<10000x128xf32, #tpu.memory_space<vmem_shared>>
        tpu.enqueue_indirect_dma source(%dma_start3A_836 : memref<10000x128xf32, #tpu.memory_space<vmem_shared>>) target(%arg10 : memref<16x128xf32, #tpu.memory_space<vmem>>) offsets(%dma_start3A_833 : memref<16xi32, #tpu.memory_space<vmem>>) semaphore(%arg25 : memref<!tpu.dma_semaphore, #tpu.memory_space<semaphore_mem>>)
      } else {
      }
      %ne3A_518 = arith.constant 0 : i32
      %ne3A_519 = arith.cmpi ne, %scan3A_469, %ne3A_518 : i32
      %add3A_520 = arith.constant 3 : i32
      %add3A_521 = arith.addi %mul3A_471, %add3A_520 : i32
      %lt3A_522 = arith.constant 625 : i32
      %lt3A_523 = arith.cmpi slt, %add3A_521, %lt3A_522 : i32
      %and3A_524 = arith.andi %ne3A_519, %lt3A_523 : i1
      %convert_element_type3A_525 = arith.extui %and3A_524 : i1 to i32
      %cond3A_526 = arith.constant 0 : i32
      %cond3A_527 = arith.cmpi ne, %convert_element_type3A_525, %cond3A_526 : i32
      scf.if %cond3A_527 {
        %add3A_827 = arith.constant 3 : i32
        %add3A_828 = arith.addi %mul3A_471, %add3A_827 : i32
        %sub3A = arith.constant 15 : i32
        %sub3A_829 = arith.subi %add3A_828, %sub3A : i32
        %mul3A_830 = arith.constant 16 : i32
        %mul3A_831 = arith.muli %sub3A_829, %mul3A_830 : i32
        %add3A_832 = arith.addi %mul3A_2, %mul3A_831 : i32
        %dma_wait3A_833 = arith.constant 0 : i32
        %dma_wait3A_834 = tpu.memref_slice %arg5[%add3A_832, %dma_wait3A_833] : memref<320000x128xf32, #tpu.memory_space<hbm>> -> memref<16x128xf32, #tpu.memory_space<hbm>>
        %dma_wait3A_835 = arith.constant 0 : i32
        %dma_wait3A_836 = tpu.memref_slice %arg5[%add3A_832, %dma_wait3A_835] : memref<320000x128xf32, #tpu.memory_space<hbm>> -> memref<16x128xf32, #tpu.memory_space<hbm>>
        tpu.wait_dma2 semaphore(%arg41 : memref<!tpu.dma_semaphore, #tpu.memory_space<semaphore_mem>>) src(%arg11 : memref<16x128xf32, #tpu.memory_space<vmem>>) dst(%dma_wait3A_836 : memref<16x128xf32, #tpu.memory_space<hbm>>)
      } else {
      }
      %add3A_528 = arith.constant 3 : i32
      %add3A_529 = arith.addi %mul3A_471, %add3A_528 : i32
      %lt3A_530 = arith.constant 625 : i32
      %lt3A_531 = arith.cmpi slt, %add3A_529, %lt3A_530 : i32
      %convert_element_type3A_532 = arith.extui %lt3A_531 : i1 to i32
      %cond3A_533 = arith.constant 0 : i32
      %cond3A_534 = arith.cmpi ne, %convert_element_type3A_532, %cond3A_533 : i32
      scf.if %cond3A_534 {
        %add3A_827 = arith.constant 3 : i32
        %add3A_828 = arith.addi %mul3A_471, %add3A_827 : i32
        %mul3A_829 = arith.constant 16 : i32
        %mul3A_830 = arith.muli %add3A_828, %mul3A_829 : i32
        %add3A_831 = arith.constant 10000 : i32
        %add3A_832 = arith.addi %add3A_831, %mul3A_830 : i32
        %dma_start3A_833 = tpu.memref_slice %arg6[%add3A_832] : memref<20000xi32, #tpu.memory_space<vmem>> -> memref<16xi32, #tpu.memory_space<vmem>>
        %dma_start3A_834 = arith.constant 0 : i32
        %dma_start3A_835 = arith.constant 0 : i32
        %dma_start3A_836 = tpu.memref_slice %arg7[%dma_start3A_834, %dma_start3A_835] : memref<10000x128xf32, #tpu.memory_space<vmem_shared>> -> memref<10000x128xf32, #tpu.memory_space<vmem_shared>>
        tpu.enqueue_indirect_dma source(%dma_start3A_836 : memref<10000x128xf32, #tpu.memory_space<vmem_shared>>) target(%arg11 : memref<16x128xf32, #tpu.memory_space<vmem>>) offsets(%dma_start3A_833 : memref<16xi32, #tpu.memory_space<vmem>>) semaphore(%arg26 : memref<!tpu.dma_semaphore, #tpu.memory_space<semaphore_mem>>)
      } else {
      }
      %ne3A_535 = arith.constant 0 : i32
      %ne3A_536 = arith.cmpi ne, %scan3A_469, %ne3A_535 : i32
      %add3A_537 = arith.constant 4 : i32
      %add3A_538 = arith.addi %mul3A_471, %add3A_537 : i32
      %lt3A_539 = arith.constant 625 : i32
      %lt3A_540 = arith.cmpi slt, %add3A_538, %lt3A_539 : i32
      %and3A_541 = arith.andi %ne3A_536, %lt3A_540 : i1
      %convert_element_type3A_542 = arith.extui %and3A_541 : i1 to i32
      %cond3A_543 = arith.constant 0 : i32
      %cond3A_544 = arith.cmpi ne, %convert_element_type3A_542, %cond3A_543 : i32
      scf.if %cond3A_544 {
        %add3A_827 = arith.constant 4 : i32
        %add3A_828 = arith.addi %mul3A_471, %add3A_827 : i32
        %sub3A = arith.constant 15 : i32
        %sub3A_829 = arith.subi %add3A_828, %sub3A : i32
        %mul3A_830 = arith.constant 16 : i32
        %mul3A_831 = arith.muli %sub3A_829, %mul3A_830 : i32
        %add3A_832 = arith.addi %mul3A_2, %mul3A_831 : i32
        %dma_wait3A_833 = arith.constant 0 : i32
        %dma_wait3A_834 = tpu.memref_slice %arg5[%add3A_832, %dma_wait3A_833] : memref<320000x128xf32, #tpu.memory_space<hbm>> -> memref<16x128xf32, #tpu.memory_space<hbm>>
        %dma_wait3A_835 = arith.constant 0 : i32
        %dma_wait3A_836 = tpu.memref_slice %arg5[%add3A_832, %dma_wait3A_835] : memref<320000x128xf32, #tpu.memory_space<hbm>> -> memref<16x128xf32, #tpu.memory_space<hbm>>
        tpu.wait_dma2 semaphore(%arg42 : memref<!tpu.dma_semaphore, #tpu.memory_space<semaphore_mem>>) src(%arg12 : memref<16x128xf32, #tpu.memory_space<vmem>>) dst(%dma_wait3A_836 : memref<16x128xf32, #tpu.memory_space<hbm>>)
      } else {
      }
      %add3A_545 = arith.constant 4 : i32
      %add3A_546 = arith.addi %mul3A_471, %add3A_545 : i32
      %lt3A_547 = arith.constant 625 : i32
      %lt3A_548 = arith.cmpi slt, %add3A_546, %lt3A_547 : i32
      %convert_element_type3A_549 = arith.extui %lt3A_548 : i1 to i32
      %cond3A_550 = arith.constant 0 : i32
      %cond3A_551 = arith.cmpi ne, %convert_element_type3A_549, %cond3A_550 : i32
      scf.if %cond3A_551 {
        %add3A_827 = arith.constant 4 : i32
        %add3A_828 = arith.addi %mul3A_471, %add3A_827 : i32
        %mul3A_829 = arith.constant 16 : i32
        %mul3A_830 = arith.muli %add3A_828, %mul3A_829 : i32
        %add3A_831 = arith.constant 10000 : i32
        %add3A_832 = arith.addi %add3A_831, %mul3A_830 : i32
        %dma_start3A_833 = tpu.memref_slice %arg6[%add3A_832] : memref<20000xi32, #tpu.memory_space<vmem>> -> memref<16xi32, #tpu.memory_space<vmem>>
        %dma_start3A_834 = arith.constant 0 : i32
        %dma_start3A_835 = arith.constant 0 : i32
        %dma_start3A_836 = tpu.memref_slice %arg7[%dma_start3A_834, %dma_start3A_835] : memref<10000x128xf32, #tpu.memory_space<vmem_shared>> -> memref<10000x128xf32, #tpu.memory_space<vmem_shared>>
        tpu.enqueue_indirect_dma source(%dma_start3A_836 : memref<10000x128xf32, #tpu.memory_space<vmem_shared>>) target(%arg12 : memref<16x128xf32, #tpu.memory_space<vmem>>) offsets(%dma_start3A_833 : memref<16xi32, #tpu.memory_space<vmem>>) semaphore(%arg27 : memref<!tpu.dma_semaphore, #tpu.memory_space<semaphore_mem>>)
      } else {
      }
      %ne3A_552 = arith.constant 0 : i32
      %ne3A_553 = arith.cmpi ne, %scan3A_469, %ne3A_552 : i32
      %add3A_554 = arith.constant 5 : i32
      %add3A_555 = arith.addi %mul3A_471, %add3A_554 : i32
      %lt3A_556 = arith.constant 625 : i32
      %lt3A_557 = arith.cmpi slt, %add3A_555, %lt3A_556 : i32
      %and3A_558 = arith.andi %ne3A_553, %lt3A_557 : i1
      %convert_element_type3A_559 = arith.extui %and3A_558 : i1 to i32
      %cond3A_560 = arith.constant 0 : i32
      %cond3A_561 = arith.cmpi ne, %convert_element_type3A_559, %cond3A_560 : i32
      scf.if %cond3A_561 {
        %add3A_827 = arith.constant 5 : i32
        %add3A_828 = arith.addi %mul3A_471, %add3A_827 : i32
        %sub3A = arith.constant 15 : i32
        %sub3A_829 = arith.subi %add3A_828, %sub3A : i32
        %mul3A_830 = arith.constant 16 : i32
        %mul3A_831 = arith.muli %sub3A_829, %mul3A_830 : i32
        %add3A_832 = arith.addi %mul3A_2, %mul3A_831 : i32
        %dma_wait3A_833 = arith.constant 0 : i32
        %dma_wait3A_834 = tpu.memref_slice %arg5[%add3A_832, %dma_wait3A_833] : memref<320000x128xf32, #tpu.memory_space<hbm>> -> memref<16x128xf32, #tpu.memory_space<hbm>>
        %dma_wait3A_835 = arith.constant 0 : i32
        %dma_wait3A_836 = tpu.memref_slice %arg5[%add3A_832, %dma_wait3A_835] : memref<320000x128xf32, #tpu.memory_space<hbm>> -> memref<16x128xf32, #tpu.memory_space<hbm>>
        tpu.wait_dma2 semaphore(%arg43 : memref<!tpu.dma_semaphore, #tpu.memory_space<semaphore_mem>>) src(%arg13 : memref<16x128xf32, #tpu.memory_space<vmem>>) dst(%dma_wait3A_836 : memref<16x128xf32, #tpu.memory_space<hbm>>)
      } else {
      }
      %add3A_562 = arith.constant 5 : i32
      %add3A_563 = arith.addi %mul3A_471, %add3A_562 : i32
      %lt3A_564 = arith.constant 625 : i32
      %lt3A_565 = arith.cmpi slt, %add3A_563, %lt3A_564 : i32
      %convert_element_type3A_566 = arith.extui %lt3A_565 : i1 to i32
      %cond3A_567 = arith.constant 0 : i32
      %cond3A_568 = arith.cmpi ne, %convert_element_type3A_566, %cond3A_567 : i32
      scf.if %cond3A_568 {
        %add3A_827 = arith.constant 5 : i32
        %add3A_828 = arith.addi %mul3A_471, %add3A_827 : i32
        %mul3A_829 = arith.constant 16 : i32
        %mul3A_830 = arith.muli %add3A_828, %mul3A_829 : i32
        %add3A_831 = arith.constant 10000 : i32
        %add3A_832 = arith.addi %add3A_831, %mul3A_830 : i32
        %dma_start3A_833 = tpu.memref_slice %arg6[%add3A_832] : memref<20000xi32, #tpu.memory_space<vmem>> -> memref<16xi32, #tpu.memory_space<vmem>>
        %dma_start3A_834 = arith.constant 0 : i32
        %dma_start3A_835 = arith.constant 0 : i32
        %dma_start3A_836 = tpu.memref_slice %arg7[%dma_start3A_834, %dma_start3A_835] : memref<10000x128xf32, #tpu.memory_space<vmem_shared>> -> memref<10000x128xf32, #tpu.memory_space<vmem_shared>>
        tpu.enqueue_indirect_dma source(%dma_start3A_836 : memref<10000x128xf32, #tpu.memory_space<vmem_shared>>) target(%arg13 : memref<16x128xf32, #tpu.memory_space<vmem>>) offsets(%dma_start3A_833 : memref<16xi32, #tpu.memory_space<vmem>>) semaphore(%arg28 : memref<!tpu.dma_semaphore, #tpu.memory_space<semaphore_mem>>)
      } else {
      }
      %ne3A_569 = arith.constant 0 : i32
      %ne3A_570 = arith.cmpi ne, %scan3A_469, %ne3A_569 : i32
      %add3A_571 = arith.constant 6 : i32
      %add3A_572 = arith.addi %mul3A_471, %add3A_571 : i32
      %lt3A_573 = arith.constant 625 : i32
      %lt3A_574 = arith.cmpi slt, %add3A_572, %lt3A_573 : i32
      %and3A_575 = arith.andi %ne3A_570, %lt3A_574 : i1
      %convert_element_type3A_576 = arith.extui %and3A_575 : i1 to i32
      %cond3A_577 = arith.constant 0 : i32
      %cond3A_578 = arith.cmpi ne, %convert_element_type3A_576, %cond3A_577 : i32
      scf.if %cond3A_578 {
        %add3A_827 = arith.constant 6 : i32
        %add3A_828 = arith.addi %mul3A_471, %add3A_827 : i32
        %sub3A = arith.constant 15 : i32
        %sub3A_829 = arith.subi %add3A_828, %sub3A : i32
        %mul3A_830 = arith.constant 16 : i32
        %mul3A_831 = arith.muli %sub3A_829, %mul3A_830 : i32
        %add3A_832 = arith.addi %mul3A_2, %mul3A_831 : i32
        %dma_wait3A_833 = arith.constant 0 : i32
        %dma_wait3A_834 = tpu.memref_slice %arg5[%add3A_832, %dma_wait3A_833] : memref<320000x128xf32, #tpu.memory_space<hbm>> -> memref<16x128xf32, #tpu.memory_space<hbm>>
        %dma_wait3A_835 = arith.constant 0 : i32
        %dma_wait3A_836 = tpu.memref_slice %arg5[%add3A_832, %dma_wait3A_835] : memref<320000x128xf32, #tpu.memory_space<hbm>> -> memref<16x128xf32, #tpu.memory_space<hbm>>
        tpu.wait_dma2 semaphore(%arg44 : memref<!tpu.dma_semaphore, #tpu.memory_space<semaphore_mem>>) src(%arg14 : memref<16x128xf32, #tpu.memory_space<vmem>>) dst(%dma_wait3A_836 : memref<16x128xf32, #tpu.memory_space<hbm>>)
      } else {
      }
      %add3A_579 = arith.constant 6 : i32
      %add3A_580 = arith.addi %mul3A_471, %add3A_579 : i32
      %lt3A_581 = arith.constant 625 : i32
      %lt3A_582 = arith.cmpi slt, %add3A_580, %lt3A_581 : i32
      %convert_element_type3A_583 = arith.extui %lt3A_582 : i1 to i32
      %cond3A_584 = arith.constant 0 : i32
      %cond3A_585 = arith.cmpi ne, %convert_element_type3A_583, %cond3A_584 : i32
      scf.if %cond3A_585 {
        %add3A_827 = arith.constant 6 : i32
        %add3A_828 = arith.addi %mul3A_471, %add3A_827 : i32
        %mul3A_829 = arith.constant 16 : i32
        %mul3A_830 = arith.muli %add3A_828, %mul3A_829 : i32
        %add3A_831 = arith.constant 10000 : i32
        %add3A_832 = arith.addi %add3A_831, %mul3A_830 : i32
        %dma_start3A_833 = tpu.memref_slice %arg6[%add3A_832] : memref<20000xi32, #tpu.memory_space<vmem>> -> memref<16xi32, #tpu.memory_space<vmem>>
        %dma_start3A_834 = arith.constant 0 : i32
        %dma_start3A_835 = arith.constant 0 : i32
        %dma_start3A_836 = tpu.memref_slice %arg7[%dma_start3A_834, %dma_start3A_835] : memref<10000x128xf32, #tpu.memory_space<vmem_shared>> -> memref<10000x128xf32, #tpu.memory_space<vmem_shared>>
        tpu.enqueue_indirect_dma source(%dma_start3A_836 : memref<10000x128xf32, #tpu.memory_space<vmem_shared>>) target(%arg14 : memref<16x128xf32, #tpu.memory_space<vmem>>) offsets(%dma_start3A_833 : memref<16xi32, #tpu.memory_space<vmem>>) semaphore(%arg29 : memref<!tpu.dma_semaphore, #tpu.memory_space<semaphore_mem>>)
      } else {
      }
      %ne3A_586 = arith.constant 0 : i32
      %ne3A_587 = arith.cmpi ne, %scan3A_469, %ne3A_586 : i32
      %add3A_588 = arith.constant 7 : i32
      %add3A_589 = arith.addi %mul3A_471, %add3A_588 : i32
      %lt3A_590 = arith.constant 625 : i32
      %lt3A_591 = arith.cmpi slt, %add3A_589, %lt3A_590 : i32
      %and3A_592 = arith.andi %ne3A_587, %lt3A_591 : i1
      %convert_element_type3A_593 = arith.extui %and3A_592 : i1 to i32
      %cond3A_594 = arith.constant 0 : i32
      %cond3A_595 = arith.cmpi ne, %convert_element_type3A_593, %cond3A_594 : i32
      scf.if %cond3A_595 {
        %add3A_827 = arith.constant 7 : i32
        %add3A_828 = arith.addi %mul3A_471, %add3A_827 : i32
        %sub3A = arith.constant 15 : i32
        %sub3A_829 = arith.subi %add3A_828, %sub3A : i32
        %mul3A_830 = arith.constant 16 : i32
        %mul3A_831 = arith.muli %sub3A_829, %mul3A_830 : i32
        %add3A_832 = arith.addi %mul3A_2, %mul3A_831 : i32
        %dma_wait3A_833 = arith.constant 0 : i32
        %dma_wait3A_834 = tpu.memref_slice %arg5[%add3A_832, %dma_wait3A_833] : memref<320000x128xf32, #tpu.memory_space<hbm>> -> memref<16x128xf32, #tpu.memory_space<hbm>>
        %dma_wait3A_835 = arith.constant 0 : i32
        %dma_wait3A_836 = tpu.memref_slice %arg5[%add3A_832, %dma_wait3A_835] : memref<320000x128xf32, #tpu.memory_space<hbm>> -> memref<16x128xf32, #tpu.memory_space<hbm>>
        tpu.wait_dma2 semaphore(%arg45 : memref<!tpu.dma_semaphore, #tpu.memory_space<semaphore_mem>>) src(%arg15 : memref<16x128xf32, #tpu.memory_space<vmem>>) dst(%dma_wait3A_836 : memref<16x128xf32, #tpu.memory_space<hbm>>)
      } else {
      }
      %add3A_596 = arith.constant 7 : i32
      %add3A_597 = arith.addi %mul3A_471, %add3A_596 : i32
      %lt3A_598 = arith.constant 625 : i32
      %lt3A_599 = arith.cmpi slt, %add3A_597, %lt3A_598 : i32
      %convert_element_type3A_600 = arith.extui %lt3A_599 : i1 to i32
      %cond3A_601 = arith.constant 0 : i32
      %cond3A_602 = arith.cmpi ne, %convert_element_type3A_600, %cond3A_601 : i32
      scf.if %cond3A_602 {
        %add3A_827 = arith.constant 7 : i32
        %add3A_828 = arith.addi %mul3A_471, %add3A_827 : i32
        %mul3A_829 = arith.constant 16 : i32
        %mul3A_830 = arith.muli %add3A_828, %mul3A_829 : i32
        %add3A_831 = arith.constant 10000 : i32
        %add3A_832 = arith.addi %add3A_831, %mul3A_830 : i32
        %dma_start3A_833 = tpu.memref_slice %arg6[%add3A_832] : memref<20000xi32, #tpu.memory_space<vmem>> -> memref<16xi32, #tpu.memory_space<vmem>>
        %dma_start3A_834 = arith.constant 0 : i32
        %dma_start3A_835 = arith.constant 0 : i32
        %dma_start3A_836 = tpu.memref_slice %arg7[%dma_start3A_834, %dma_start3A_835] : memref<10000x128xf32, #tpu.memory_space<vmem_shared>> -> memref<10000x128xf32, #tpu.memory_space<vmem_shared>>
        tpu.enqueue_indirect_dma source(%dma_start3A_836 : memref<10000x128xf32, #tpu.memory_space<vmem_shared>>) target(%arg15 : memref<16x128xf32, #tpu.memory_space<vmem>>) offsets(%dma_start3A_833 : memref<16xi32, #tpu.memory_space<vmem>>) semaphore(%arg30 : memref<!tpu.dma_semaphore, #tpu.memory_space<semaphore_mem>>)
      } else {
      }
      %ne3A_603 = arith.constant 0 : i32
      %ne3A_604 = arith.cmpi ne, %scan3A_469, %ne3A_603 : i32
      %add3A_605 = arith.constant 8 : i32
      %add3A_606 = arith.addi %mul3A_471, %add3A_605 : i32
      %lt3A_607 = arith.constant 625 : i32
      %lt3A_608 = arith.cmpi slt, %add3A_606, %lt3A_607 : i32
      %and3A_609 = arith.andi %ne3A_604, %lt3A_608 : i1
      %convert_element_type3A_610 = arith.extui %and3A_609 : i1 to i32
      %cond3A_611 = arith.constant 0 : i32
      %cond3A_612 = arith.cmpi ne, %convert_element_type3A_610, %cond3A_611 : i32
      scf.if %cond3A_612 {
        %add3A_827 = arith.constant 8 : i32
        %add3A_828 = arith.addi %mul3A_471, %add3A_827 : i32
        %sub3A = arith.constant 15 : i32
        %sub3A_829 = arith.subi %add3A_828, %sub3A : i32
        %mul3A_830 = arith.constant 16 : i32
        %mul3A_831 = arith.muli %sub3A_829, %mul3A_830 : i32
        %add3A_832 = arith.addi %mul3A_2, %mul3A_831 : i32
        %dma_wait3A_833 = arith.constant 0 : i32
        %dma_wait3A_834 = tpu.memref_slice %arg5[%add3A_832, %dma_wait3A_833] : memref<320000x128xf32, #tpu.memory_space<hbm>> -> memref<16x128xf32, #tpu.memory_space<hbm>>
        %dma_wait3A_835 = arith.constant 0 : i32
        %dma_wait3A_836 = tpu.memref_slice %arg5[%add3A_832, %dma_wait3A_835] : memref<320000x128xf32, #tpu.memory_space<hbm>> -> memref<16x128xf32, #tpu.memory_space<hbm>>
        tpu.wait_dma2 semaphore(%arg46 : memref<!tpu.dma_semaphore, #tpu.memory_space<semaphore_mem>>) src(%arg16 : memref<16x128xf32, #tpu.memory_space<vmem>>) dst(%dma_wait3A_836 : memref<16x128xf32, #tpu.memory_space<hbm>>)
      } else {
      }
      %add3A_613 = arith.constant 8 : i32
      %add3A_614 = arith.addi %mul3A_471, %add3A_613 : i32
      %lt3A_615 = arith.constant 625 : i32
      %lt3A_616 = arith.cmpi slt, %add3A_614, %lt3A_615 : i32
      %convert_element_type3A_617 = arith.extui %lt3A_616 : i1 to i32
      %cond3A_618 = arith.constant 0 : i32
      %cond3A_619 = arith.cmpi ne, %convert_element_type3A_617, %cond3A_618 : i32
      scf.if %cond3A_619 {
        %add3A_827 = arith.constant 8 : i32
        %add3A_828 = arith.addi %mul3A_471, %add3A_827 : i32
        %mul3A_829 = arith.constant 16 : i32
        %mul3A_830 = arith.muli %add3A_828, %mul3A_829 : i32
        %add3A_831 = arith.constant 10000 : i32
        %add3A_832 = arith.addi %add3A_831, %mul3A_830 : i32
        %dma_start3A_833 = tpu.memref_slice %arg6[%add3A_832] : memref<20000xi32, #tpu.memory_space<vmem>> -> memref<16xi32, #tpu.memory_space<vmem>>
        %dma_start3A_834 = arith.constant 0 : i32
        %dma_start3A_835 = arith.constant 0 : i32
        %dma_start3A_836 = tpu.memref_slice %arg7[%dma_start3A_834, %dma_start3A_835] : memref<10000x128xf32, #tpu.memory_space<vmem_shared>> -> memref<10000x128xf32, #tpu.memory_space<vmem_shared>>
        tpu.enqueue_indirect_dma source(%dma_start3A_836 : memref<10000x128xf32, #tpu.memory_space<vmem_shared>>) target(%arg16 : memref<16x128xf32, #tpu.memory_space<vmem>>) offsets(%dma_start3A_833 : memref<16xi32, #tpu.memory_space<vmem>>) semaphore(%arg31 : memref<!tpu.dma_semaphore, #tpu.memory_space<semaphore_mem>>)
      } else {
      }
      %ne3A_620 = arith.constant 0 : i32
      %ne3A_621 = arith.cmpi ne, %scan3A_469, %ne3A_620 : i32
      %add3A_622 = arith.constant 9 : i32
      %add3A_623 = arith.addi %mul3A_471, %add3A_622 : i32
      %lt3A_624 = arith.constant 625 : i32
      %lt3A_625 = arith.cmpi slt, %add3A_623, %lt3A_624 : i32
      %and3A_626 = arith.andi %ne3A_621, %lt3A_625 : i1
      %convert_element_type3A_627 = arith.extui %and3A_626 : i1 to i32
      %cond3A_628 = arith.constant 0 : i32
      %cond3A_629 = arith.cmpi ne, %convert_element_type3A_627, %cond3A_628 : i32
      scf.if %cond3A_629 {
        %add3A_827 = arith.constant 9 : i32
        %add3A_828 = arith.addi %mul3A_471, %add3A_827 : i32
        %sub3A = arith.constant 15 : i32
        %sub3A_829 = arith.subi %add3A_828, %sub3A : i32
        %mul3A_830 = arith.constant 16 : i32
        %mul3A_831 = arith.muli %sub3A_829, %mul3A_830 : i32
        %add3A_832 = arith.addi %mul3A_2, %mul3A_831 : i32
        %dma_wait3A_833 = arith.constant 0 : i32
        %dma_wait3A_834 = tpu.memref_slice %arg5[%add3A_832, %dma_wait3A_833] : memref<320000x128xf32, #tpu.memory_space<hbm>> -> memref<16x128xf32, #tpu.memory_space<hbm>>
        %dma_wait3A_835 = arith.constant 0 : i32
        %dma_wait3A_836 = tpu.memref_slice %arg5[%add3A_832, %dma_wait3A_835] : memref<320000x128xf32, #tpu.memory_space<hbm>> -> memref<16x128xf32, #tpu.memory_space<hbm>>
        tpu.wait_dma2 semaphore(%arg47 : memref<!tpu.dma_semaphore, #tpu.memory_space<semaphore_mem>>) src(%arg17 : memref<16x128xf32, #tpu.memory_space<vmem>>) dst(%dma_wait3A_836 : memref<16x128xf32, #tpu.memory_space<hbm>>)
      } else {
      }
      %add3A_630 = arith.constant 9 : i32
      %add3A_631 = arith.addi %mul3A_471, %add3A_630 : i32
      %lt3A_632 = arith.constant 625 : i32
      %lt3A_633 = arith.cmpi slt, %add3A_631, %lt3A_632 : i32
      %convert_element_type3A_634 = arith.extui %lt3A_633 : i1 to i32
      %cond3A_635 = arith.constant 0 : i32
      %cond3A_636 = arith.cmpi ne, %convert_element_type3A_634, %cond3A_635 : i32
      scf.if %cond3A_636 {
        %add3A_827 = arith.constant 9 : i32
        %add3A_828 = arith.addi %mul3A_471, %add3A_827 : i32
        %mul3A_829 = arith.constant 16 : i32
        %mul3A_830 = arith.muli %add3A_828, %mul3A_829 : i32
        %add3A_831 = arith.constant 10000 : i32
        %add3A_832 = arith.addi %add3A_831, %mul3A_830 : i32
        %dma_start3A_833 = tpu.memref_slice %arg6[%add3A_832] : memref<20000xi32, #tpu.memory_space<vmem>> -> memref<16xi32, #tpu.memory_space<vmem>>
        %dma_start3A_834 = arith.constant 0 : i32
        %dma_start3A_835 = arith.constant 0 : i32
        %dma_start3A_836 = tpu.memref_slice %arg7[%dma_start3A_834, %dma_start3A_835] : memref<10000x128xf32, #tpu.memory_space<vmem_shared>> -> memref<10000x128xf32, #tpu.memory_space<vmem_shared>>
        tpu.enqueue_indirect_dma source(%dma_start3A_836 : memref<10000x128xf32, #tpu.memory_space<vmem_shared>>) target(%arg17 : memref<16x128xf32, #tpu.memory_space<vmem>>) offsets(%dma_start3A_833 : memref<16xi32, #tpu.memory_space<vmem>>) semaphore(%arg32 : memref<!tpu.dma_semaphore, #tpu.memory_space<semaphore_mem>>)
      } else {
      }
      %ne3A_637 = arith.constant 0 : i32
      %ne3A_638 = arith.cmpi ne, %scan3A_469, %ne3A_637 : i32
      %add3A_639 = arith.constant 10 : i32
      %add3A_640 = arith.addi %mul3A_471, %add3A_639 : i32
      %lt3A_641 = arith.constant 625 : i32
      %lt3A_642 = arith.cmpi slt, %add3A_640, %lt3A_641 : i32
      %and3A_643 = arith.andi %ne3A_638, %lt3A_642 : i1
      %convert_element_type3A_644 = arith.extui %and3A_643 : i1 to i32
      %cond3A_645 = arith.constant 0 : i32
      %cond3A_646 = arith.cmpi ne, %convert_element_type3A_644, %cond3A_645 : i32
      scf.if %cond3A_646 {
        %add3A_827 = arith.constant 10 : i32
        %add3A_828 = arith.addi %mul3A_471, %add3A_827 : i32
        %sub3A = arith.constant 15 : i32
        %sub3A_829 = arith.subi %add3A_828, %sub3A : i32
        %mul3A_830 = arith.constant 16 : i32
        %mul3A_831 = arith.muli %sub3A_829, %mul3A_830 : i32
        %add3A_832 = arith.addi %mul3A_2, %mul3A_831 : i32
        %dma_wait3A_833 = arith.constant 0 : i32
        %dma_wait3A_834 = tpu.memref_slice %arg5[%add3A_832, %dma_wait3A_833] : memref<320000x128xf32, #tpu.memory_space<hbm>> -> memref<16x128xf32, #tpu.memory_space<hbm>>
        %dma_wait3A_835 = arith.constant 0 : i32
        %dma_wait3A_836 = tpu.memref_slice %arg5[%add3A_832, %dma_wait3A_835] : memref<320000x128xf32, #tpu.memory_space<hbm>> -> memref<16x128xf32, #tpu.memory_space<hbm>>
        tpu.wait_dma2 semaphore(%arg48 : memref<!tpu.dma_semaphore, #tpu.memory_space<semaphore_mem>>) src(%arg18 : memref<16x128xf32, #tpu.memory_space<vmem>>) dst(%dma_wait3A_836 : memref<16x128xf32, #tpu.memory_space<hbm>>)
      } else {
      }
      %add3A_647 = arith.constant 10 : i32
      %add3A_648 = arith.addi %mul3A_471, %add3A_647 : i32
      %lt3A_649 = arith.constant 625 : i32
      %lt3A_650 = arith.cmpi slt, %add3A_648, %lt3A_649 : i32
      %convert_element_type3A_651 = arith.extui %lt3A_650 : i1 to i32
      %cond3A_652 = arith.constant 0 : i32
      %cond3A_653 = arith.cmpi ne, %convert_element_type3A_651, %cond3A_652 : i32
      scf.if %cond3A_653 {
        %add3A_827 = arith.constant 10 : i32
        %add3A_828 = arith.addi %mul3A_471, %add3A_827 : i32
        %mul3A_829 = arith.constant 16 : i32
        %mul3A_830 = arith.muli %add3A_828, %mul3A_829 : i32
        %add3A_831 = arith.constant 10000 : i32
        %add3A_832 = arith.addi %add3A_831, %mul3A_830 : i32
        %dma_start3A_833 = tpu.memref_slice %arg6[%add3A_832] : memref<20000xi32, #tpu.memory_space<vmem>> -> memref<16xi32, #tpu.memory_space<vmem>>
        %dma_start3A_834 = arith.constant 0 : i32
        %dma_start3A_835 = arith.constant 0 : i32
        %dma_start3A_836 = tpu.memref_slice %arg7[%dma_start3A_834, %dma_start3A_835] : memref<10000x128xf32, #tpu.memory_space<vmem_shared>> -> memref<10000x128xf32, #tpu.memory_space<vmem_shared>>
        tpu.enqueue_indirect_dma source(%dma_start3A_836 : memref<10000x128xf32, #tpu.memory_space<vmem_shared>>) target(%arg18 : memref<16x128xf32, #tpu.memory_space<vmem>>) offsets(%dma_start3A_833 : memref<16xi32, #tpu.memory_space<vmem>>) semaphore(%arg33 : memref<!tpu.dma_semaphore, #tpu.memory_space<semaphore_mem>>)
      } else {
      }
      %ne3A_654 = arith.constant 0 : i32
      %ne3A_655 = arith.cmpi ne, %scan3A_469, %ne3A_654 : i32
      %add3A_656 = arith.constant 11 : i32
      %add3A_657 = arith.addi %mul3A_471, %add3A_656 : i32
      %lt3A_658 = arith.constant 625 : i32
      %lt3A_659 = arith.cmpi slt, %add3A_657, %lt3A_658 : i32
      %and3A_660 = arith.andi %ne3A_655, %lt3A_659 : i1
      %convert_element_type3A_661 = arith.extui %and3A_660 : i1 to i32
      %cond3A_662 = arith.constant 0 : i32
      %cond3A_663 = arith.cmpi ne, %convert_element_type3A_661, %cond3A_662 : i32
      scf.if %cond3A_663 {
        %add3A_827 = arith.constant 11 : i32
        %add3A_828 = arith.addi %mul3A_471, %add3A_827 : i32
        %sub3A = arith.constant 15 : i32
        %sub3A_829 = arith.subi %add3A_828, %sub3A : i32
        %mul3A_830 = arith.constant 16 : i32
        %mul3A_831 = arith.muli %sub3A_829, %mul3A_830 : i32
        %add3A_832 = arith.addi %mul3A_2, %mul3A_831 : i32
        %dma_wait3A_833 = arith.constant 0 : i32
        %dma_wait3A_834 = tpu.memref_slice %arg5[%add3A_832, %dma_wait3A_833] : memref<320000x128xf32, #tpu.memory_space<hbm>> -> memref<16x128xf32, #tpu.memory_space<hbm>>
        %dma_wait3A_835 = arith.constant 0 : i32
        %dma_wait3A_836 = tpu.memref_slice %arg5[%add3A_832, %dma_wait3A_835] : memref<320000x128xf32, #tpu.memory_space<hbm>> -> memref<16x128xf32, #tpu.memory_space<hbm>>
        tpu.wait_dma2 semaphore(%arg49 : memref<!tpu.dma_semaphore, #tpu.memory_space<semaphore_mem>>) src(%arg19 : memref<16x128xf32, #tpu.memory_space<vmem>>) dst(%dma_wait3A_836 : memref<16x128xf32, #tpu.memory_space<hbm>>)
      } else {
      }
      %add3A_664 = arith.constant 11 : i32
      %add3A_665 = arith.addi %mul3A_471, %add3A_664 : i32
      %lt3A_666 = arith.constant 625 : i32
      %lt3A_667 = arith.cmpi slt, %add3A_665, %lt3A_666 : i32
      %convert_element_type3A_668 = arith.extui %lt3A_667 : i1 to i32
      %cond3A_669 = arith.constant 0 : i32
      %cond3A_670 = arith.cmpi ne, %convert_element_type3A_668, %cond3A_669 : i32
      scf.if %cond3A_670 {
        %add3A_827 = arith.constant 11 : i32
        %add3A_828 = arith.addi %mul3A_471, %add3A_827 : i32
        %mul3A_829 = arith.constant 16 : i32
        %mul3A_830 = arith.muli %add3A_828, %mul3A_829 : i32
        %add3A_831 = arith.constant 10000 : i32
        %add3A_832 = arith.addi %add3A_831, %mul3A_830 : i32
        %dma_start3A_833 = tpu.memref_slice %arg6[%add3A_832] : memref<20000xi32, #tpu.memory_space<vmem>> -> memref<16xi32, #tpu.memory_space<vmem>>
        %dma_start3A_834 = arith.constant 0 : i32
        %dma_start3A_835 = arith.constant 0 : i32
        %dma_start3A_836 = tpu.memref_slice %arg7[%dma_start3A_834, %dma_start3A_835] : memref<10000x128xf32, #tpu.memory_space<vmem_shared>> -> memref<10000x128xf32, #tpu.memory_space<vmem_shared>>
        tpu.enqueue_indirect_dma source(%dma_start3A_836 : memref<10000x128xf32, #tpu.memory_space<vmem_shared>>) target(%arg19 : memref<16x128xf32, #tpu.memory_space<vmem>>) offsets(%dma_start3A_833 : memref<16xi32, #tpu.memory_space<vmem>>) semaphore(%arg34 : memref<!tpu.dma_semaphore, #tpu.memory_space<semaphore_mem>>)
      } else {
      }
      %ne3A_671 = arith.constant 0 : i32
      %ne3A_672 = arith.cmpi ne, %scan3A_469, %ne3A_671 : i32
      %add3A_673 = arith.constant 12 : i32
      %add3A_674 = arith.addi %mul3A_471, %add3A_673 : i32
      %lt3A_675 = arith.constant 625 : i32
      %lt3A_676 = arith.cmpi slt, %add3A_674, %lt3A_675 : i32
      %and3A_677 = arith.andi %ne3A_672, %lt3A_676 : i1
      %convert_element_type3A_678 = arith.extui %and3A_677 : i1 to i32
      %cond3A_679 = arith.constant 0 : i32
      %cond3A_680 = arith.cmpi ne, %convert_element_type3A_678, %cond3A_679 : i32
      scf.if %cond3A_680 {
        %add3A_827 = arith.constant 12 : i32
        %add3A_828 = arith.addi %mul3A_471, %add3A_827 : i32
        %sub3A = arith.constant 15 : i32
        %sub3A_829 = arith.subi %add3A_828, %sub3A : i32
        %mul3A_830 = arith.constant 16 : i32
        %mul3A_831 = arith.muli %sub3A_829, %mul3A_830 : i32
        %add3A_832 = arith.addi %mul3A_2, %mul3A_831 : i32
        %dma_wait3A_833 = arith.constant 0 : i32
        %dma_wait3A_834 = tpu.memref_slice %arg5[%add3A_832, %dma_wait3A_833] : memref<320000x128xf32, #tpu.memory_space<hbm>> -> memref<16x128xf32, #tpu.memory_space<hbm>>
        %dma_wait3A_835 = arith.constant 0 : i32
        %dma_wait3A_836 = tpu.memref_slice %arg5[%add3A_832, %dma_wait3A_835] : memref<320000x128xf32, #tpu.memory_space<hbm>> -> memref<16x128xf32, #tpu.memory_space<hbm>>
        tpu.wait_dma2 semaphore(%arg50 : memref<!tpu.dma_semaphore, #tpu.memory_space<semaphore_mem>>) src(%arg20 : memref<16x128xf32, #tpu.memory_space<vmem>>) dst(%dma_wait3A_836 : memref<16x128xf32, #tpu.memory_space<hbm>>)
      } else {
      }
      %add3A_681 = arith.constant 12 : i32
      %add3A_682 = arith.addi %mul3A_471, %add3A_681 : i32
      %lt3A_683 = arith.constant 625 : i32
      %lt3A_684 = arith.cmpi slt, %add3A_682, %lt3A_683 : i32
      %convert_element_type3A_685 = arith.extui %lt3A_684 : i1 to i32
      %cond3A_686 = arith.constant 0 : i32
      %cond3A_687 = arith.cmpi ne, %convert_element_type3A_685, %cond3A_686 : i32
      scf.if %cond3A_687 {
        %add3A_827 = arith.constant 12 : i32
        %add3A_828 = arith.addi %mul3A_471, %add3A_827 : i32
        %mul3A_829 = arith.constant 16 : i32
        %mul3A_830 = arith.muli %add3A_828, %mul3A_829 : i32
        %add3A_831 = arith.constant 10000 : i32
        %add3A_832 = arith.addi %add3A_831, %mul3A_830 : i32
        %dma_start3A_833 = tpu.memref_slice %arg6[%add3A_832] : memref<20000xi32, #tpu.memory_space<vmem>> -> memref<16xi32, #tpu.memory_space<vmem>>
        %dma_start3A_834 = arith.constant 0 : i32
        %dma_start3A_835 = arith.constant 0 : i32
        %dma_start3A_836 = tpu.memref_slice %arg7[%dma_start3A_834, %dma_start3A_835] : memref<10000x128xf32, #tpu.memory_space<vmem_shared>> -> memref<10000x128xf32, #tpu.memory_space<vmem_shared>>
        tpu.enqueue_indirect_dma source(%dma_start3A_836 : memref<10000x128xf32, #tpu.memory_space<vmem_shared>>) target(%arg20 : memref<16x128xf32, #tpu.memory_space<vmem>>) offsets(%dma_start3A_833 : memref<16xi32, #tpu.memory_space<vmem>>) semaphore(%arg35 : memref<!tpu.dma_semaphore, #tpu.memory_space<semaphore_mem>>)
      } else {
      }
      %ne3A_688 = arith.constant 0 : i32
      %ne3A_689 = arith.cmpi ne, %scan3A_469, %ne3A_688 : i32
      %add3A_690 = arith.constant 13 : i32
      %add3A_691 = arith.addi %mul3A_471, %add3A_690 : i32
      %lt3A_692 = arith.constant 625 : i32
      %lt3A_693 = arith.cmpi slt, %add3A_691, %lt3A_692 : i32
      %and3A_694 = arith.andi %ne3A_689, %lt3A_693 : i1
      %convert_element_type3A_695 = arith.extui %and3A_694 : i1 to i32
      %cond3A_696 = arith.constant 0 : i32
      %cond3A_697 = arith.cmpi ne, %convert_element_type3A_695, %cond3A_696 : i32
      scf.if %cond3A_697 {
        %add3A_827 = arith.constant 13 : i32
        %add3A_828 = arith.addi %mul3A_471, %add3A_827 : i32
        %sub3A = arith.constant 15 : i32
        %sub3A_829 = arith.subi %add3A_828, %sub3A : i32
        %mul3A_830 = arith.constant 16 : i32
        %mul3A_831 = arith.muli %sub3A_829, %mul3A_830 : i32
        %add3A_832 = arith.addi %mul3A_2, %mul3A_831 : i32
        %dma_wait3A_833 = arith.constant 0 : i32
        %dma_wait3A_834 = tpu.memref_slice %arg5[%add3A_832, %dma_wait3A_833] : memref<320000x128xf32, #tpu.memory_space<hbm>> -> memref<16x128xf32, #tpu.memory_space<hbm>>
        %dma_wait3A_835 = arith.constant 0 : i32
        %dma_wait3A_836 = tpu.memref_slice %arg5[%add3A_832, %dma_wait3A_835] : memref<320000x128xf32, #tpu.memory_space<hbm>> -> memref<16x128xf32, #tpu.memory_space<hbm>>
        tpu.wait_dma2 semaphore(%arg51 : memref<!tpu.dma_semaphore, #tpu.memory_space<semaphore_mem>>) src(%arg21 : memref<16x128xf32, #tpu.memory_space<vmem>>) dst(%dma_wait3A_836 : memref<16x128xf32, #tpu.memory_space<hbm>>)
      } else {
      }
      %add3A_698 = arith.constant 13 : i32
      %add3A_699 = arith.addi %mul3A_471, %add3A_698 : i32
      %lt3A_700 = arith.constant 625 : i32
      %lt3A_701 = arith.cmpi slt, %add3A_699, %lt3A_700 : i32
      %convert_element_type3A_702 = arith.extui %lt3A_701 : i1 to i32
      %cond3A_703 = arith.constant 0 : i32
      %cond3A_704 = arith.cmpi ne, %convert_element_type3A_702, %cond3A_703 : i32
      scf.if %cond3A_704 {
        %add3A_827 = arith.constant 13 : i32
        %add3A_828 = arith.addi %mul3A_471, %add3A_827 : i32
        %mul3A_829 = arith.constant 16 : i32
        %mul3A_830 = arith.muli %add3A_828, %mul3A_829 : i32
        %add3A_831 = arith.constant 10000 : i32
        %add3A_832 = arith.addi %add3A_831, %mul3A_830 : i32
        %dma_start3A_833 = tpu.memref_slice %arg6[%add3A_832] : memref<20000xi32, #tpu.memory_space<vmem>> -> memref<16xi32, #tpu.memory_space<vmem>>
        %dma_start3A_834 = arith.constant 0 : i32
        %dma_start3A_835 = arith.constant 0 : i32
        %dma_start3A_836 = tpu.memref_slice %arg7[%dma_start3A_834, %dma_start3A_835] : memref<10000x128xf32, #tpu.memory_space<vmem_shared>> -> memref<10000x128xf32, #tpu.memory_space<vmem_shared>>
        tpu.enqueue_indirect_dma source(%dma_start3A_836 : memref<10000x128xf32, #tpu.memory_space<vmem_shared>>) target(%arg21 : memref<16x128xf32, #tpu.memory_space<vmem>>) offsets(%dma_start3A_833 : memref<16xi32, #tpu.memory_space<vmem>>) semaphore(%arg36 : memref<!tpu.dma_semaphore, #tpu.memory_space<semaphore_mem>>)
      } else {
      }
      %ne3A_705 = arith.constant 0 : i32
      %ne3A_706 = arith.cmpi ne, %scan3A_469, %ne3A_705 : i32
      %add3A_707 = arith.constant 14 : i32
      %add3A_708 = arith.addi %mul3A_471, %add3A_707 : i32
      %lt3A_709 = arith.constant 625 : i32
      %lt3A_710 = arith.cmpi slt, %add3A_708, %lt3A_709 : i32
      %and3A_711 = arith.andi %ne3A_706, %lt3A_710 : i1
      %convert_element_type3A_712 = arith.extui %and3A_711 : i1 to i32
      %cond3A_713 = arith.constant 0 : i32
      %cond3A_714 = arith.cmpi ne, %convert_element_type3A_712, %cond3A_713 : i32
      scf.if %cond3A_714 {
        %add3A_827 = arith.constant 14 : i32
        %add3A_828 = arith.addi %mul3A_471, %add3A_827 : i32
        %sub3A = arith.constant 15 : i32
        %sub3A_829 = arith.subi %add3A_828, %sub3A : i32
        %mul3A_830 = arith.constant 16 : i32
        %mul3A_831 = arith.muli %sub3A_829, %mul3A_830 : i32
        %add3A_832 = arith.addi %mul3A_2, %mul3A_831 : i32
        %dma_wait3A_833 = arith.constant 0 : i32
        %dma_wait3A_834 = tpu.memref_slice %arg5[%add3A_832, %dma_wait3A_833] : memref<320000x128xf32, #tpu.memory_space<hbm>> -> memref<16x128xf32, #tpu.memory_space<hbm>>
        %dma_wait3A_835 = arith.constant 0 : i32
        %dma_wait3A_836 = tpu.memref_slice %arg5[%add3A_832, %dma_wait3A_835] : memref<320000x128xf32, #tpu.memory_space<hbm>> -> memref<16x128xf32, #tpu.memory_space<hbm>>
        tpu.wait_dma2 semaphore(%arg52 : memref<!tpu.dma_semaphore, #tpu.memory_space<semaphore_mem>>) src(%arg22 : memref<16x128xf32, #tpu.memory_space<vmem>>) dst(%dma_wait3A_836 : memref<16x128xf32, #tpu.memory_space<hbm>>)
      } else {
      }
      %add3A_715 = arith.constant 14 : i32
      %add3A_716 = arith.addi %mul3A_471, %add3A_715 : i32
      %lt3A_717 = arith.constant 625 : i32
      %lt3A_718 = arith.cmpi slt, %add3A_716, %lt3A_717 : i32
      %convert_element_type3A_719 = arith.extui %lt3A_718 : i1 to i32
      %cond3A_720 = arith.constant 0 : i32
      %cond3A_721 = arith.cmpi ne, %convert_element_type3A_719, %cond3A_720 : i32
      scf.if %cond3A_721 {
        %add3A_827 = arith.constant 14 : i32
        %add3A_828 = arith.addi %mul3A_471, %add3A_827 : i32
        %mul3A_829 = arith.constant 16 : i32
        %mul3A_830 = arith.muli %add3A_828, %mul3A_829 : i32
        %add3A_831 = arith.constant 10000 : i32
        %add3A_832 = arith.addi %add3A_831, %mul3A_830 : i32
        %dma_start3A_833 = tpu.memref_slice %arg6[%add3A_832] : memref<20000xi32, #tpu.memory_space<vmem>> -> memref<16xi32, #tpu.memory_space<vmem>>
        %dma_start3A_834 = arith.constant 0 : i32
        %dma_start3A_835 = arith.constant 0 : i32
        %dma_start3A_836 = tpu.memref_slice %arg7[%dma_start3A_834, %dma_start3A_835] : memref<10000x128xf32, #tpu.memory_space<vmem_shared>> -> memref<10000x128xf32, #tpu.memory_space<vmem_shared>>
        tpu.enqueue_indirect_dma source(%dma_start3A_836 : memref<10000x128xf32, #tpu.memory_space<vmem_shared>>) target(%arg22 : memref<16x128xf32, #tpu.memory_space<vmem>>) offsets(%dma_start3A_833 : memref<16xi32, #tpu.memory_space<vmem>>) semaphore(%arg37 : memref<!tpu.dma_semaphore, #tpu.memory_space<semaphore_mem>>)
      } else {
      }
      %add3A_722 = arith.constant 0 : i32
      %add3A_723 = arith.addi %mul3A_471, %add3A_722 : i32
      %lt3A_724 = arith.constant 625 : i32
      %lt3A_725 = arith.cmpi slt, %add3A_723, %lt3A_724 : i32
      %convert_element_type3A_726 = arith.extui %lt3A_725 : i1 to i32
      %cond3A_727 = arith.constant 0 : i32
      %cond3A_728 = arith.cmpi ne, %convert_element_type3A_726, %cond3A_727 : i32
      scf.if %cond3A_728 {
        %add3A_827 = arith.constant 0 : i32
        %add3A_828 = arith.addi %mul3A_471, %add3A_827 : i32
        %mul3A_829 = arith.constant 16 : i32
        %mul3A_830 = arith.muli %add3A_828, %mul3A_829 : i32
        %add3A_831 = arith.constant 10000 : i32
        %add3A_832 = arith.addi %add3A_831, %mul3A_830 : i32
        %dma_wait3A_833 = tpu.memref_slice %arg6[%add3A_832] : memref<20000xi32, #tpu.memory_space<vmem>> -> memref<16xi32, #tpu.memory_space<vmem>>
        %dma_wait3A_834 = arith.constant 0 : i32
        %dma_wait3A_835 = arith.constant 0 : i32
        %dma_wait3A_836 = tpu.memref_slice %arg7[%dma_wait3A_834, %dma_wait3A_835] : memref<10000x128xf32, #tpu.memory_space<vmem_shared>> -> memref<10000x128xf32, #tpu.memory_space<vmem_shared>>
        tpu.wait_indirect_dma semaphore(%arg23 : memref<!tpu.dma_semaphore, #tpu.memory_space<semaphore_mem>>) src(%dma_wait3A_836 : memref<10000x128xf32, #tpu.memory_space<vmem_shared>>) dst(%arg8 : memref<16x128xf32, #tpu.memory_space<vmem>>)
        %add3A_837 = arith.constant 0 : i32
        %add3A_838 = arith.addi %mul3A_471, %add3A_837 : i32
        %mul3A_839 = arith.constant 16 : i32
        %mul3A_840 = arith.muli %add3A_838, %mul3A_839 : i32
        %add3A_841 = arith.addi %mul3A_2, %mul3A_840 : i32
        %dma_start3A_842 = arith.constant 0 : i32
        %dma_start3A_843 = tpu.memref_slice %arg5[%add3A_841, %dma_start3A_842] : memref<320000x128xf32, #tpu.memory_space<hbm>> -> memref<16x128xf32, #tpu.memory_space<hbm>>
        %dma_start3A_844 = arith.constant 0 : i32
        %dma_start3A_845 = tpu.memref_slice %arg5[%add3A_841, %dma_start3A_844] : memref<320000x128xf32, #tpu.memory_space<hbm>> -> memref<16x128xf32, #tpu.memory_space<hbm>>
        tpu.enqueue_dma source(%arg8 : memref<16x128xf32, #tpu.memory_space<vmem>>) target(%dma_start3A_845 : memref<16x128xf32, #tpu.memory_space<hbm>>) target_semaphore(%arg38 : memref<!tpu.dma_semaphore, #tpu.memory_space<semaphore_mem>>)
      } else {
      }
      %add3A_729 = arith.constant 1 : i32
      %add3A_730 = arith.addi %mul3A_471, %add3A_729 : i32
      %lt3A_731 = arith.constant 625 : i32
      %lt3A_732 = arith.cmpi slt, %add3A_730, %lt3A_731 : i32
      %convert_element_type3A_733 = arith.extui %lt3A_732 : i1 to i32
      %cond3A_734 = arith.constant 0 : i32
      %cond3A_735 = arith.cmpi ne, %convert_element_type3A_733, %cond3A_734 : i32
      scf.if %cond3A_735 {
        %add3A_827 = arith.constant 1 : i32
        %add3A_828 = arith.addi %mul3A_471, %add3A_827 : i32
        %mul3A_829 = arith.constant 16 : i32
        %mul3A_830 = arith.muli %add3A_828, %mul3A_829 : i32
        %add3A_831 = arith.constant 10000 : i32
        %add3A_832 = arith.addi %add3A_831, %mul3A_830 : i32
        %dma_wait3A_833 = tpu.memref_slice %arg6[%add3A_832] : memref<20000xi32, #tpu.memory_space<vmem>> -> memref<16xi32, #tpu.memory_space<vmem>>
        %dma_wait3A_834 = arith.constant 0 : i32
        %dma_wait3A_835 = arith.constant 0 : i32
        %dma_wait3A_836 = tpu.memref_slice %arg7[%dma_wait3A_834, %dma_wait3A_835] : memref<10000x128xf32, #tpu.memory_space<vmem_shared>> -> memref<10000x128xf32, #tpu.memory_space<vmem_shared>>
        tpu.wait_indirect_dma semaphore(%arg24 : memref<!tpu.dma_semaphore, #tpu.memory_space<semaphore_mem>>) src(%dma_wait3A_836 : memref<10000x128xf32, #tpu.memory_space<vmem_shared>>) dst(%arg9 : memref<16x128xf32, #tpu.memory_space<vmem>>)
        %add3A_837 = arith.constant 1 : i32
        %add3A_838 = arith.addi %mul3A_471, %add3A_837 : i32
        %mul3A_839 = arith.constant 16 : i32
        %mul3A_840 = arith.muli %add3A_838, %mul3A_839 : i32
        %add3A_841 = arith.addi %mul3A_2, %mul3A_840 : i32
        %dma_start3A_842 = arith.constant 0 : i32
        %dma_start3A_843 = tpu.memref_slice %arg5[%add3A_841, %dma_start3A_842] : memref<320000x128xf32, #tpu.memory_space<hbm>> -> memref<16x128xf32, #tpu.memory_space<hbm>>
        %dma_start3A_844 = arith.constant 0 : i32
        %dma_start3A_845 = tpu.memref_slice %arg5[%add3A_841, %dma_start3A_844] : memref<320000x128xf32, #tpu.memory_space<hbm>> -> memref<16x128xf32, #tpu.memory_space<hbm>>
        tpu.enqueue_dma source(%arg9 : memref<16x128xf32, #tpu.memory_space<vmem>>) target(%dma_start3A_845 : memref<16x128xf32, #tpu.memory_space<hbm>>) target_semaphore(%arg39 : memref<!tpu.dma_semaphore, #tpu.memory_space<semaphore_mem>>)
      } else {
      }
      %add3A_736 = arith.constant 2 : i32
      %add3A_737 = arith.addi %mul3A_471, %add3A_736 : i32
      %lt3A_738 = arith.constant 625 : i32
      %lt3A_739 = arith.cmpi slt, %add3A_737, %lt3A_738 : i32
      %convert_element_type3A_740 = arith.extui %lt3A_739 : i1 to i32
      %cond3A_741 = arith.constant 0 : i32
      %cond3A_742 = arith.cmpi ne, %convert_element_type3A_740, %cond3A_741 : i32
      scf.if %cond3A_742 {
        %add3A_827 = arith.constant 2 : i32
        %add3A_828 = arith.addi %mul3A_471, %add3A_827 : i32
        %mul3A_829 = arith.constant 16 : i32
        %mul3A_830 = arith.muli %add3A_828, %mul3A_829 : i32
        %add3A_831 = arith.constant 10000 : i32
        %add3A_832 = arith.addi %add3A_831, %mul3A_830 : i32
        %dma_wait3A_833 = tpu.memref_slice %arg6[%add3A_832] : memref<20000xi32, #tpu.memory_space<vmem>> -> memref<16xi32, #tpu.memory_space<vmem>>
        %dma_wait3A_834 = arith.constant 0 : i32
        %dma_wait3A_835 = arith.constant 0 : i32
        %dma_wait3A_836 = tpu.memref_slice %arg7[%dma_wait3A_834, %dma_wait3A_835] : memref<10000x128xf32, #tpu.memory_space<vmem_shared>> -> memref<10000x128xf32, #tpu.memory_space<vmem_shared>>
        tpu.wait_indirect_dma semaphore(%arg25 : memref<!tpu.dma_semaphore, #tpu.memory_space<semaphore_mem>>) src(%dma_wait3A_836 : memref<10000x128xf32, #tpu.memory_space<vmem_shared>>) dst(%arg10 : memref<16x128xf32, #tpu.memory_space<vmem>>)
        %add3A_837 = arith.constant 2 : i32
        %add3A_838 = arith.addi %mul3A_471, %add3A_837 : i32
        %mul3A_839 = arith.constant 16 : i32
        %mul3A_840 = arith.muli %add3A_838, %mul3A_839 : i32
        %add3A_841 = arith.addi %mul3A_2, %mul3A_840 : i32
        %dma_start3A_842 = arith.constant 0 : i32
        %dma_start3A_843 = tpu.memref_slice %arg5[%add3A_841, %dma_start3A_842] : memref<320000x128xf32, #tpu.memory_space<hbm>> -> memref<16x128xf32, #tpu.memory_space<hbm>>
        %dma_start3A_844 = arith.constant 0 : i32
        %dma_start3A_845 = tpu.memref_slice %arg5[%add3A_841, %dma_start3A_844] : memref<320000x128xf32, #tpu.memory_space<hbm>> -> memref<16x128xf32, #tpu.memory_space<hbm>>
        tpu.enqueue_dma source(%arg10 : memref<16x128xf32, #tpu.memory_space<vmem>>) target(%dma_start3A_845 : memref<16x128xf32, #tpu.memory_space<hbm>>) target_semaphore(%arg40 : memref<!tpu.dma_semaphore, #tpu.memory_space<semaphore_mem>>)
      } else {
      }
      %add3A_743 = arith.constant 3 : i32
      %add3A_744 = arith.addi %mul3A_471, %add3A_743 : i32
      %lt3A_745 = arith.constant 625 : i32
      %lt3A_746 = arith.cmpi slt, %add3A_744, %lt3A_745 : i32
      %convert_element_type3A_747 = arith.extui %lt3A_746 : i1 to i32
      %cond3A_748 = arith.constant 0 : i32
      %cond3A_749 = arith.cmpi ne, %convert_element_type3A_747, %cond3A_748 : i32
      scf.if %cond3A_749 {
        %add3A_827 = arith.constant 3 : i32
        %add3A_828 = arith.addi %mul3A_471, %add3A_827 : i32
        %mul3A_829 = arith.constant 16 : i32
        %mul3A_830 = arith.muli %add3A_828, %mul3A_829 : i32
        %add3A_831 = arith.constant 10000 : i32
        %add3A_832 = arith.addi %add3A_831, %mul3A_830 : i32
        %dma_wait3A_833 = tpu.memref_slice %arg6[%add3A_832] : memref<20000xi32, #tpu.memory_space<vmem>> -> memref<16xi32, #tpu.memory_space<vmem>>
        %dma_wait3A_834 = arith.constant 0 : i32
        %dma_wait3A_835 = arith.constant 0 : i32
        %dma_wait3A_836 = tpu.memref_slice %arg7[%dma_wait3A_834, %dma_wait3A_835] : memref<10000x128xf32, #tpu.memory_space<vmem_shared>> -> memref<10000x128xf32, #tpu.memory_space<vmem_shared>>
        tpu.wait_indirect_dma semaphore(%arg26 : memref<!tpu.dma_semaphore, #tpu.memory_space<semaphore_mem>>) src(%dma_wait3A_836 : memref<10000x128xf32, #tpu.memory_space<vmem_shared>>) dst(%arg11 : memref<16x128xf32, #tpu.memory_space<vmem>>)
        %add3A_837 = arith.constant 3 : i32
        %add3A_838 = arith.addi %mul3A_471, %add3A_837 : i32
        %mul3A_839 = arith.constant 16 : i32
        %mul3A_840 = arith.muli %add3A_838, %mul3A_839 : i32
        %add3A_841 = arith.addi %mul3A_2, %mul3A_840 : i32
        %dma_start3A_842 = arith.constant 0 : i32
        %dma_start3A_843 = tpu.memref_slice %arg5[%add3A_841, %dma_start3A_842] : memref<320000x128xf32, #tpu.memory_space<hbm>> -> memref<16x128xf32, #tpu.memory_space<hbm>>
        %dma_start3A_844 = arith.constant 0 : i32
        %dma_start3A_845 = tpu.memref_slice %arg5[%add3A_841, %dma_start3A_844] : memref<320000x128xf32, #tpu.memory_space<hbm>> -> memref<16x128xf32, #tpu.memory_space<hbm>>
        tpu.enqueue_dma source(%arg11 : memref<16x128xf32, #tpu.memory_space<vmem>>) target(%dma_start3A_845 : memref<16x128xf32, #tpu.memory_space<hbm>>) target_semaphore(%arg41 : memref<!tpu.dma_semaphore, #tpu.memory_space<semaphore_mem>>)
      } else {
      }
      %add3A_750 = arith.constant 4 : i32
      %add3A_751 = arith.addi %mul3A_471, %add3A_750 : i32
      %lt3A_752 = arith.constant 625 : i32
      %lt3A_753 = arith.cmpi slt, %add3A_751, %lt3A_752 : i32
      %convert_element_type3A_754 = arith.extui %lt3A_753 : i1 to i32
      %cond3A_755 = arith.constant 0 : i32
      %cond3A_756 = arith.cmpi ne, %convert_element_type3A_754, %cond3A_755 : i32
      scf.if %cond3A_756 {
        %add3A_827 = arith.constant 4 : i32
        %add3A_828 = arith.addi %mul3A_471, %add3A_827 : i32
        %mul3A_829 = arith.constant 16 : i32
        %mul3A_830 = arith.muli %add3A_828, %mul3A_829 : i32
        %add3A_831 = arith.constant 10000 : i32
        %add3A_832 = arith.addi %add3A_831, %mul3A_830 : i32
        %dma_wait3A_833 = tpu.memref_slice %arg6[%add3A_832] : memref<20000xi32, #tpu.memory_space<vmem>> -> memref<16xi32, #tpu.memory_space<vmem>>
        %dma_wait3A_834 = arith.constant 0 : i32
        %dma_wait3A_835 = arith.constant 0 : i32
        %dma_wait3A_836 = tpu.memref_slice %arg7[%dma_wait3A_834, %dma_wait3A_835] : memref<10000x128xf32, #tpu.memory_space<vmem_shared>> -> memref<10000x128xf32, #tpu.memory_space<vmem_shared>>
        tpu.wait_indirect_dma semaphore(%arg27 : memref<!tpu.dma_semaphore, #tpu.memory_space<semaphore_mem>>) src(%dma_wait3A_836 : memref<10000x128xf32, #tpu.memory_space<vmem_shared>>) dst(%arg12 : memref<16x128xf32, #tpu.memory_space<vmem>>)
        %add3A_837 = arith.constant 4 : i32
        %add3A_838 = arith.addi %mul3A_471, %add3A_837 : i32
        %mul3A_839 = arith.constant 16 : i32
        %mul3A_840 = arith.muli %add3A_838, %mul3A_839 : i32
        %add3A_841 = arith.addi %mul3A_2, %mul3A_840 : i32
        %dma_start3A_842 = arith.constant 0 : i32
        %dma_start3A_843 = tpu.memref_slice %arg5[%add3A_841, %dma_start3A_842] : memref<320000x128xf32, #tpu.memory_space<hbm>> -> memref<16x128xf32, #tpu.memory_space<hbm>>
        %dma_start3A_844 = arith.constant 0 : i32
        %dma_start3A_845 = tpu.memref_slice %arg5[%add3A_841, %dma_start3A_844] : memref<320000x128xf32, #tpu.memory_space<hbm>> -> memref<16x128xf32, #tpu.memory_space<hbm>>
        tpu.enqueue_dma source(%arg12 : memref<16x128xf32, #tpu.memory_space<vmem>>) target(%dma_start3A_845 : memref<16x128xf32, #tpu.memory_space<hbm>>) target_semaphore(%arg42 : memref<!tpu.dma_semaphore, #tpu.memory_space<semaphore_mem>>)
      } else {
      }
      %add3A_757 = arith.constant 5 : i32
      %add3A_758 = arith.addi %mul3A_471, %add3A_757 : i32
      %lt3A_759 = arith.constant 625 : i32
      %lt3A_760 = arith.cmpi slt, %add3A_758, %lt3A_759 : i32
      %convert_element_type3A_761 = arith.extui %lt3A_760 : i1 to i32
      %cond3A_762 = arith.constant 0 : i32
      %cond3A_763 = arith.cmpi ne, %convert_element_type3A_761, %cond3A_762 : i32
      scf.if %cond3A_763 {
        %add3A_827 = arith.constant 5 : i32
        %add3A_828 = arith.addi %mul3A_471, %add3A_827 : i32
        %mul3A_829 = arith.constant 16 : i32
        %mul3A_830 = arith.muli %add3A_828, %mul3A_829 : i32
        %add3A_831 = arith.constant 10000 : i32
        %add3A_832 = arith.addi %add3A_831, %mul3A_830 : i32
        %dma_wait3A_833 = tpu.memref_slice %arg6[%add3A_832] : memref<20000xi32, #tpu.memory_space<vmem>> -> memref<16xi32, #tpu.memory_space<vmem>>
        %dma_wait3A_834 = arith.constant 0 : i32
        %dma_wait3A_835 = arith.constant 0 : i32
        %dma_wait3A_836 = tpu.memref_slice %arg7[%dma_wait3A_834, %dma_wait3A_835] : memref<10000x128xf32, #tpu.memory_space<vmem_shared>> -> memref<10000x128xf32, #tpu.memory_space<vmem_shared>>
        tpu.wait_indirect_dma semaphore(%arg28 : memref<!tpu.dma_semaphore, #tpu.memory_space<semaphore_mem>>) src(%dma_wait3A_836 : memref<10000x128xf32, #tpu.memory_space<vmem_shared>>) dst(%arg13 : memref<16x128xf32, #tpu.memory_space<vmem>>)
        %add3A_837 = arith.constant 5 : i32
        %add3A_838 = arith.addi %mul3A_471, %add3A_837 : i32
        %mul3A_839 = arith.constant 16 : i32
        %mul3A_840 = arith.muli %add3A_838, %mul3A_839 : i32
        %add3A_841 = arith.addi %mul3A_2, %mul3A_840 : i32
        %dma_start3A_842 = arith.constant 0 : i32
        %dma_start3A_843 = tpu.memref_slice %arg5[%add3A_841, %dma_start3A_842] : memref<320000x128xf32, #tpu.memory_space<hbm>> -> memref<16x128xf32, #tpu.memory_space<hbm>>
        %dma_start3A_844 = arith.constant 0 : i32
        %dma_start3A_845 = tpu.memref_slice %arg5[%add3A_841, %dma_start3A_844] : memref<320000x128xf32, #tpu.memory_space<hbm>> -> memref<16x128xf32, #tpu.memory_space<hbm>>
        tpu.enqueue_dma source(%arg13 : memref<16x128xf32, #tpu.memory_space<vmem>>) target(%dma_start3A_845 : memref<16x128xf32, #tpu.memory_space<hbm>>) target_semaphore(%arg43 : memref<!tpu.dma_semaphore, #tpu.memory_space<semaphore_mem>>)
      } else {
      }
      %add3A_764 = arith.constant 6 : i32
      %add3A_765 = arith.addi %mul3A_471, %add3A_764 : i32
      %lt3A_766 = arith.constant 625 : i32
      %lt3A_767 = arith.cmpi slt, %add3A_765, %lt3A_766 : i32
      %convert_element_type3A_768 = arith.extui %lt3A_767 : i1 to i32
      %cond3A_769 = arith.constant 0 : i32
      %cond3A_770 = arith.cmpi ne, %convert_element_type3A_768, %cond3A_769 : i32
      scf.if %cond3A_770 {
        %add3A_827 = arith.constant 6 : i32
        %add3A_828 = arith.addi %mul3A_471, %add3A_827 : i32
        %mul3A_829 = arith.constant 16 : i32
        %mul3A_830 = arith.muli %add3A_828, %mul3A_829 : i32
        %add3A_831 = arith.constant 10000 : i32
        %add3A_832 = arith.addi %add3A_831, %mul3A_830 : i32
        %dma_wait3A_833 = tpu.memref_slice %arg6[%add3A_832] : memref<20000xi32, #tpu.memory_space<vmem>> -> memref<16xi32, #tpu.memory_space<vmem>>
        %dma_wait3A_834 = arith.constant 0 : i32
        %dma_wait3A_835 = arith.constant 0 : i32
        %dma_wait3A_836 = tpu.memref_slice %arg7[%dma_wait3A_834, %dma_wait3A_835] : memref<10000x128xf32, #tpu.memory_space<vmem_shared>> -> memref<10000x128xf32, #tpu.memory_space<vmem_shared>>
        tpu.wait_indirect_dma semaphore(%arg29 : memref<!tpu.dma_semaphore, #tpu.memory_space<semaphore_mem>>) src(%dma_wait3A_836 : memref<10000x128xf32, #tpu.memory_space<vmem_shared>>) dst(%arg14 : memref<16x128xf32, #tpu.memory_space<vmem>>)
        %add3A_837 = arith.constant 6 : i32
        %add3A_838 = arith.addi %mul3A_471, %add3A_837 : i32
        %mul3A_839 = arith.constant 16 : i32
        %mul3A_840 = arith.muli %add3A_838, %mul3A_839 : i32
        %add3A_841 = arith.addi %mul3A_2, %mul3A_840 : i32
        %dma_start3A_842 = arith.constant 0 : i32
        %dma_start3A_843 = tpu.memref_slice %arg5[%add3A_841, %dma_start3A_842] : memref<320000x128xf32, #tpu.memory_space<hbm>> -> memref<16x128xf32, #tpu.memory_space<hbm>>
        %dma_start3A_844 = arith.constant 0 : i32
        %dma_start3A_845 = tpu.memref_slice %arg5[%add3A_841, %dma_start3A_844] : memref<320000x128xf32, #tpu.memory_space<hbm>> -> memref<16x128xf32, #tpu.memory_space<hbm>>
        tpu.enqueue_dma source(%arg14 : memref<16x128xf32, #tpu.memory_space<vmem>>) target(%dma_start3A_845 : memref<16x128xf32, #tpu.memory_space<hbm>>) target_semaphore(%arg44 : memref<!tpu.dma_semaphore, #tpu.memory_space<semaphore_mem>>)
      } else {
      }
      %add3A_771 = arith.constant 7 : i32
      %add3A_772 = arith.addi %mul3A_471, %add3A_771 : i32
      %lt3A_773 = arith.constant 625 : i32
      %lt3A_774 = arith.cmpi slt, %add3A_772, %lt3A_773 : i32
      %convert_element_type3A_775 = arith.extui %lt3A_774 : i1 to i32
      %cond3A_776 = arith.constant 0 : i32
      %cond3A_777 = arith.cmpi ne, %convert_element_type3A_775, %cond3A_776 : i32
      scf.if %cond3A_777 {
        %add3A_827 = arith.constant 7 : i32
        %add3A_828 = arith.addi %mul3A_471, %add3A_827 : i32
        %mul3A_829 = arith.constant 16 : i32
        %mul3A_830 = arith.muli %add3A_828, %mul3A_829 : i32
        %add3A_831 = arith.constant 10000 : i32
        %add3A_832 = arith.addi %add3A_831, %mul3A_830 : i32
        %dma_wait3A_833 = tpu.memref_slice %arg6[%add3A_832] : memref<20000xi32, #tpu.memory_space<vmem>> -> memref<16xi32, #tpu.memory_space<vmem>>
        %dma_wait3A_834 = arith.constant 0 : i32
        %dma_wait3A_835 = arith.constant 0 : i32
        %dma_wait3A_836 = tpu.memref_slice %arg7[%dma_wait3A_834, %dma_wait3A_835] : memref<10000x128xf32, #tpu.memory_space<vmem_shared>> -> memref<10000x128xf32, #tpu.memory_space<vmem_shared>>
        tpu.wait_indirect_dma semaphore(%arg30 : memref<!tpu.dma_semaphore, #tpu.memory_space<semaphore_mem>>) src(%dma_wait3A_836 : memref<10000x128xf32, #tpu.memory_space<vmem_shared>>) dst(%arg15 : memref<16x128xf32, #tpu.memory_space<vmem>>)
        %add3A_837 = arith.constant 7 : i32
        %add3A_838 = arith.addi %mul3A_471, %add3A_837 : i32
        %mul3A_839 = arith.constant 16 : i32
        %mul3A_840 = arith.muli %add3A_838, %mul3A_839 : i32
        %add3A_841 = arith.addi %mul3A_2, %mul3A_840 : i32
        %dma_start3A_842 = arith.constant 0 : i32
        %dma_start3A_843 = tpu.memref_slice %arg5[%add3A_841, %dma_start3A_842] : memref<320000x128xf32, #tpu.memory_space<hbm>> -> memref<16x128xf32, #tpu.memory_space<hbm>>
        %dma_start3A_844 = arith.constant 0 : i32
        %dma_start3A_845 = tpu.memref_slice %arg5[%add3A_841, %dma_start3A_844] : memref<320000x128xf32, #tpu.memory_space<hbm>> -> memref<16x128xf32, #tpu.memory_space<hbm>>
        tpu.enqueue_dma source(%arg15 : memref<16x128xf32, #tpu.memory_space<vmem>>) target(%dma_start3A_845 : memref<16x128xf32, #tpu.memory_space<hbm>>) target_semaphore(%arg45 : memref<!tpu.dma_semaphore, #tpu.memory_space<semaphore_mem>>)
      } else {
      }
      %add3A_778 = arith.constant 8 : i32
      %add3A_779 = arith.addi %mul3A_471, %add3A_778 : i32
      %lt3A_780 = arith.constant 625 : i32
      %lt3A_781 = arith.cmpi slt, %add3A_779, %lt3A_780 : i32
      %convert_element_type3A_782 = arith.extui %lt3A_781 : i1 to i32
      %cond3A_783 = arith.constant 0 : i32
      %cond3A_784 = arith.cmpi ne, %convert_element_type3A_782, %cond3A_783 : i32
      scf.if %cond3A_784 {
        %add3A_827 = arith.constant 8 : i32
        %add3A_828 = arith.addi %mul3A_471, %add3A_827 : i32
        %mul3A_829 = arith.constant 16 : i32
        %mul3A_830 = arith.muli %add3A_828, %mul3A_829 : i32
        %add3A_831 = arith.constant 10000 : i32
        %add3A_832 = arith.addi %add3A_831, %mul3A_830 : i32
        %dma_wait3A_833 = tpu.memref_slice %arg6[%add3A_832] : memref<20000xi32, #tpu.memory_space<vmem>> -> memref<16xi32, #tpu.memory_space<vmem>>
        %dma_wait3A_834 = arith.constant 0 : i32
        %dma_wait3A_835 = arith.constant 0 : i32
        %dma_wait3A_836 = tpu.memref_slice %arg7[%dma_wait3A_834, %dma_wait3A_835] : memref<10000x128xf32, #tpu.memory_space<vmem_shared>> -> memref<10000x128xf32, #tpu.memory_space<vmem_shared>>
        tpu.wait_indirect_dma semaphore(%arg31 : memref<!tpu.dma_semaphore, #tpu.memory_space<semaphore_mem>>) src(%dma_wait3A_836 : memref<10000x128xf32, #tpu.memory_space<vmem_shared>>) dst(%arg16 : memref<16x128xf32, #tpu.memory_space<vmem>>)
        %add3A_837 = arith.constant 8 : i32
        %add3A_838 = arith.addi %mul3A_471, %add3A_837 : i32
        %mul3A_839 = arith.constant 16 : i32
        %mul3A_840 = arith.muli %add3A_838, %mul3A_839 : i32
        %add3A_841 = arith.addi %mul3A_2, %mul3A_840 : i32
        %dma_start3A_842 = arith.constant 0 : i32
        %dma_start3A_843 = tpu.memref_slice %arg5[%add3A_841, %dma_start3A_842] : memref<320000x128xf32, #tpu.memory_space<hbm>> -> memref<16x128xf32, #tpu.memory_space<hbm>>
        %dma_start3A_844 = arith.constant 0 : i32
        %dma_start3A_845 = tpu.memref_slice %arg5[%add3A_841, %dma_start3A_844] : memref<320000x128xf32, #tpu.memory_space<hbm>> -> memref<16x128xf32, #tpu.memory_space<hbm>>
        tpu.enqueue_dma source(%arg16 : memref<16x128xf32, #tpu.memory_space<vmem>>) target(%dma_start3A_845 : memref<16x128xf32, #tpu.memory_space<hbm>>) target_semaphore(%arg46 : memref<!tpu.dma_semaphore, #tpu.memory_space<semaphore_mem>>)
      } else {
      }
      %add3A_785 = arith.constant 9 : i32
      %add3A_786 = arith.addi %mul3A_471, %add3A_785 : i32
      %lt3A_787 = arith.constant 625 : i32
      %lt3A_788 = arith.cmpi slt, %add3A_786, %lt3A_787 : i32
      %convert_element_type3A_789 = arith.extui %lt3A_788 : i1 to i32
      %cond3A_790 = arith.constant 0 : i32
      %cond3A_791 = arith.cmpi ne, %convert_element_type3A_789, %cond3A_790 : i32
      scf.if %cond3A_791 {
        %add3A_827 = arith.constant 9 : i32
        %add3A_828 = arith.addi %mul3A_471, %add3A_827 : i32
        %mul3A_829 = arith.constant 16 : i32
        %mul3A_830 = arith.muli %add3A_828, %mul3A_829 : i32
        %add3A_831 = arith.constant 10000 : i32
        %add3A_832 = arith.addi %add3A_831, %mul3A_830 : i32
        %dma_wait3A_833 = tpu.memref_slice %arg6[%add3A_832] : memref<20000xi32, #tpu.memory_space<vmem>> -> memref<16xi32, #tpu.memory_space<vmem>>
        %dma_wait3A_834 = arith.constant 0 : i32
        %dma_wait3A_835 = arith.constant 0 : i32
        %dma_wait3A_836 = tpu.memref_slice %arg7[%dma_wait3A_834, %dma_wait3A_835] : memref<10000x128xf32, #tpu.memory_space<vmem_shared>> -> memref<10000x128xf32, #tpu.memory_space<vmem_shared>>
        tpu.wait_indirect_dma semaphore(%arg32 : memref<!tpu.dma_semaphore, #tpu.memory_space<semaphore_mem>>) src(%dma_wait3A_836 : memref<10000x128xf32, #tpu.memory_space<vmem_shared>>) dst(%arg17 : memref<16x128xf32, #tpu.memory_space<vmem>>)
        %add3A_837 = arith.constant 9 : i32
        %add3A_838 = arith.addi %mul3A_471, %add3A_837 : i32
        %mul3A_839 = arith.constant 16 : i32
        %mul3A_840 = arith.muli %add3A_838, %mul3A_839 : i32
        %add3A_841 = arith.addi %mul3A_2, %mul3A_840 : i32
        %dma_start3A_842 = arith.constant 0 : i32
        %dma_start3A_843 = tpu.memref_slice %arg5[%add3A_841, %dma_start3A_842] : memref<320000x128xf32, #tpu.memory_space<hbm>> -> memref<16x128xf32, #tpu.memory_space<hbm>>
        %dma_start3A_844 = arith.constant 0 : i32
        %dma_start3A_845 = tpu.memref_slice %arg5[%add3A_841, %dma_start3A_844] : memref<320000x128xf32, #tpu.memory_space<hbm>> -> memref<16x128xf32, #tpu.memory_space<hbm>>
        tpu.enqueue_dma source(%arg17 : memref<16x128xf32, #tpu.memory_space<vmem>>) target(%dma_start3A_845 : memref<16x128xf32, #tpu.memory_space<hbm>>) target_semaphore(%arg47 : memref<!tpu.dma_semaphore, #tpu.memory_space<semaphore_mem>>)
      } else {
      }
      %add3A_792 = arith.constant 10 : i32
      %add3A_793 = arith.addi %mul3A_471, %add3A_792 : i32
      %lt3A_794 = arith.constant 625 : i32
      %lt3A_795 = arith.cmpi slt, %add3A_793, %lt3A_794 : i32
      %convert_element_type3A_796 = arith.extui %lt3A_795 : i1 to i32
      %cond3A_797 = arith.constant 0 : i32
      %cond3A_798 = arith.cmpi ne, %convert_element_type3A_796, %cond3A_797 : i32
      scf.if %cond3A_798 {
        %add3A_827 = arith.constant 10 : i32
        %add3A_828 = arith.addi %mul3A_471, %add3A_827 : i32
        %mul3A_829 = arith.constant 16 : i32
        %mul3A_830 = arith.muli %add3A_828, %mul3A_829 : i32
        %add3A_831 = arith.constant 10000 : i32
        %add3A_832 = arith.addi %add3A_831, %mul3A_830 : i32
        %dma_wait3A_833 = tpu.memref_slice %arg6[%add3A_832] : memref<20000xi32, #tpu.memory_space<vmem>> -> memref<16xi32, #tpu.memory_space<vmem>>
        %dma_wait3A_834 = arith.constant 0 : i32
        %dma_wait3A_835 = arith.constant 0 : i32
        %dma_wait3A_836 = tpu.memref_slice %arg7[%dma_wait3A_834, %dma_wait3A_835] : memref<10000x128xf32, #tpu.memory_space<vmem_shared>> -> memref<10000x128xf32, #tpu.memory_space<vmem_shared>>
        tpu.wait_indirect_dma semaphore(%arg33 : memref<!tpu.dma_semaphore, #tpu.memory_space<semaphore_mem>>) src(%dma_wait3A_836 : memref<10000x128xf32, #tpu.memory_space<vmem_shared>>) dst(%arg18 : memref<16x128xf32, #tpu.memory_space<vmem>>)
        %add3A_837 = arith.constant 10 : i32
        %add3A_838 = arith.addi %mul3A_471, %add3A_837 : i32
        %mul3A_839 = arith.constant 16 : i32
        %mul3A_840 = arith.muli %add3A_838, %mul3A_839 : i32
        %add3A_841 = arith.addi %mul3A_2, %mul3A_840 : i32
        %dma_start3A_842 = arith.constant 0 : i32
        %dma_start3A_843 = tpu.memref_slice %arg5[%add3A_841, %dma_start3A_842] : memref<320000x128xf32, #tpu.memory_space<hbm>> -> memref<16x128xf32, #tpu.memory_space<hbm>>
        %dma_start3A_844 = arith.constant 0 : i32
        %dma_start3A_845 = tpu.memref_slice %arg5[%add3A_841, %dma_start3A_844] : memref<320000x128xf32, #tpu.memory_space<hbm>> -> memref<16x128xf32, #tpu.memory_space<hbm>>
        tpu.enqueue_dma source(%arg18 : memref<16x128xf32, #tpu.memory_space<vmem>>) target(%dma_start3A_845 : memref<16x128xf32, #tpu.memory_space<hbm>>) target_semaphore(%arg48 : memref<!tpu.dma_semaphore, #tpu.memory_space<semaphore_mem>>)
      } else {
      }
      %add3A_799 = arith.constant 11 : i32
      %add3A_800 = arith.addi %mul3A_471, %add3A_799 : i32
      %lt3A_801 = arith.constant 625 : i32
      %lt3A_802 = arith.cmpi slt, %add3A_800, %lt3A_801 : i32
      %convert_element_type3A_803 = arith.extui %lt3A_802 : i1 to i32
      %cond3A_804 = arith.constant 0 : i32
      %cond3A_805 = arith.cmpi ne, %convert_element_type3A_803, %cond3A_804 : i32
      scf.if %cond3A_805 {
        %add3A_827 = arith.constant 11 : i32
        %add3A_828 = arith.addi %mul3A_471, %add3A_827 : i32
        %mul3A_829 = arith.constant 16 : i32
        %mul3A_830 = arith.muli %add3A_828, %mul3A_829 : i32
        %add3A_831 = arith.constant 10000 : i32
        %add3A_832 = arith.addi %add3A_831, %mul3A_830 : i32
        %dma_wait3A_833 = tpu.memref_slice %arg6[%add3A_832] : memref<20000xi32, #tpu.memory_space<vmem>> -> memref<16xi32, #tpu.memory_space<vmem>>
        %dma_wait3A_834 = arith.constant 0 : i32
        %dma_wait3A_835 = arith.constant 0 : i32
        %dma_wait3A_836 = tpu.memref_slice %arg7[%dma_wait3A_834, %dma_wait3A_835] : memref<10000x128xf32, #tpu.memory_space<vmem_shared>> -> memref<10000x128xf32, #tpu.memory_space<vmem_shared>>
        tpu.wait_indirect_dma semaphore(%arg34 : memref<!tpu.dma_semaphore, #tpu.memory_space<semaphore_mem>>) src(%dma_wait3A_836 : memref<10000x128xf32, #tpu.memory_space<vmem_shared>>) dst(%arg19 : memref<16x128xf32, #tpu.memory_space<vmem>>)
        %add3A_837 = arith.constant 11 : i32
        %add3A_838 = arith.addi %mul3A_471, %add3A_837 : i32
        %mul3A_839 = arith.constant 16 : i32
        %mul3A_840 = arith.muli %add3A_838, %mul3A_839 : i32
        %add3A_841 = arith.addi %mul3A_2, %mul3A_840 : i32
        %dma_start3A_842 = arith.constant 0 : i32
        %dma_start3A_843 = tpu.memref_slice %arg5[%add3A_841, %dma_start3A_842] : memref<320000x128xf32, #tpu.memory_space<hbm>> -> memref<16x128xf32, #tpu.memory_space<hbm>>
        %dma_start3A_844 = arith.constant 0 : i32
        %dma_start3A_845 = tpu.memref_slice %arg5[%add3A_841, %dma_start3A_844] : memref<320000x128xf32, #tpu.memory_space<hbm>> -> memref<16x128xf32, #tpu.memory_space<hbm>>
        tpu.enqueue_dma source(%arg19 : memref<16x128xf32, #tpu.memory_space<vmem>>) target(%dma_start3A_845 : memref<16x128xf32, #tpu.memory_space<hbm>>) target_semaphore(%arg49 : memref<!tpu.dma_semaphore, #tpu.memory_space<semaphore_mem>>)
      } else {
      }
      %add3A_806 = arith.constant 12 : i32
      %add3A_807 = arith.addi %mul3A_471, %add3A_806 : i32
      %lt3A_808 = arith.constant 625 : i32
      %lt3A_809 = arith.cmpi slt, %add3A_807, %lt3A_808 : i32
      %convert_element_type3A_810 = arith.extui %lt3A_809 : i1 to i32
      %cond3A_811 = arith.constant 0 : i32
      %cond3A_812 = arith.cmpi ne, %convert_element_type3A_810, %cond3A_811 : i32
      scf.if %cond3A_812 {
        %add3A_827 = arith.constant 12 : i32
        %add3A_828 = arith.addi %mul3A_471, %add3A_827 : i32
        %mul3A_829 = arith.constant 16 : i32
        %mul3A_830 = arith.muli %add3A_828, %mul3A_829 : i32
        %add3A_831 = arith.constant 10000 : i32
        %add3A_832 = arith.addi %add3A_831, %mul3A_830 : i32
        %dma_wait3A_833 = tpu.memref_slice %arg6[%add3A_832] : memref<20000xi32, #tpu.memory_space<vmem>> -> memref<16xi32, #tpu.memory_space<vmem>>
        %dma_wait3A_834 = arith.constant 0 : i32
        %dma_wait3A_835 = arith.constant 0 : i32
        %dma_wait3A_836 = tpu.memref_slice %arg7[%dma_wait3A_834, %dma_wait3A_835] : memref<10000x128xf32, #tpu.memory_space<vmem_shared>> -> memref<10000x128xf32, #tpu.memory_space<vmem_shared>>
        tpu.wait_indirect_dma semaphore(%arg35 : memref<!tpu.dma_semaphore, #tpu.memory_space<semaphore_mem>>) src(%dma_wait3A_836 : memref<10000x128xf32, #tpu.memory_space<vmem_shared>>) dst(%arg20 : memref<16x128xf32, #tpu.memory_space<vmem>>)
        %add3A_837 = arith.constant 12 : i32
        %add3A_838 = arith.addi %mul3A_471, %add3A_837 : i32
        %mul3A_839 = arith.constant 16 : i32
        %mul3A_840 = arith.muli %add3A_838, %mul3A_839 : i32
        %add3A_841 = arith.addi %mul3A_2, %mul3A_840 : i32
        %dma_start3A_842 = arith.constant 0 : i32
        %dma_start3A_843 = tpu.memref_slice %arg5[%add3A_841, %dma_start3A_842] : memref<320000x128xf32, #tpu.memory_space<hbm>> -> memref<16x128xf32, #tpu.memory_space<hbm>>
        %dma_start3A_844 = arith.constant 0 : i32
        %dma_start3A_845 = tpu.memref_slice %arg5[%add3A_841, %dma_start3A_844] : memref<320000x128xf32, #tpu.memory_space<hbm>> -> memref<16x128xf32, #tpu.memory_space<hbm>>
        tpu.enqueue_dma source(%arg20 : memref<16x128xf32, #tpu.memory_space<vmem>>) target(%dma_start3A_845 : memref<16x128xf32, #tpu.memory_space<hbm>>) target_semaphore(%arg50 : memref<!tpu.dma_semaphore, #tpu.memory_space<semaphore_mem>>)
      } else {
      }
      %add3A_813 = arith.constant 13 : i32
      %add3A_814 = arith.addi %mul3A_471, %add3A_813 : i32
      %lt3A_815 = arith.constant 625 : i32
      %lt3A_816 = arith.cmpi slt, %add3A_814, %lt3A_815 : i32
      %convert_element_type3A_817 = arith.extui %lt3A_816 : i1 to i32
      %cond3A_818 = arith.constant 0 : i32
      %cond3A_819 = arith.cmpi ne, %convert_element_type3A_817, %cond3A_818 : i32
      scf.if %cond3A_819 {
        %add3A_827 = arith.constant 13 : i32
        %add3A_828 = arith.addi %mul3A_471, %add3A_827 : i32
        %mul3A_829 = arith.constant 16 : i32
        %mul3A_830 = arith.muli %add3A_828, %mul3A_829 : i32
        %add3A_831 = arith.constant 10000 : i32
        %add3A_832 = arith.addi %add3A_831, %mul3A_830 : i32
        %dma_wait3A_833 = tpu.memref_slice %arg6[%add3A_832] : memref<20000xi32, #tpu.memory_space<vmem>> -> memref<16xi32, #tpu.memory_space<vmem>>
        %dma_wait3A_834 = arith.constant 0 : i32
        %dma_wait3A_835 = arith.constant 0 : i32
        %dma_wait3A_836 = tpu.memref_slice %arg7[%dma_wait3A_834, %dma_wait3A_835] : memref<10000x128xf32, #tpu.memory_space<vmem_shared>> -> memref<10000x128xf32, #tpu.memory_space<vmem_shared>>
        tpu.wait_indirect_dma semaphore(%arg36 : memref<!tpu.dma_semaphore, #tpu.memory_space<semaphore_mem>>) src(%dma_wait3A_836 : memref<10000x128xf32, #tpu.memory_space<vmem_shared>>) dst(%arg21 : memref<16x128xf32, #tpu.memory_space<vmem>>)
        %add3A_837 = arith.constant 13 : i32
        %add3A_838 = arith.addi %mul3A_471, %add3A_837 : i32
        %mul3A_839 = arith.constant 16 : i32
        %mul3A_840 = arith.muli %add3A_838, %mul3A_839 : i32
        %add3A_841 = arith.addi %mul3A_2, %mul3A_840 : i32
        %dma_start3A_842 = arith.constant 0 : i32
        %dma_start3A_843 = tpu.memref_slice %arg5[%add3A_841, %dma_start3A_842] : memref<320000x128xf32, #tpu.memory_space<hbm>> -> memref<16x128xf32, #tpu.memory_space<hbm>>
        %dma_start3A_844 = arith.constant 0 : i32
        %dma_start3A_845 = tpu.memref_slice %arg5[%add3A_841, %dma_start3A_844] : memref<320000x128xf32, #tpu.memory_space<hbm>> -> memref<16x128xf32, #tpu.memory_space<hbm>>
        tpu.enqueue_dma source(%arg21 : memref<16x128xf32, #tpu.memory_space<vmem>>) target(%dma_start3A_845 : memref<16x128xf32, #tpu.memory_space<hbm>>) target_semaphore(%arg51 : memref<!tpu.dma_semaphore, #tpu.memory_space<semaphore_mem>>)
      } else {
      }
      %add3A_820 = arith.constant 14 : i32
      %add3A_821 = arith.addi %mul3A_471, %add3A_820 : i32
      %lt3A_822 = arith.constant 625 : i32
      %lt3A_823 = arith.cmpi slt, %add3A_821, %lt3A_822 : i32
      %convert_element_type3A_824 = arith.extui %lt3A_823 : i1 to i32
      %cond3A_825 = arith.constant 0 : i32
      %cond3A_826 = arith.cmpi ne, %convert_element_type3A_824, %cond3A_825 : i32
      scf.if %cond3A_826 {
        %add3A_827 = arith.constant 14 : i32
        %add3A_828 = arith.addi %mul3A_471, %add3A_827 : i32
        %mul3A_829 = arith.constant 16 : i32
        %mul3A_830 = arith.muli %add3A_828, %mul3A_829 : i32
        %add3A_831 = arith.constant 10000 : i32
        %add3A_832 = arith.addi %add3A_831, %mul3A_830 : i32
        %dma_wait3A_833 = tpu.memref_slice %arg6[%add3A_832] : memref<20000xi32, #tpu.memory_space<vmem>> -> memref<16xi32, #tpu.memory_space<vmem>>
        %dma_wait3A_834 = arith.constant 0 : i32
        %dma_wait3A_835 = arith.constant 0 : i32
        %dma_wait3A_836 = tpu.memref_slice %arg7[%dma_wait3A_834, %dma_wait3A_835] : memref<10000x128xf32, #tpu.memory_space<vmem_shared>> -> memref<10000x128xf32, #tpu.memory_space<vmem_shared>>
        tpu.wait_indirect_dma semaphore(%arg37 : memref<!tpu.dma_semaphore, #tpu.memory_space<semaphore_mem>>) src(%dma_wait3A_836 : memref<10000x128xf32, #tpu.memory_space<vmem_shared>>) dst(%arg22 : memref<16x128xf32, #tpu.memory_space<vmem>>)
        %add3A_837 = arith.constant 14 : i32
        %add3A_838 = arith.addi %mul3A_471, %add3A_837 : i32
        %mul3A_839 = arith.constant 16 : i32
        %mul3A_840 = arith.muli %add3A_838, %mul3A_839 : i32
        %add3A_841 = arith.addi %mul3A_2, %mul3A_840 : i32
        %dma_start3A_842 = arith.constant 0 : i32
        %dma_start3A_843 = tpu.memref_slice %arg5[%add3A_841, %dma_start3A_842] : memref<320000x128xf32, #tpu.memory_space<hbm>> -> memref<16x128xf32, #tpu.memory_space<hbm>>
        %dma_start3A_844 = arith.constant 0 : i32
        %dma_start3A_845 = tpu.memref_slice %arg5[%add3A_841, %dma_start3A_844] : memref<320000x128xf32, #tpu.memory_space<hbm>> -> memref<16x128xf32, #tpu.memory_space<hbm>>
        tpu.enqueue_dma source(%arg22 : memref<16x128xf32, #tpu.memory_space<vmem>>) target(%dma_start3A_845 : memref<16x128xf32, #tpu.memory_space<hbm>>) target_semaphore(%arg52 : memref<!tpu.dma_semaphore, #tpu.memory_space<semaphore_mem>>)
      } else {
      }
    }
    %scan3A_378 = arith.constant 42 : i32
    %add3A_379 = arith.constant 9840 : i32
    %add3A_380 = arith.addi %mul3A_2, %add3A_379 : i32
    %dma_wait3A_381 = arith.constant 0 : i32
    %dma_wait3A_382 = tpu.memref_slice %arg5[%add3A_380, %dma_wait3A_381] : memref<320000x128xf32, #tpu.memory_space<hbm>> -> memref<16x128xf32, #tpu.memory_space<hbm>>
    %dma_wait3A_383 = arith.constant 0 : i32
    %dma_wait3A_384 = tpu.memref_slice %arg5[%add3A_380, %dma_wait3A_383] : memref<320000x128xf32, #tpu.memory_space<hbm>> -> memref<16x128xf32, #tpu.memory_space<hbm>>
    tpu.wait_dma2 semaphore(%arg38 : memref<!tpu.dma_semaphore, #tpu.memory_space<semaphore_mem>>) src(%arg8 : memref<16x128xf32, #tpu.memory_space<vmem>>) dst(%dma_wait3A_384 : memref<16x128xf32, #tpu.memory_space<hbm>>)
    %add3A_385 = arith.constant 9856 : i32
    %add3A_386 = arith.addi %mul3A_2, %add3A_385 : i32
    %dma_wait3A_387 = arith.constant 0 : i32
    %dma_wait3A_388 = tpu.memref_slice %arg5[%add3A_386, %dma_wait3A_387] : memref<320000x128xf32, #tpu.memory_space<hbm>> -> memref<16x128xf32, #tpu.memory_space<hbm>>
    %dma_wait3A_389 = arith.constant 0 : i32
    %dma_wait3A_390 = tpu.memref_slice %arg5[%add3A_386, %dma_wait3A_389] : memref<320000x128xf32, #tpu.memory_space<hbm>> -> memref<16x128xf32, #tpu.memory_space<hbm>>
    tpu.wait_dma2 semaphore(%arg39 : memref<!tpu.dma_semaphore, #tpu.memory_space<semaphore_mem>>) src(%arg9 : memref<16x128xf32, #tpu.memory_space<vmem>>) dst(%dma_wait3A_390 : memref<16x128xf32, #tpu.memory_space<hbm>>)
    %add3A_391 = arith.constant 9872 : i32
    %add3A_392 = arith.addi %mul3A_2, %add3A_391 : i32
    %dma_wait3A_393 = arith.constant 0 : i32
    %dma_wait3A_394 = tpu.memref_slice %arg5[%add3A_392, %dma_wait3A_393] : memref<320000x128xf32, #tpu.memory_space<hbm>> -> memref<16x128xf32, #tpu.memory_space<hbm>>
    %dma_wait3A_395 = arith.constant 0 : i32
    %dma_wait3A_396 = tpu.memref_slice %arg5[%add3A_392, %dma_wait3A_395] : memref<320000x128xf32, #tpu.memory_space<hbm>> -> memref<16x128xf32, #tpu.memory_space<hbm>>
    tpu.wait_dma2 semaphore(%arg40 : memref<!tpu.dma_semaphore, #tpu.memory_space<semaphore_mem>>) src(%arg10 : memref<16x128xf32, #tpu.memory_space<vmem>>) dst(%dma_wait3A_396 : memref<16x128xf32, #tpu.memory_space<hbm>>)
    %add3A_397 = arith.constant 9888 : i32
    %add3A_398 = arith.addi %mul3A_2, %add3A_397 : i32
    %dma_wait3A_399 = arith.constant 0 : i32
    %dma_wait3A_400 = tpu.memref_slice %arg5[%add3A_398, %dma_wait3A_399] : memref<320000x128xf32, #tpu.memory_space<hbm>> -> memref<16x128xf32, #tpu.memory_space<hbm>>
    %dma_wait3A_401 = arith.constant 0 : i32
    %dma_wait3A_402 = tpu.memref_slice %arg5[%add3A_398, %dma_wait3A_401] : memref<320000x128xf32, #tpu.memory_space<hbm>> -> memref<16x128xf32, #tpu.memory_space<hbm>>
    tpu.wait_dma2 semaphore(%arg41 : memref<!tpu.dma_semaphore, #tpu.memory_space<semaphore_mem>>) src(%arg11 : memref<16x128xf32, #tpu.memory_space<vmem>>) dst(%dma_wait3A_402 : memref<16x128xf32, #tpu.memory_space<hbm>>)
    %add3A_403 = arith.constant 9904 : i32
    %add3A_404 = arith.addi %mul3A_2, %add3A_403 : i32
    %dma_wait3A_405 = arith.constant 0 : i32
    %dma_wait3A_406 = tpu.memref_slice %arg5[%add3A_404, %dma_wait3A_405] : memref<320000x128xf32, #tpu.memory_space<hbm>> -> memref<16x128xf32, #tpu.memory_space<hbm>>
    %dma_wait3A_407 = arith.constant 0 : i32
    %dma_wait3A_408 = tpu.memref_slice %arg5[%add3A_404, %dma_wait3A_407] : memref<320000x128xf32, #tpu.memory_space<hbm>> -> memref<16x128xf32, #tpu.memory_space<hbm>>
    tpu.wait_dma2 semaphore(%arg42 : memref<!tpu.dma_semaphore, #tpu.memory_space<semaphore_mem>>) src(%arg12 : memref<16x128xf32, #tpu.memory_space<vmem>>) dst(%dma_wait3A_408 : memref<16x128xf32, #tpu.memory_space<hbm>>)
    %add3A_409 = arith.constant 9920 : i32
    %add3A_410 = arith.addi %mul3A_2, %add3A_409 : i32
    %dma_wait3A_411 = arith.constant 0 : i32
    %dma_wait3A_412 = tpu.memref_slice %arg5[%add3A_410, %dma_wait3A_411] : memref<320000x128xf32, #tpu.memory_space<hbm>> -> memref<16x128xf32, #tpu.memory_space<hbm>>
    %dma_wait3A_413 = arith.constant 0 : i32
    %dma_wait3A_414 = tpu.memref_slice %arg5[%add3A_410, %dma_wait3A_413] : memref<320000x128xf32, #tpu.memory_space<hbm>> -> memref<16x128xf32, #tpu.memory_space<hbm>>
    tpu.wait_dma2 semaphore(%arg43 : memref<!tpu.dma_semaphore, #tpu.memory_space<semaphore_mem>>) src(%arg13 : memref<16x128xf32, #tpu.memory_space<vmem>>) dst(%dma_wait3A_414 : memref<16x128xf32, #tpu.memory_space<hbm>>)
    %add3A_415 = arith.constant 9936 : i32
    %add3A_416 = arith.addi %mul3A_2, %add3A_415 : i32
    %dma_wait3A_417 = arith.constant 0 : i32
    %dma_wait3A_418 = tpu.memref_slice %arg5[%add3A_416, %dma_wait3A_417] : memref<320000x128xf32, #tpu.memory_space<hbm>> -> memref<16x128xf32, #tpu.memory_space<hbm>>
    %dma_wait3A_419 = arith.constant 0 : i32
    %dma_wait3A_420 = tpu.memref_slice %arg5[%add3A_416, %dma_wait3A_419] : memref<320000x128xf32, #tpu.memory_space<hbm>> -> memref<16x128xf32, #tpu.memory_space<hbm>>
    tpu.wait_dma2 semaphore(%arg44 : memref<!tpu.dma_semaphore, #tpu.memory_space<semaphore_mem>>) src(%arg14 : memref<16x128xf32, #tpu.memory_space<vmem>>) dst(%dma_wait3A_420 : memref<16x128xf32, #tpu.memory_space<hbm>>)
    %add3A_421 = arith.constant 9952 : i32
    %add3A_422 = arith.addi %mul3A_2, %add3A_421 : i32
    %dma_wait3A_423 = arith.constant 0 : i32
    %dma_wait3A_424 = tpu.memref_slice %arg5[%add3A_422, %dma_wait3A_423] : memref<320000x128xf32, #tpu.memory_space<hbm>> -> memref<16x128xf32, #tpu.memory_space<hbm>>
    %dma_wait3A_425 = arith.constant 0 : i32
    %dma_wait3A_426 = tpu.memref_slice %arg5[%add3A_422, %dma_wait3A_425] : memref<320000x128xf32, #tpu.memory_space<hbm>> -> memref<16x128xf32, #tpu.memory_space<hbm>>
    tpu.wait_dma2 semaphore(%arg45 : memref<!tpu.dma_semaphore, #tpu.memory_space<semaphore_mem>>) src(%arg15 : memref<16x128xf32, #tpu.memory_space<vmem>>) dst(%dma_wait3A_426 : memref<16x128xf32, #tpu.memory_space<hbm>>)
    %add3A_427 = arith.constant 9968 : i32
    %add3A_428 = arith.addi %mul3A_2, %add3A_427 : i32
    %dma_wait3A_429 = arith.constant 0 : i32
    %dma_wait3A_430 = tpu.memref_slice %arg5[%add3A_428, %dma_wait3A_429] : memref<320000x128xf32, #tpu.memory_space<hbm>> -> memref<16x128xf32, #tpu.memory_space<hbm>>
    %dma_wait3A_431 = arith.constant 0 : i32
    %dma_wait3A_432 = tpu.memref_slice %arg5[%add3A_428, %dma_wait3A_431] : memref<320000x128xf32, #tpu.memory_space<hbm>> -> memref<16x128xf32, #tpu.memory_space<hbm>>
    tpu.wait_dma2 semaphore(%arg46 : memref<!tpu.dma_semaphore, #tpu.memory_space<semaphore_mem>>) src(%arg16 : memref<16x128xf32, #tpu.memory_space<vmem>>) dst(%dma_wait3A_432 : memref<16x128xf32, #tpu.memory_space<hbm>>)
    %add3A_433 = arith.constant 9984 : i32
    %add3A_434 = arith.addi %mul3A_2, %add3A_433 : i32
    %dma_wait3A_435 = arith.constant 0 : i32
    %dma_wait3A_436 = tpu.memref_slice %arg5[%add3A_434, %dma_wait3A_435] : memref<320000x128xf32, #tpu.memory_space<hbm>> -> memref<16x128xf32, #tpu.memory_space<hbm>>
    %dma_wait3A_437 = arith.constant 0 : i32
    %dma_wait3A_438 = tpu.memref_slice %arg5[%add3A_434, %dma_wait3A_437] : memref<320000x128xf32, #tpu.memory_space<hbm>> -> memref<16x128xf32, #tpu.memory_space<hbm>>
    tpu.wait_dma2 semaphore(%arg47 : memref<!tpu.dma_semaphore, #tpu.memory_space<semaphore_mem>>) src(%arg17 : memref<16x128xf32, #tpu.memory_space<vmem>>) dst(%dma_wait3A_438 : memref<16x128xf32, #tpu.memory_space<hbm>>)
    %add3A_439 = arith.constant 9760 : i32
    %add3A_440 = arith.addi %mul3A_2, %add3A_439 : i32
    %dma_wait3A_441 = arith.constant 0 : i32
    %dma_wait3A_442 = tpu.memref_slice %arg5[%add3A_440, %dma_wait3A_441] : memref<320000x128xf32, #tpu.memory_space<hbm>> -> memref<16x128xf32, #tpu.memory_space<hbm>>
    %dma_wait3A_443 = arith.constant 0 : i32
    %dma_wait3A_444 = tpu.memref_slice %arg5[%add3A_440, %dma_wait3A_443] : memref<320000x128xf32, #tpu.memory_space<hbm>> -> memref<16x128xf32, #tpu.memory_space<hbm>>
    tpu.wait_dma2 semaphore(%arg48 : memref<!tpu.dma_semaphore, #tpu.memory_space<semaphore_mem>>) src(%arg18 : memref<16x128xf32, #tpu.memory_space<vmem>>) dst(%dma_wait3A_444 : memref<16x128xf32, #tpu.memory_space<hbm>>)
    %add3A_445 = arith.constant 9776 : i32
    %add3A_446 = arith.addi %mul3A_2, %add3A_445 : i32
    %dma_wait3A_447 = arith.constant 0 : i32
    %dma_wait3A_448 = tpu.memref_slice %arg5[%add3A_446, %dma_wait3A_447] : memref<320000x128xf32, #tpu.memory_space<hbm>> -> memref<16x128xf32, #tpu.memory_space<hbm>>
    %dma_wait3A_449 = arith.constant 0 : i32
    %dma_wait3A_450 = tpu.memref_slice %arg5[%add3A_446, %dma_wait3A_449] : memref<320000x128xf32, #tpu.memory_space<hbm>> -> memref<16x128xf32, #tpu.memory_space<hbm>>
    tpu.wait_dma2 semaphore(%arg49 : memref<!tpu.dma_semaphore, #tpu.memory_space<semaphore_mem>>) src(%arg19 : memref<16x128xf32, #tpu.memory_space<vmem>>) dst(%dma_wait3A_450 : memref<16x128xf32, #tpu.memory_space<hbm>>)
    %add3A_451 = arith.constant 9792 : i32
    %add3A_452 = arith.addi %mul3A_2, %add3A_451 : i32
    %dma_wait3A_453 = arith.constant 0 : i32
    %dma_wait3A_454 = tpu.memref_slice %arg5[%add3A_452, %dma_wait3A_453] : memref<320000x128xf32, #tpu.memory_space<hbm>> -> memref<16x128xf32, #tpu.memory_space<hbm>>
    %dma_wait3A_455 = arith.constant 0 : i32
    %dma_wait3A_456 = tpu.memref_slice %arg5[%add3A_452, %dma_wait3A_455] : memref<320000x128xf32, #tpu.memory_space<hbm>> -> memref<16x128xf32, #tpu.memory_space<hbm>>
    tpu.wait_dma2 semaphore(%arg50 : memref<!tpu.dma_semaphore, #tpu.memory_space<semaphore_mem>>) src(%arg20 : memref<16x128xf32, #tpu.memory_space<vmem>>) dst(%dma_wait3A_456 : memref<16x128xf32, #tpu.memory_space<hbm>>)
    %add3A_457 = arith.constant 9808 : i32
    %add3A_458 = arith.addi %mul3A_2, %add3A_457 : i32
    %dma_wait3A_459 = arith.constant 0 : i32
    %dma_wait3A_460 = tpu.memref_slice %arg5[%add3A_458, %dma_wait3A_459] : memref<320000x128xf32, #tpu.memory_space<hbm>> -> memref<16x128xf32, #tpu.memory_space<hbm>>
    %dma_wait3A_461 = arith.constant 0 : i32
    %dma_wait3A_462 = tpu.memref_slice %arg5[%add3A_458, %dma_wait3A_461] : memref<320000x128xf32, #tpu.memory_space<hbm>> -> memref<16x128xf32, #tpu.memory_space<hbm>>
    tpu.wait_dma2 semaphore(%arg51 : memref<!tpu.dma_semaphore, #tpu.memory_space<semaphore_mem>>) src(%arg21 : memref<16x128xf32, #tpu.memory_space<vmem>>) dst(%dma_wait3A_462 : memref<16x128xf32, #tpu.memory_space<hbm>>)
    %add3A_463 = arith.constant 9824 : i32
    %add3A_464 = arith.addi %mul3A_2, %add3A_463 : i32
    %dma_wait3A_465 = arith.constant 0 : i32
    %dma_wait3A_466 = tpu.memref_slice %arg5[%add3A_464, %dma_wait3A_465] : memref<320000x128xf32, #tpu.memory_space<hbm>> -> memref<16x128xf32, #tpu.memory_space<hbm>>
    %dma_wait3A_467 = arith.constant 0 : i32
    %dma_wait3A_468 = tpu.memref_slice %arg5[%add3A_464, %dma_wait3A_467] : memref<320000x128xf32, #tpu.memory_space<hbm>> -> memref<16x128xf32, #tpu.memory_space<hbm>>
    tpu.wait_dma2 semaphore(%arg52 : memref<!tpu.dma_semaphore, #tpu.memory_space<semaphore_mem>>) src(%arg22 : memref<16x128xf32, #tpu.memory_space<vmem>>) dst(%dma_wait3A_468 : memref<16x128xf32, #tpu.memory_space<hbm>>)
    return
  }
}

</mosaic_0001>

<sc_bundles>
// kernel: kernel.3.cloned.1.call-start
scs
__scs_entry_jumppad:
0x0: {  	(pc) =	sbr.rel $0x88, $3  }
0x1: {  	(tag) =	ssettag $0x0;
	lr =	simm.s32 $0x1  }
0x2: {  	[smem:$0x3F9F] =	sst lr;
	_ =	strace $0xD0000000  }
0x3: {  	_ = 	snop  }
0x4: {  	_ = 	snop  }
0x5: {  	_ = 	snop  }
0x6: {  	_ = 	snop  }
0x7: {  	_ = 	snop  }
__scs_overlays_trampoline_lowered:
0x8: {  	[smem:$0x3FAE] =	sst s0  }
0x9: {  	[smem:$0x3FAF] =	sst s1  }
0xa: {  	[smem:$0x3FB0] =	sst s2  }
0xb: {  	[smem:$0x3FB1] =	sst s3  }
0xc: {  	[smem:$0x3FB2] =	sst s4  }
0xd: {  	[smem:$0x3FB3] =	sst s5  }
0xe: {  	[smem:$0x3FB4] =	sst s6  }
0xf: {  	[smem:$0x3FB5] =	sst s7  }
0x10: {  	[smem:$0x3FB6] =	sst s8  }
0x11: {  	[smem:$0x3FB7] =	sst s9;
	s0 =	simm.s32 @!p0 $0x0  }
0x12: {  	s1 =	sld [smem:$0x3F9D];
	s0 =	simm.s32 @p0 $0x1  }
0x13: {  	[smem:$0x3FB8] =	sst s0;
	s0 =	simm.s32 @!p1 $0x0  }
0x14: {  	s2 =	sld [smem:$0x3F9C];
	s0 =	simm.s32 @p1 $0x1  }
0x15: {  	[smem:$0x3FB9] =	sst s0;
	s0 =	simm.s32 @!p2 $0x0  }
0x16: {  	s3 =	sld [smem:$0x3FDB];
	s0 =	simm.s32 @p2 $0x1  }
0x17: {  	s4 =	simm.s32 $0x1BF5;
	[smem:$0x3FBB] =	sst s0  }
0x18: {  	s0 =	sld [smem:$0x3F9E];
	_ =	swait.ge [sflag:s4], $0x0  }
0x19: {  	s7 =	sld [smem:$0x3F9F]  }
0x1a: {  	s8 =	sadd.s32 $0xFFFFE003, lr  }
0x1b: {  	s9 =	sadd.s32 $0xFFFFFEF7, lr;
	s5 =	simm.s32 $0xFFFFFFFF;
	p2 =	slt.u32 s8, $0xFFFFF086  }
0x1c: {  	p1 =	slt.u32 s9, $0xF7A;
	s5 =	simm.s32 @!p2 $0x0  }
0x1d: {  	s5 =	simm.s32 @p1 $0x1;
	p0 =	seq.s32 s7, s2  }
0x1e: {  	s7 =	smul.u32 @!p0 $0xF7A, s2;
	p2 =	seq.s32 @!p0 s5, $0x0  }
0x1f: {  	s9 =	smul.u32 $0xF7A, s1;
	s8 =	simm.s32 @!p0 $0x1BF5;
	p2 =	por !p2, p0  }
0x20: {  	[sflag:s8] =	ssyncset.s32 @!p0 $0xFFFFF086;
	s6 =	sadd.s32 @!p0 s3, s7;
	s7 =	simm.s32 @!p0 $0x108  }
0x21: {  	s3 =	sadd.s32 s3, s9;
	s6 =	sadd.s32 @!p0 $0x88, s6;
	s7 =	simm.s32 @p2 $0x1082  }
0x22: {  	[simem:s7], [sflag:s8] =	dma.local @!p0 [hbm:s6], $0xF7A  }
0x23: {  	s9 =	sor.u32 $0xD0000000, s2;
	s6 =	simm.s32 $0x108;
	_ =	swait.ge @!p0 [sflag:s8], $0x0  }
0x24: {  	s3 =	sadd.s32 $0x88, s3;
	s6 =	simm.s32 @!p1 $0x1082;
	[sflag:s4] =	ssyncset.s32 $0xFFFFF086  }
0x25: {  	[simem:s6], [sflag:s4] =	dma.local [hbm:s3], $0xF7A  }
0x26: {  	[smem:$0x3F9F] =	sst s1;
	(tag) =	ssettag s2;
	_ =	strace s9  }
0x27: {  	s1 =	sld [smem:$0x3FAF]  }
0x28: {  	s2 =	sld [smem:$0x3FB0]  }
0x29: {  	s4 =	sld [smem:$0x3FB2]  }
0x2a: {  	p0 =	seq.s32 s5, $0x0;
	s5 =	sld [smem:$0x3FB3]  }
0x2b: {  	s6 =	sld [smem:$0x3FB4]  }
0x2c: {  	s7 =	sld [smem:$0x3FB5]  }
0x2d: {  	s3 =	simm.s32 $0x108;
	s8 =	sld [smem:$0x3FB6]  }
0x2e: {  	s3 =	simm.s32 @!p0 $0x1082;
	s9 =	sld [smem:$0x3FB7]  }
0x2f: {  	lr =	sadd.s32 s0, s3;
	s0 =	sld [smem:$0x3FAE]  }
0x30: {  	s3 =	sld [smem:$0x3FB1]  }
0x31: {  	[smem:$0x3FBA] =	sst s10  }
0x32: {  	s10 =	sld [smem:$0x3FB8];
	_ =	sdelay $0x3  }
0x33: {  	p0 =	seq.s32 s10, $0x1;
	s10 =	sld [smem:$0x3FBA];
	_ =	sdelay $0x3  }
0x34: {  	[smem:$0x3FBA] =	sst s10  }
0x35: {  	s10 =	sld [smem:$0x3FB9];
	_ =	sdelay $0x3  }
0x36: {  	p1 =	seq.s32 s10, $0x1;
	s10 =	sld [smem:$0x3FBA];
	_ =	sdelay $0x3  }
0x37: {  	[smem:$0x3FBA] =	sst s10  }
0x38: {  	s10 =	sld [smem:$0x3FBB]  }
0x39: {  	_ = 	snop;
	(pc) =	sbr.ind lr, $3  }
0x3a: {  	_ = 	snop  }
0x3b: {  	_ = 	snop  }
0x3c: {  	p2 =	seq.s32 s10, $0x1;
	s10 =	sld [smem:$0x3FBA]  }
0x3d: {  	_ =	shalt  }
0x3e: {  	_ =	shalt  }
0x3f: {  	_ =	shalt  }
0x40: {  	_ =	shalt  }
0x41: {  	_ =	shalt  }
0x42: {  	_ =	shalt  }
0x43: {  	_ =	shalt  }
0x44: {  	_ =	shalt  }
0x45: {  	_ =	shalt  }
0x46: {  	_ =	shalt  }
0x47: {  	_ =	shalt  }
0x48: {  	_ =	shalt  }
0x49: {  	_ =	shalt  }
0x4a: {  	_ =	shalt  }
0x4b: {  	_ =	shalt  }
0x4c: {  	_ =	shalt  }
0x4d: {  	_ =	shalt  }
0x4e: {  	_ =	shalt  }
0x4f: {  	_ =	shalt  }
0x50: {  	_ =	shalt  }
0x51: {  	_ =	shalt  }
0x52: {  	_ =	shalt  }
0x53: {  	_ =	shalt  }
0x54: {  	_ =	shalt  }
0x55: {  	_ =	shalt  }
0x56: {  	_ =	shalt  }
0x57: {  	_ =	shalt  }
0x58: {  	_ =	shalt  }
0x59: {  	_ =	shalt  }
0x5a: {  	_ =	shalt  }
0x5b: {  	_ =	shalt  }
0x5c: {  	_ =	shalt  }
0x5d: {  	_ =	shalt  }
0x5e: {  	_ =	shalt  }
0x5f: {  	_ =	shalt  }
0x60: {  	_ =	shalt  }
0x61: {  	_ =	shalt  }
0x62: {  	_ =	shalt  }
0x63: {  	_ =	shalt  }
0x64: {  	_ =	shalt  }
0x65: {  	_ =	shalt  }
0x66: {  	_ =	shalt  }
0x67: {  	_ =	shalt  }
0x68: {  	_ =	shalt  }
0x69: {  	_ =	shalt  }
0x6a: {  	_ =	shalt  }
0x6b: {  	_ =	shalt  }
0x6c: {  	_ =	shalt  }
0x6d: {  	_ =	shalt  }
0x6e: {  	_ =	shalt  }
0x6f: {  	_ =	shalt  }
0x70: {  	_ =	shalt  }
0x71: {  	_ =	shalt  }
0x72: {  	_ =	shalt  }
0x73: {  	_ =	shalt  }
0x74: {  	_ =	shalt  }
0x75: {  	_ =	shalt  }
0x76: {  	_ =	shalt  }
0x77: {  	_ =	shalt  }
0x78: {  	_ =	shalt  }
0x79: {  	_ =	shalt  }
0x7a: {  	_ =	shalt  }
0x7b: {  	_ =	shalt  }
0x7c: {  	_ =	shalt  }
0x7d: {  	_ =	shalt  }
0x7e: {  	_ =	shalt  }
0x7f: {  	_ =	shalt  }
0x80: {  	_ =	shalt  }
0x81: {  	_ =	shalt  }
0x82: {  	_ =	shalt  }
0x83: {  	_ =	shalt  }
0x84: {  	_ =	shalt  }
0x85: {  	_ =	shalt  }
0x86: {  	_ =	shalt  }
0x87: {  	_ =	shalt  }
.Lfunc_end0:
.L_simem_size_0:
called_computation_lowered:
.L_overlay_start_0:
0x88: {  	s2 =	sld [smem:$0x3FD9]  }
0x89: {  	s3 =	sld [smem:$0x3FFE];
	_ =	sdelay $0x1  }
0x8a: {  	s1 =	srdreg.scid  }
0x8b: {  	s0 =	sand.u32 $0x1, s1  }
0x8c: {  	s14 =	sshll.u32 s0, $0xA;
	s2 =	sadd.s32 s3, s2  }
0x8d: {  	s2 =	sadd.s32 s2, s14  }
0x8e: {  	[smem:$0x3FC6] =	sst s2  }
0x8f: {  	_ = 	snop  }
0x90: {  	s2 =	sld [smem:$0x3FD0];
	_ =	sdelay $0x2  }
0x91: {  	s4 =	simm.s32 $0xA;
	s5 =	simm.s32 $0x10;
	s15 =	sld [smem:$0x3FC9]  }
0x92: {  	[smem:s5], [sflag:s4] =	dma.local [hbm:s2], $0x1  }
0x93: {  	_ =	swait.eq [sflag:s4], $0x1  }
0x94: {  	[sflag:s4] =	ssyncset.done $0x0  }
0x95: {  	s16 =	sld [smem:$0x10];
	[sflag:s4] =	ssyncadd.s32 $0xFFFFFFFF  }
0x96: {  	s17 =	sld [smem:$0x11];
	(tm) =	ssettm $0x1  }
0x97: {  	s18 =	sld [smem:$0x3FFB];
	_ =	sdelay $0x3  }
0x98: {  	_ =	strace s18  }
0x99: {  	s5 =	sld [smem:$0x3FFC];
	_ =	sdelay $0x3  }
0x9a: {  	_ =	strace s5  }
0x9b: {  	s5 =	sld [smem:$0x3FFD];
	_ =	sdelay $0x3  }
0x9c: {  	_ =	strace s5  }
0x9d: {  	_ =	strace $0x8FFFFFFF  }
0x9e: {  	s19 =	sld [smem:$0x3FDB];
	_ =	sdelay $0x1  }
0x9f: {  	s6 =	simm.s32 $_scs_section_size  }
0xa0: {  	s7 =	simm.s32 $_size__tile_overlayer_lowered;
	s8 =	simm.s32 $_tile_overlayer_lowered  }
0xa1: {  	s22 =	simm.s32 $0x1BFF;
	s21 =	sshll.u32 s8, $0x1;
	s5 =	sadd.s32 s6, s19  }
0xa2: {  	s9 =	simm.s32 $0x0;
	s20 =	sshll.u32 s7, $0x1;
	s7 =	sadd.s32 s21, s5  }
0xa3: {  	[timem:s9], [sflag:s22] =	dma.local [hbm:s7], s20  }
0xa4: {  	_ =	swait.ge [sflag:s22], s20  }
0xa5: {  	s6 =	ssub.s32 $0x0, s20;
	[sflag:s22] =	ssyncset.done $0x0  }
0xa6: {  	[sflag:s22] =	ssyncadd.s32 s6;
	_ =	sdelay $0x1  }
0xa7: {  	s23 =	simm.s32 $0x1B8B  }
0xa8: {  	_ =	swait.ge [sflag:s23], $0x1  }
0xa9: {  	[sflag:s23] =	ssyncset.done $0x0  }
0xaa: {  	s25 =	simm.s32 $0x1B8E;
	s24 =	sld [smem:$0x3FFE];
	[sflag:s23] =	ssyncadd.s32 $0xFFFFFFFF  }
0xab: {  	s26 =	simm.s32 $execute0_lowered;
	[smem:$0x3FD2] =	sst s25  }
0xac: {  	s7 =	sshll.u32 s26, $0x1;
	_ =	strace $0x80000046;
	[dreg:$0x1] =	wrdreg $0xFFFFFFFF  }
0xad: {  	s28 =	simm.s32 $_size_execute0_lowered;
	s5 =	sadd.s32 s5, s7;
	[dreg:$0x0] =	wrdreg $0x0  }
0xae: {  	s7 =	sshll.u32 s28, $0x1;
	[dreg:$0x2] =	wrdreg s5  }
0xaf: {  	[dreg:$0x3] =	wrdreg s7  }
0xb0: {  	[dreg:$0x4] =	wrdreg $0xC0  }
0xb1: {  	_ =	task [dreg:s9], $0x5FFFF  }
0xb2: {  	[dreg:$0x1] =	wrdreg $0xFFFFFFFF  }
0xb3: {  	[dreg:$0x0] =	wrdreg $0x60  }
0xb4: {  	[dreg:$0x2] =	wrdreg s15  }
0xb5: {  	[dreg:$0x3] =	wrdreg s24  }
0xb6: {  	[dreg:$0x4] =	wrdreg s16  }
0xb7: {  	[dreg:$0x5] =	wrdreg s17  }
0xb8: {  	[dreg:$0x6] =	wrdreg $0x4E800  }
0xb9: {  	[dreg:$0x7] =	wrdreg $0x9  }
0xba: {  	_ =	task.clear_ibuf [dreg:s9], $0x8FFFF;
	_ =	strace $0x90000046  }
0xbb: {  	s29 =	simm.s32 $0x9;
	_ =	strace $0x80000048  }
0xbc: {  	_ =	swait.ge [sflag:s29], $0x1  }
0xbd: {  	[sflag:s29] =	ssyncadd.s32 $0xFFFFFFFF  }
0xbe: {  	_ =	strace $0x90000048  }
0xbf: {  	_ =	sfence  }
0xc0: {  	s30 =	sld [smem:$0x0];
	_ =	sdelay $0x2  }
0xc1: {  	s31 =	sshll.u32 s1, $0xD;
	s1 =	sshrl.u32 s1, $0x2  }
0xc2: {  	s3 =	sand.u32 $0x4000, s31;
	s1 =	sadd.s32 s1, s30  }
0xc3: {  	s0 =	sor.u32 s3, s0;
	s1 =	sshll.u32 s1, $0x11  }
0xc4: {  	s0 =	sor.u32 s1, s0  }
0xc5: {  	s0 =	sadd.s32 $0x8F2B, s0  }
0xc6: {  	[sflag:s0] =	ssyncadd.remote.s32 $0x1  }
0xc7: {  	_ =	sfence.sel $0xFFFF  }
0xc8: {  	[dreg:$0x0] =	wrdreg $0xFFFFFFFF;
	(pc) =	sbr.abs _section_cstart, $3  }
0xc9: {  	[dreg:$0x1] =	wrdreg $0xFFFFFFFF  }
0xca: {  	_ =	task.clear_ibuf [dreg:s9], $0x2FFFF;
	_ =	strace $0x9FFFFFFF  }
0xcb: {  	(tm) =	ssettm $0x7FFFFFFF  }
tec
execute0_lowered:
.L_overlay_start_1:
0x0: {  	(tag) =	ssettag $0x1  }
0x1: {  	s11 =	rddreg [dreg:$0x0]  }
0x2: {  	s0 =	rddreg [dreg:$0x1]  }
0x3: {  	s13 =	rddreg [dreg:$0x2]  }
0x4: {  	s4 =	rddreg [dreg:$0x3]  }
0x5: {  	s5 =	rddreg [dreg:$0x4];
	s12 =	stileid.u32  }
0x6: {  	s1 =	srdreg.scid;
	s3 =	smul.u32 $0x278, s12  }
0x7: {  	s6 =	simm.s32 $0x0;
	s1 =	sand.u32 $0x1, s1;
	s25 =	smul.u32 $0x4E200, s12  }
0x8: {  	s2 =	sshll.u32 s12, $0x1;
	[smem:$0x7FF] =	sst s6;
	s14 =	smul.u32 $0x271000, s12  }
0x9: {  	s21 =	sshll.u32 s12, $0x6;
	s2 =	sor.u32 s1, s2;
	s26 =	smul.u32 $0x27100, s1  }
0xa: {  	_ =	strace $0x80000047;
	s8 =	ssub.s32 $0x2, s1;
	s1 =	smul.u32 $0x138800, s1  }
0xb: {  	s22 =	sor.u32 $0x1C1F, s21;
	s7 =	smul.u32 $0x2710, s2;
	s3 =	smin.u32 s3, $0x2498  }
0xc: {  	s9 =	sshrl.u32 s8, $0x1;
	[dreg:$0x7] =	wrdreg s22;
	s10 =	sshll.u32 s3, $0x7  }
0xd: {  	s8 =	ssub.s32 s8, s9;
	s3 =	sshll.u32 s3, $0x4;
	s1 =	sadd.s32 s1, s14  }
0xe: {  	s7 =	sshrl.u32 s7, $0x3;
	s3 =	sadd.s32 s11, s3;
	s8 =	smax.u32 s8, $0x1  }
0xf: {  	s12 =	sadd.s32 $0xB800, s1;
	s0 =	sadd.s32 s7, s0;
	[dreg:$0x6] =	wrdreg s3  }
0x10: {  	s7 =	smul.u32 $0x138800, s2;
	[dreg:$0x19] =	wrdreg s8;
	s14 =	sshrl.u32 s12, $0x3  }
0x11: {  	s2 =	smul.u32 $0x27100, s2;
	s23 =	sadd.s32 $0x600, s0;
	[dreg:$0x1c] =	wrdreg s14  }
0x12: {  	s3 =	sadd.s32 s26, s25;
	s0 =	sadd.s32 $0xA240, s0;
	[dreg:$0x8] =	wrdreg s23  }
0x13: {  	s28 =	sadd.s32 $0xF00, s3;
	s24 =	sshrl.u32 s7, $0x3;
	[dreg:$0x9] =	wrdreg s0  }
0x14: {  	s2 =	sadd.s32 s13, s2;
	[smem:$0x7FD] =	sst s28;
	s0 =	sadd.s32 s13, s24  }
0x15: {  	[dreg:$0xa] =	wrdreg s2;
	s11 =	sadd.s32 $0x100, s0  }
0x16: {  	s15 =	sadd.s32 $0x200, s0;
	[dreg:$0xb] =	wrdreg s11  }
0x17: {  	s16 =	sadd.s32 $0x300, s0;
	[dreg:$0xc] =	wrdreg s15  }
0x18: {  	s17 =	sadd.s32 $0x400, s0;
	[dreg:$0xd] =	wrdreg s16  }
0x19: {  	s18 =	sadd.s32 $0x500, s0;
	[dreg:$0xe] =	wrdreg s17  }
0x1a: {  	s19 =	sadd.s32 $0x600, s0;
	[dreg:$0xf] =	wrdreg s18  }
0x1b: {  	s20 =	sadd.s32 $0x700, s0;
	[dreg:$0x10] =	wrdreg s19  }
0x1c: {  	s21 =	sadd.s32 $0x800, s0;
	[dreg:$0x11] =	wrdreg s20  }
0x1d: {  	s22 =	sadd.s32 $0x900, s0;
	[dreg:$0x12] =	wrdreg s21  }
0x1e: {  	s23 =	sadd.s32 $0xA00, s0;
	[dreg:$0x13] =	wrdreg s22  }
0x1f: {  	s24 =	sadd.s32 $0xB00, s0;
	[dreg:$0x14] =	wrdreg s23  }
0x20: {  	s29 =	simm.s32 $0x1C700;
	s25 =	sadd.s32 $0xC00, s0;
	[dreg:$0x15] =	wrdreg s24  }
0x21: {  	s9 =	sadd.s32 s10, s5;
	s26 =	sadd.s32 $0xD00, s0;
	[dreg:$0x16] =	wrdreg s25  }
0x22: {  	s10 =	sadd.s32 $0xC800, s1;
	s0 =	sadd.s32 $0xE00, s0;
	[dreg:$0x17] =	wrdreg s26  }
0x23: {  	s31 =	simm.s32 $0x19F00;
	[dreg:$0x18] =	wrdreg s0;
	s0 =	sshrl.u32 s10, $0x3  }
0x24: {  	s11 =	sadd.s32 $0xC000, s1;
	s24 =	sadd.s32 s4, s3;
	[dreg:$0x1a] =	wrdreg s0  }
0x25: {  	s15 =	sadd.s32 $0xB000, s1;
	s25 =	sshrl.u32 s9, $0x3;
	[smem:$0x7FA] =	sst s24  }
0x26: {  	s17 =	sadd.s32 $0xA000, s1;
	s0 =	sshrl.u32 s11, $0x3;
	[smem:$0x7FB] =	sst s25  }
0x27: {  	s21 =	sadd.s32 $0x8800, s1;
	s18 =	sshrl.u32 s17, $0x3;
	[dreg:$0x1b] =	wrdreg s0  }
0x28: {  	s23 =	sadd.s32 $0x8000, s1;
	s22 =	sshrl.u32 s21, $0x3;
	[dreg:$0x1f] =	wrdreg s18  }
0x29: {  	s16 =	sadd.s32 $0xA800, s1;
	s26 =	sshrl.u32 s23, $0x3;
	[smem:$0x7F9] =	sst s22  }
.Ltmp0:
0x2a: {  	s0 =	sshrl.u32 s15, $0x3;
	[smem:$0x7FC] =	sst s26;
	(pc) =	sbr.rel .LBB2_1-.Ltmp0, $4  }
0x2b: {  	s19 =	sadd.s32 $0x9800, s1;
	[dreg:$0x1d] =	wrdreg s0;
	s0 =	sshrl.u32 s16, $0x3  }
0x2c: {  	s20 =	sadd.s32 $0x9000, s1;
	[dreg:$0x1e] =	wrdreg s0;
	s0 =	sshrl.u32 s19, $0x3  }
0x2d: {  	s30 =	simm.s32 $0x1CF00;
	[smem:$0x7F7] =	sst s0;
	s0 =	sshrl.u32 s20, $0x3  }
0x2e: {  	s2 =	simm.s32 $0x0;
	s18 =	simm.s32 $0x10;
	[smem:$0x7F8] =	sst s0  }
.LBB2_27:
0x2f: {  	_ =	swait.ge [sflag:s18], $0x800  }
0x30: {  	[sflag:s18] =	ssyncset.done $0x0  }
0x31: {  	s0 =	simm.s32 $0x11;
	[sflag:s18] =	ssyncadd.s32 $0xFFFFF800  }
0x32: {  	_ =	swait.ge [sflag:s0], $0x800  }
0x33: {  	[sflag:s0] =	ssyncset.done $0x0  }
0x34: {  	s13 =	simm.s32 $0x12;
	[sflag:s0] =	ssyncadd.s32 $0xFFFFF800  }
0x35: {  	_ =	swait.ge [sflag:s13], $0x800  }
0x36: {  	[sflag:s13] =	ssyncset.done $0x0  }
0x37: {  	s14 =	simm.s32 $0x13;
	[sflag:s13] =	ssyncadd.s32 $0xFFFFF800  }
0x38: {  	_ =	swait.ge [sflag:s14], $0x800  }
0x39: {  	[sflag:s14] =	ssyncset.done $0x0  }
0x3a: {  	s15 =	simm.s32 $0x14;
	[sflag:s14] =	ssyncadd.s32 $0xFFFFF800  }
0x3b: {  	_ =	swait.ge [sflag:s15], $0x800  }
0x3c: {  	[sflag:s15] =	ssyncset.done $0x0  }
0x3d: {  	s16 =	simm.s32 $0x15;
	[sflag:s15] =	ssyncadd.s32 $0xFFFFF800  }
0x3e: {  	_ =	swait.ge [sflag:s16], $0x800  }
0x3f: {  	[sflag:s16] =	ssyncset.done $0x0  }
0x40: {  	s17 =	simm.s32 $0x16;
	[sflag:s16] =	ssyncadd.s32 $0xFFFFF800  }
0x41: {  	_ =	swait.ge [sflag:s17], $0x800  }
0x42: {  	[sflag:s17] =	ssyncset.done $0x0  }
0x43: {  	s19 =	simm.s32 $0x17;
	[sflag:s17] =	ssyncadd.s32 $0xFFFFF800  }
0x44: {  	_ =	swait.ge [sflag:s19], $0x800  }
0x45: {  	[sflag:s19] =	ssyncset.done $0x0  }
0x46: {  	s20 =	simm.s32 $0x18;
	[sflag:s19] =	ssyncadd.s32 $0xFFFFF800  }
0x47: {  	_ =	swait.ge [sflag:s20], $0x800  }
0x48: {  	[sflag:s20] =	ssyncset.done $0x0  }
0x49: {  	s21 =	simm.s32 $0x19;
	[sflag:s20] =	ssyncadd.s32 $0xFFFFF800  }
0x4a: {  	_ =	swait.ge [sflag:s21], $0x800  }
0x4b: {  	[sflag:s21] =	ssyncset.done $0x0  }
0x4c: {  	s22 =	simm.s32 $0x1A;
	[sflag:s21] =	ssyncadd.s32 $0xFFFFF800  }
0x4d: {  	_ =	swait.ge [sflag:s22], $0x800  }
0x4e: {  	[sflag:s22] =	ssyncset.done $0x0  }
0x4f: {  	s23 =	simm.s32 $0x1B;
	[sflag:s22] =	ssyncadd.s32 $0xFFFFF800  }
0x50: {  	_ =	swait.ge [sflag:s23], $0x800  }
0x51: {  	[sflag:s23] =	ssyncset.done $0x0  }
0x52: {  	s24 =	simm.s32 $0x1C;
	[sflag:s23] =	ssyncadd.s32 $0xFFFFF800  }
0x53: {  	_ =	swait.ge [sflag:s24], $0x800  }
0x54: {  	[sflag:s24] =	ssyncset.done $0x0  }
0x55: {  	s25 =	simm.s32 $0x1D;
	[sflag:s24] =	ssyncadd.s32 $0xFFFFF800  }
0x56: {  	_ =	swait.ge [sflag:s25], $0x800  }
0x57: {  	[sflag:s25] =	ssyncset.done $0x0  }
0x58: {  	s1 =	simm.s32 $0x1E;
	[sflag:s25] =	ssyncadd.s32 $0xFFFFF800  }
0x59: {  	_ =	swait.ge [sflag:s1], $0x800  }
0x5a: {  	s2 =	sld [smem:$0x7F6];
	_ =	sdelay $0x2  }
0x5b: {  	s26 =	rddreg [dreg:$0x19];
	s2 =	sadd.s32 $0x1, s2  }
0x5c: {  	p0 =	sne.s32 s2, s26  }
.Ltmp1:
0x5d: {  	_ = 	snop;
	(pc) =	sbr.rel @!p0 .LBB2_28-.Ltmp1, $4  }
0x5e: {  	[sflag:s1] =	ssyncset.done $0x0  }
0x5f: {  	s28 =	sld [smem:$0x7FD];
	[sflag:s1] =	ssyncadd.s32 $0xFFFFF800  }
0x60: {  	s13 =	rddreg [dreg:$0x2]  }
0x61: {  	s26 =	sld [smem:$0x7FC]  }
.LBB2_1:
0x62: {  	[smem:$0x7F6] =	sst s2  }
0x63: {  	s9 =	sld [smem:$0x7FB]  }
0x64: {  	s0 =	rddreg [dreg:$0x6]  }
0x65: {  	s3 =	rddreg [dreg:$0x7]  }
0x66: {  	[spmem:s9], [sflag:s3] =	dma.local [hbm:s0], $0x2780  }
0x67: {  	s0 =	rddreg [dreg:$0x8]  }
0x68: {  	[tilespmem:s6], [sflag:$0x1F] =	stream.linear.gather [hbm4b:s0+s6], $0x2710, $0x38;
	[tilespmem:$0x1FF00] =	vst v63  }
0x69: {  	s20 =	simm.s32 $0x2710;
	s3 =	simm.s32 $0x1F;
	s19 =	rddreg [dreg:$0x9]  }
0x6a: {  	[tilespmem:s20], [sflag:$0x1F] =	stream.linear.gather [hbm4b:s19+s6], $0x2710, $0x38;
	[tilespmem:$0x1FF00] =	vst v63  }
0x6b: {  	_ =	swait.ge [sflag:s3], $0x2710  }
0x6c: {  	[sflag:s3] =	ssyncset.done $0x0  }
0x6d: {  	[sflag:s3] =	ssyncadd.s32 $0xFFFFD8F0  }
0x6e: {  	_ =	swait.ge [sflag:s3], $0x2710  }
0x6f: {  	[sflag:s3] =	ssyncset.done $0x0  }
0x70: {  	[sflag:s3] =	ssyncadd.s32 $0xFFFFD8F0  }
0x71: {  	s9 =	simm.s32 $0x18700;
	s0 =	rddreg [dreg:$0x0]  }
0x72: {  	[tilespmem:s9], [sflag:$0x1] =	stream.indirect.gather [hbm4b:s0+s18], $0x80, s6, s18, $0xb8;
	[tilespmem:$0x1FF00] =	vst v63  }
0x73: {  	s10 =	simm.s32 $0x18F00  }
0x74: {  	[tilespmem:s10], [sflag:$0x2] =	stream.indirect.gather [hbm4b:s0+s18], $0x80, s18, s18, $0xb8;
	[tilespmem:$0x1FF00] =	vst v63  }
0x75: {  	s11 =	simm.s32 $0x20;
	s12 =	simm.s32 $0x19700  }
0x76: {  	[tilespmem:s12], [sflag:$0x3] =	stream.indirect.gather [hbm4b:s0+s18], $0x80, s11, s18, $0xb8;
	[tilespmem:$0x1FF00] =	vst v63  }
0x77: {  	s21 =	simm.s32 $0x30;
	s14 =	simm.s32 $0x19F00  }
0x78: {  	[tilespmem:s14], [sflag:$0x4] =	stream.indirect.gather [hbm4b:s0+s18], $0x80, s21, s18, $0xb8;
	[tilespmem:$0x1FF00] =	vst v63  }
0x79: {  	s22 =	simm.s32 $0x40;
	s1 =	simm.s32 $0x1A700  }
0x7a: {  	[tilespmem:s1], [sflag:$0x5] =	stream.indirect.gather [hbm4b:s0+s18], $0x80, s22, s18, $0xb8;
	[tilespmem:$0x1FF00] =	vst v63  }
0x7b: {  	s23 =	simm.s32 $0x50;
	s2 =	simm.s32 $0x1AF00  }
0x7c: {  	[tilespmem:s2], [sflag:$0x6] =	stream.indirect.gather [hbm4b:s0+s18], $0x80, s23, s18, $0xb8;
	[tilespmem:$0x1FF00] =	vst v63  }
0x7d: {  	s24 =	simm.s32 $0x60;
	s8 =	simm.s32 $0x1B700  }
0x7e: {  	[tilespmem:s8], [sflag:$0x7] =	stream.indirect.gather [hbm4b:s0+s18], $0x80, s24, s18, $0xb8;
	[tilespmem:$0x1FF00] =	vst v63  }
0x7f: {  	s25 =	simm.s32 $0x70;
	s15 =	simm.s32 $0x1BF00  }
0x80: {  	[tilespmem:s15], [sflag:$0x8] =	stream.indirect.gather [hbm4b:s0+s18], $0x80, s25, s18, $0xb8;
	[tilespmem:$0x1FF00] =	vst v63  }
0x81: {  	s16 =	simm.s32 $0x80  }
0x82: {  	[tilespmem:s29], [sflag:$0x9] =	stream.indirect.gather [hbm4b:s0+s18], $0x80, s16, s18, $0xb8;
	[tilespmem:$0x1FF00] =	vst v63  }
0x83: {  	s17 =	simm.s32 $0x90;
	s16 =	simm.s32 $0x1CF00  }
0x84: {  	[tilespmem:s16], [sflag:$0xA] =	stream.indirect.gather [hbm4b:s0+s18], $0x80, s17, s18, $0xb8;
	[tilespmem:$0x1FF00] =	vst v63  }
0x85: {  	s19 =	simm.s32 $0xA0;
	s17 =	simm.s32 $0x1D700  }
0x86: {  	[tilespmem:s17], [sflag:$0xB] =	stream.indirect.gather [hbm4b:s0+s18], $0x80, s19, s18, $0xb8;
	[tilespmem:$0x1FF00] =	vst v63  }
0x87: {  	s20 =	simm.s32 $0xB0;
	s19 =	simm.s32 $0x1DF00  }
0x88: {  	[tilespmem:s19], [sflag:$0xC] =	stream.indirect.gather [hbm4b:s0+s18], $0x80, s20, s18, $0xb8;
	[tilespmem:$0x1FF00] =	vst v63  }
0x89: {  	s21 =	simm.s32 $0xC0;
	s20 =	simm.s32 $0x1E700  }
0x8a: {  	[tilespmem:s20], [sflag:$0xD] =	stream.indirect.gather [hbm4b:s0+s18], $0x80, s21, s18, $0xb8;
	[tilespmem:$0x1FF00] =	vst v63  }
0x8b: {  	s22 =	simm.s32 $0xD0;
	s21 =	simm.s32 $0x1EF00  }
0x8c: {  	[tilespmem:s21], [sflag:$0xE] =	stream.indirect.gather [hbm4b:s0+s18], $0x80, s22, s18, $0xb8;
	[tilespmem:$0x1FF00] =	vst v63  }
0x8d: {  	s23 =	simm.s32 $0xE0;
	s24 =	simm.s32 $0x1;
	s22 =	simm.s32 $0x1F700  }
0x8e: {  	[tilespmem:s22], [sflag:$0xF] =	stream.indirect.gather [hbm4b:s0+s18], $0x80, s23, s18, $0xb8;
	[tilespmem:$0x1FF00] =	vst v63  }
0x8f: {  	_ =	swait.ge [sflag:s24], $0x800  }
0x90: {  	[sflag:s24] =	ssyncset.done $0x0  }
0x91: {  	s11 =	simm.s32 $0x2;
	s25 =	rddreg [dreg:$0xa];
	[sflag:s24] =	ssyncadd.s32 $0xFFFFF800  }
0x92: {  	[hbm4b:s25+s6] =	stream.linear.scatter [tilespmem:s9], [sflag:$0x10], $0x800, $0x38;
	[tilespmem:$0x1FF00] =	vst v63  }
0x93: {  	_ =	swait.ge [sflag:s11], $0x800  }
0x94: {  	[sflag:s11] =	ssyncset.done $0x0  }
0x95: {  	s24 =	simm.s32 $0x3;
	s23 =	rddreg [dreg:$0xb];
	[sflag:s11] =	ssyncadd.s32 $0xFFFFF800  }
0x96: {  	[hbm4b:s23+s6] =	stream.linear.scatter [tilespmem:s10], [sflag:$0x11], $0x800, $0x38;
	[tilespmem:$0x1FF00] =	vst v63  }
0x97: {  	_ =	swait.ge [sflag:s24], $0x800  }
0x98: {  	[sflag:s24] =	ssyncset.done $0x0  }
0x99: {  	s9 =	simm.s32 $0x4;
	s25 =	rddreg [dreg:$0xc];
	[sflag:s24] =	ssyncadd.s32 $0xFFFFF800  }
0x9a: {  	[hbm4b:s25+s6] =	stream.linear.scatter [tilespmem:s12], [sflag:$0x12], $0x800, $0x38;
	[tilespmem:$0x1FF00] =	vst v63  }
0x9b: {  	_ =	swait.ge [sflag:s9], $0x800  }
0x9c: {  	[sflag:s9] =	ssyncset.done $0x0  }
0x9d: {  	s11 =	simm.s32 $0x5;
	s10 =	rddreg [dreg:$0xd];
	[sflag:s9] =	ssyncadd.s32 $0xFFFFF800  }
0x9e: {  	[hbm4b:s10+s6] =	stream.linear.scatter [tilespmem:s14], [sflag:$0x13], $0x800, $0x38;
	[tilespmem:$0x1FF00] =	vst v63  }
0x9f: {  	_ =	swait.ge [sflag:s11], $0x800  }
0xa0: {  	[sflag:s11] =	ssyncset.done $0x0  }
0xa1: {  	s14 =	simm.s32 $0x6;
	s12 =	rddreg [dreg:$0xe];
	[sflag:s11] =	ssyncadd.s32 $0xFFFFF800  }
0xa2: {  	[hbm4b:s12+s6] =	stream.linear.scatter [tilespmem:s1], [sflag:$0x14], $0x800, $0x38;
	[tilespmem:$0x1FF00] =	vst v63  }
0xa3: {  	_ =	swait.ge [sflag:s14], $0x800  }
0xa4: {  	[sflag:s14] =	ssyncset.done $0x0  }
0xa5: {  	s24 =	simm.s32 $0x7;
	s23 =	rddreg [dreg:$0xf];
	[sflag:s14] =	ssyncadd.s32 $0xFFFFF800  }
0xa6: {  	[hbm4b:s23+s6] =	stream.linear.scatter [tilespmem:s2], [sflag:$0x15], $0x800, $0x38;
	[tilespmem:$0x1FF00] =	vst v63  }
0xa7: {  	_ =	swait.ge [sflag:s24], $0x800  }
0xa8: {  	[sflag:s24] =	ssyncset.done $0x0  }
0xa9: {  	s1 =	simm.s32 $0x8;
	s25 =	rddreg [dreg:$0x10];
	[sflag:s24] =	ssyncadd.s32 $0xFFFFF800  }
0xaa: {  	[hbm4b:s25+s6] =	stream.linear.scatter [tilespmem:s8], [sflag:$0x16], $0x800, $0x38;
	[tilespmem:$0x1FF00] =	vst v63  }
0xab: {  	_ =	swait.ge [sflag:s1], $0x800  }
0xac: {  	[sflag:s1] =	ssyncset.done $0x0  }
0xad: {  	s8 =	simm.s32 $0x9;
	s2 =	rddreg [dreg:$0x11];
	[sflag:s1] =	ssyncadd.s32 $0xFFFFF800  }
0xae: {  	[hbm4b:s2+s6] =	stream.linear.scatter [tilespmem:s15], [sflag:$0x17], $0x800, $0x38;
	[tilespmem:$0x1FF00] =	vst v63  }
0xaf: {  	_ =	swait.ge [sflag:s8], $0x800  }
0xb0: {  	[sflag:s8] =	ssyncset.done $0x0  }
0xb1: {  	s10 =	simm.s32 $0xA;
	s9 =	rddreg [dreg:$0x12];
	[sflag:s8] =	ssyncadd.s32 $0xFFFFF800  }
0xb2: {  	[hbm4b:s9+s6] =	stream.linear.scatter [tilespmem:s29], [sflag:$0x18], $0x800, $0x38;
	[tilespmem:$0x1FF00] =	vst v63  }
0xb3: {  	_ =	swait.ge [sflag:s10], $0x800  }
0xb4: {  	[sflag:s10] =	ssyncset.done $0x0  }
0xb5: {  	s12 =	simm.s32 $0xB;
	s11 =	rddreg [dreg:$0x13];
	[sflag:s10] =	ssyncadd.s32 $0xFFFFF800  }
0xb6: {  	[hbm4b:s11+s6] =	stream.linear.scatter [tilespmem:s16], [sflag:$0x19], $0x800, $0x38;
	[tilespmem:$0x1FF00] =	vst v63  }
0xb7: {  	_ =	swait.ge [sflag:s12], $0x800  }
0xb8: {  	[sflag:s12] =	ssyncset.done $0x0  }
0xb9: {  	s15 =	simm.s32 $0xC;
	s14 =	rddreg [dreg:$0x14];
	[sflag:s12] =	ssyncadd.s32 $0xFFFFF800  }
0xba: {  	[hbm4b:s14+s6] =	stream.linear.scatter [tilespmem:s17], [sflag:$0x1A], $0x800, $0x38;
	[tilespmem:$0x1FF00] =	vst v63  }
0xbb: {  	_ =	swait.ge [sflag:s15], $0x800  }
0xbc: {  	[sflag:s15] =	ssyncset.done $0x0  }
0xbd: {  	s17 =	simm.s32 $0xD;
	s16 =	rddreg [dreg:$0x15];
	[sflag:s15] =	ssyncadd.s32 $0xFFFFF800  }
0xbe: {  	[hbm4b:s16+s6] =	stream.linear.scatter [tilespmem:s19], [sflag:$0x1B], $0x800, $0x38;
	[tilespmem:$0x1FF00] =	vst v63  }
0xbf: {  	_ =	swait.ge [sflag:s17], $0x800  }
0xc0: {  	[sflag:s17] =	ssyncset.done $0x0  }
0xc1: {  	s19 =	rddreg [dreg:$0x16];
	[sflag:s17] =	ssyncadd.s32 $0xFFFFF800  }
0xc2: {  	[hbm4b:s19+s6] =	stream.linear.scatter [tilespmem:s20], [sflag:$0x1C], $0x800, $0x38;
	[tilespmem:$0x1FF00] =	vst v63  }
0xc3: {  	s20 =	simm.s32 $0xE  }
0xc4: {  	_ =	swait.ge [sflag:s20], $0x800  }
0xc5: {  	[sflag:s20] =	ssyncset.done $0x0  }
0xc6: {  	s24 =	simm.s32 $0xF;
	s23 =	rddreg [dreg:$0x17];
	[sflag:s20] =	ssyncadd.s32 $0xFFFFF800  }
0xc7: {  	[hbm4b:s23+s6] =	stream.linear.scatter [tilespmem:s21], [sflag:$0x1D], $0x800, $0x38;
	[tilespmem:$0x1FF00] =	vst v63  }
0xc8: {  	_ =	swait.ge [sflag:s24], $0x800  }
0xc9: {  	[sflag:s24] =	ssyncset.done $0x0  }
0xca: {  	s25 =	rddreg [dreg:$0x18];
	[sflag:s24] =	ssyncadd.s32 $0xFFFFF800  }
0xcb: {  	[hbm4b:s25+s6] =	stream.linear.scatter [tilespmem:s22], [sflag:$0x1E], $0x800, $0x38;
	[tilespmem:$0x1FF00] =	vst v63  }
0xcc: {  	_ =	swait.ge [sflag:s3], $0x2780  }
0xcd: {  	[sflag:s3] =	ssyncset.done $0x0  }
0xce: {  	s23 =	simm.s32 $0x0;
	[sflag:s3] =	ssyncadd.s32 $0xFFFFD880  }
0xcf: {  	s24 =	smov.u32 s13;
	s22 =	simm.s32 $0xE800;
	[bflag:$0x0] =	sbarrier.arrive $0xFFFF  }
.LBB2_2:
0xd0: {  	_ =	swait.ge [sflag:s18], $0x800  }
0xd1: {  	s0 =	sshra.s32 s23, $0x2;
	s11 =	simm.s32 $0x18700;
	[sflag:s18] =	ssyncset.done $0x0  }
0xd2: {  	s1 =	simm.s32 $0x11;
	s3 =	sadd.s32 $0xF0, s0;
	[sflag:s18] =	ssyncadd.s32 $0xFFFFF800  }
0xd3: {  	[tilespmem:s11], [sflag:$0x1] =	stream.indirect.gather [spmem:s5], $0x80, s3, s18, $0xb8;
	[tilespmem:$0x1FF00] =	vst v63  }
0xd4: {  	_ =	swait.ge [sflag:s1], $0x800  }
0xd5: {  	s12 =	simm.s32 $0x18F00;
	[sflag:s1] =	ssyncset.done $0x0  }
0xd6: {  	s15 =	simm.s32 $0x12;
	s14 =	sadd.s32 $0x100, s0;
	[sflag:s1] =	ssyncadd.s32 $0xFFFFF800  }
0xd7: {  	[tilespmem:s12], [sflag:$0x2] =	stream.indirect.gather [spmem:s5], $0x80, s14, s18, $0xb8;
	[tilespmem:$0x1FF00] =	vst v63  }
0xd8: {  	_ =	swait.ge [sflag:s15], $0x800  }
0xd9: {  	s17 =	simm.s32 $0x13;
	[sflag:s15] =	ssyncset.done $0x0  }
0xda: {  	s16 =	sadd.s32 $0x110, s0;
	s14 =	simm.s32 $0x19700;
	[sflag:s15] =	ssyncadd.s32 $0xFFFFF800  }
0xdb: {  	[tilespmem:s14], [sflag:$0x3] =	stream.indirect.gather [spmem:s5], $0x80, s16, s18, $0xb8;
	[tilespmem:$0x1FF00] =	vst v63  }
0xdc: {  	_ =	swait.ge [sflag:s17], $0x800  }
0xdd: {  	s20 =	simm.s32 $0x14;
	[sflag:s17] =	ssyncset.done $0x0  }
0xde: {  	s19 =	sadd.s32 $0x120, s0;
	s15 =	simm.s32 $0x19F00;
	[sflag:s17] =	ssyncadd.s32 $0xFFFFF800  }
0xdf: {  	[tilespmem:s15], [sflag:$0x4] =	stream.indirect.gather [spmem:s5], $0x80, s19, s18, $0xb8;
	[tilespmem:$0x1FF00] =	vst v63  }
0xe0: {  	_ =	swait.ge [sflag:s20], $0x800  }
0xe1: {  	s25 =	simm.s32 $0x15;
	[sflag:s20] =	ssyncset.done $0x0  }
0xe2: {  	s21 =	sadd.s32 $0x130, s0;
	s16 =	simm.s32 $0x1A700;
	[sflag:s20] =	ssyncadd.s32 $0xFFFFF800  }
0xe3: {  	[tilespmem:s16], [sflag:$0x5] =	stream.indirect.gather [spmem:s5], $0x80, s21, s18, $0xb8;
	[tilespmem:$0x1FF00] =	vst v63  }
0xe4: {  	_ =	swait.ge [sflag:s25], $0x800  }
0xe5: {  	s8 =	simm.s32 $0x16;
	[sflag:s25] =	ssyncset.done $0x0  }
0xe6: {  	s2 =	sadd.s32 $0x140, s0;
	s19 =	simm.s32 $0x1AF00;
	[sflag:s25] =	ssyncadd.s32 $0xFFFFF800  }
0xe7: {  	[tilespmem:s19], [sflag:$0x6] =	stream.indirect.gather [spmem:s5], $0x80, s2, s18, $0xb8;
	[tilespmem:$0x1FF00] =	vst v63  }
0xe8: {  	_ =	swait.ge [sflag:s8], $0x800  }
0xe9: {  	s10 =	simm.s32 $0x17;
	[sflag:s8] =	ssyncset.done $0x0  }
0xea: {  	s9 =	sadd.s32 $0x150, s0;
	s20 =	simm.s32 $0x1B700;
	[sflag:s8] =	ssyncadd.s32 $0xFFFFF800  }
0xeb: {  	[tilespmem:s20], [sflag:$0x7] =	stream.indirect.gather [spmem:s5], $0x80, s9, s18, $0xb8;
	[tilespmem:$0x1FF00] =	vst v63  }
0xec: {  	_ =	swait.ge [sflag:s10], $0x800  }
0xed: {  	s17 =	sadd.s32 $0x160, s0;
	[sflag:s10] =	ssyncset.done $0x0  }
0xee: {  	s21 =	simm.s32 $0x1BF00;
	s25 =	simm.s32 $0x18;
	[sflag:s10] =	ssyncadd.s32 $0xFFFFF800  }
0xef: {  	[tilespmem:s21], [sflag:$0x8] =	stream.indirect.gather [spmem:s5], $0x80, s17, s18, $0xb8;
	[tilespmem:$0x1FF00] =	vst v63  }
0xf0: {  	_ =	swait.ge [sflag:s25], $0x800  }
0xf1: {  	[sflag:s25] =	ssyncset.done $0x0  }
0xf2: {  	s3 =	simm.s32 $0x19;
	s2 =	sadd.s32 $0x170, s0;
	[sflag:s25] =	ssyncadd.s32 $0xFFFFF800  }
0xf3: {  	[tilespmem:s29], [sflag:$0x9] =	stream.indirect.gather [spmem:s5], $0x80, s2, s18, $0xb8;
	[tilespmem:$0x1FF00] =	vst v63  }
0xf4: {  	_ =	swait.ge [sflag:s3], $0x800  }
0xf5: {  	p0 =	seq.s32 s23, $0x9600;
	[sflag:s3] =	ssyncset.done $0x0  }
0xf6: {  	s0 =	sadd.s32 $0x180, s0;
	s25 =	simm.s32 $0x1CF00;
	[sflag:s3] =	ssyncadd.s32 $0xFFFFF800  }
0xf7: {  	[tilespmem:s25], [sflag:$0xA] =	stream.indirect.gather [spmem:s5], $0x80, s0, s18, $0xb8;
	[tilespmem:$0x1FF00] =	vst v63  }
0xf8: {  	s0 =	simm.s32 @!p0 $0x1A  }
0xf9: {  	_ =	swait.ge @!p0 [sflag:s0], $0x800  }
0xfa: {  	[sflag:s0] =	ssyncset.done @!p0 $0x0  }
0xfb: {  	[sflag:s0] =	ssyncadd.s32 @!p0 $0xFFFFF800;
	s0 =	sshra.s32 @!p0 s23, $0x2  }
0xfc: {  	s9 =	simm.s32 @!p0 $0x10;
	s10 =	simm.s32 @!p0 $0x1D700;
	s3 =	sadd.s32 @!p0 $0x190, s0  }
0xfd: {  	[tilespmem:s10], [sflag:$0xB] =	stream.indirect.gather @!p0 [spmem:s5], $0x80, s3, s9, $0xb8;
	[tilespmem:$0x1FF00] =	vst v63  }
0xfe: {  	s3 =	simm.s32 @!p0 $0x1B  }
0xff: {  	_ =	swait.ge @!p0 [sflag:s3], $0x800  }
0x100: {  	[sflag:s3] =	ssyncset.done @!p0 $0x0  }
0x101: {  	s10 =	simm.s32 @!p0 $0x1DF00;
	[sflag:s3] =	ssyncadd.s32 @!p0 $0xFFFFF800;
	s3 =	sadd.s32 @!p0 $0x1A0, s0  }
0x102: {  	[tilespmem:s10], [sflag:$0xC] =	stream.indirect.gather @!p0 [spmem:s5], $0x80, s3, s9, $0xb8;
	[tilespmem:$0x1FF00] =	vst v63  }
0x103: {  	s3 =	simm.s32 @!p0 $0x1C  }
0x104: {  	_ =	swait.ge @!p0 [sflag:s3], $0x800  }
0x105: {  	[sflag:s3] =	ssyncset.done @!p0 $0x0  }
0x106: {  	s10 =	simm.s32 @!p0 $0x1E700;
	[sflag:s3] =	ssyncadd.s32 @!p0 $0xFFFFF800;
	s3 =	sadd.s32 @!p0 $0x1B0, s0  }
0x107: {  	[tilespmem:s10], [sflag:$0xD] =	stream.indirect.gather @!p0 [spmem:s5], $0x80, s3, s9, $0xb8;
	[tilespmem:$0x1FF00] =	vst v63  }
0x108: {  	s3 =	simm.s32 @!p0 $0x1D  }
0x109: {  	_ =	swait.ge @!p0 [sflag:s3], $0x800  }
0x10a: {  	[sflag:s3] =	ssyncset.done @!p0 $0x0  }
0x10b: {  	s10 =	simm.s32 @!p0 $0x1EF00;
	[sflag:s3] =	ssyncadd.s32 @!p0 $0xFFFFF800;
	s3 =	sadd.s32 @!p0 $0x1C0, s0  }
0x10c: {  	[tilespmem:s10], [sflag:$0xE] =	stream.indirect.gather @!p0 [spmem:s5], $0x80, s3, s9, $0xb8;
	[tilespmem:$0x1FF00] =	vst v63  }
0x10d: {  	s3 =	simm.s32 @!p0 $0x1E  }
0x10e: {  	_ =	swait.ge @!p0 [sflag:s3], $0x800  }
0x10f: {  	s8 =	simm.s32 $0x1;
	[sflag:s3] =	ssyncset.done @!p0 $0x0  }
0x110: {  	s0 =	sadd.s32 @!p0 $0x1D0, s0;
	[sflag:s3] =	ssyncadd.s32 @!p0 $0xFFFFF800;
	s3 =	simm.s32 @!p0 $0x1F700  }
0x111: {  	[tilespmem:s3], [sflag:$0xF] =	stream.indirect.gather @!p0 [spmem:s5], $0x80, s0, s9, $0xb8;
	[tilespmem:$0x1FF00] =	vst v63  }
0x112: {  	_ =	swait.ge [sflag:s8], $0x800  }
0x113: {  	[sflag:s8] =	ssyncset.done $0x0  }
0x114: {  	s10 =	simm.s32 $0x2;
	s9 =	sadd.s32 s24, s28;
	[sflag:s8] =	ssyncadd.s32 $0xFFFFF800  }
0x115: {  	[hbm4b:s9+s6] =	stream.linear.scatter [tilespmem:s11], [sflag:$0x10], $0x800, $0x38;
	[tilespmem:$0x1FF00] =	vst v63  }
0x116: {  	_ =	swait.ge [sflag:s10], $0x800  }
0x117: {  	[sflag:s10] =	ssyncset.done $0x0  }
0x118: {  	s11 =	sadd.s32 s24, s26;
	[sflag:s10] =	ssyncadd.s32 $0xFFFFF800  }
0x119: {  	[hbm4b:s11+s6] =	stream.linear.scatter [tilespmem:s12], [sflag:$0x11], $0x800, $0x38;
	[tilespmem:$0x1FF00] =	vst v63  }
0x11a: {  	s12 =	simm.s32 $0x3  }
0x11b: {  	_ =	swait.ge [sflag:s12], $0x800  }
0x11c: {  	s17 =	sld [smem:$0x7F9];
	_ =	sdelay $0x1  }
0x11d: {  	[sflag:s12] =	ssyncset.done $0x0  }
0x11e: {  	s1 =	simm.s32 $0x4;
	[sflag:s12] =	ssyncadd.s32 $0xFFFFF800;
	s0 =	sadd.s32 s24, s17  }
0x11f: {  	[hbm4b:s0+s6] =	stream.linear.scatter [tilespmem:s14], [sflag:$0x12], $0x800, $0x38;
	[tilespmem:$0x1FF00] =	vst v63  }
0x120: {  	_ =	swait.ge [sflag:s1], $0x800  }
0x121: {  	s2 =	sld [smem:$0x7F8];
	_ =	sdelay $0x1  }
0x122: {  	[sflag:s1] =	ssyncset.done $0x0  }
0x123: {  	s3 =	simm.s32 $0x5;
	[sflag:s1] =	ssyncadd.s32 $0xFFFFF800;
	s0 =	sadd.s32 s24, s2  }
0x124: {  	[hbm4b:s0+s6] =	stream.linear.scatter [tilespmem:s15], [sflag:$0x13], $0x800, $0x38;
	[tilespmem:$0x1FF00] =	vst v63  }
0x125: {  	_ =	swait.ge [sflag:s3], $0x800  }
0x126: {  	s8 =	sld [smem:$0x7F7];
	_ =	sdelay $0x1  }
0x127: {  	[sflag:s3] =	ssyncset.done $0x0  }
0x128: {  	s9 =	simm.s32 $0x6;
	[sflag:s3] =	ssyncadd.s32 $0xFFFFF800;
	s0 =	sadd.s32 s24, s8  }
0x129: {  	[hbm4b:s0+s6] =	stream.linear.scatter [tilespmem:s16], [sflag:$0x14], $0x800, $0x38;
	[tilespmem:$0x1FF00] =	vst v63  }
0x12a: {  	_ =	swait.ge [sflag:s9], $0x800  }
0x12b: {  	[sflag:s9] =	ssyncset.done $0x0;
	s10 =	rddreg [dreg:$0x1f]  }
0x12c: {  	s11 =	simm.s32 $0x7;
	[sflag:s9] =	ssyncadd.s32 $0xFFFFF800;
	s0 =	sadd.s32 s24, s10  }
0x12d: {  	[hbm4b:s0+s6] =	stream.linear.scatter [tilespmem:s19], [sflag:$0x15], $0x800, $0x38;
	[tilespmem:$0x1FF00] =	vst v63  }
0x12e: {  	_ =	swait.ge [sflag:s11], $0x800  }
0x12f: {  	[sflag:s11] =	ssyncset.done $0x0;
	s12 =	rddreg [dreg:$0x1e]  }
0x130: {  	s14 =	simm.s32 $0x8;
	[sflag:s11] =	ssyncadd.s32 $0xFFFFF800;
	s0 =	sadd.s32 s24, s12  }
0x131: {  	[hbm4b:s0+s6] =	stream.linear.scatter [tilespmem:s20], [sflag:$0x16], $0x800, $0x38;
	[tilespmem:$0x1FF00] =	vst v63  }
0x132: {  	_ =	swait.ge [sflag:s14], $0x800  }
0x133: {  	[sflag:s14] =	ssyncset.done $0x0;
	s15 =	rddreg [dreg:$0x1d]  }
0x134: {  	s16 =	simm.s32 $0x9;
	[sflag:s14] =	ssyncadd.s32 $0xFFFFF800;
	s0 =	sadd.s32 s24, s15  }
0x135: {  	[hbm4b:s0+s6] =	stream.linear.scatter [tilespmem:s21], [sflag:$0x17], $0x800, $0x38;
	[tilespmem:$0x1FF00] =	vst v63  }
0x136: {  	_ =	swait.ge [sflag:s16], $0x800  }
0x137: {  	[sflag:s16] =	ssyncset.done $0x0;
	s19 =	rddreg [dreg:$0x1c]  }
0x138: {  	[sflag:s16] =	ssyncadd.s32 $0xFFFFF800;
	s0 =	sadd.s32 s24, s19  }
0x139: {  	[hbm4b:s0+s6] =	stream.linear.scatter [tilespmem:s29], [sflag:$0x18], $0x800, $0x38;
	[tilespmem:$0x1FF00] =	vst v63  }
.Ltmp2:
0x13a: {  	s20 =	simm.s32 $0xA;
	(pc) =	sbr.rel @p0 .LBB2_4-.Ltmp2, $4  }
0x13b: {  	s17 =	simm.s32 $0x1BF00;
	s1 =	simm.s32 $0x1A700;
	_ =	swait.ge [sflag:s20], $0x800  }
0x13c: {  	s2 =	simm.s32 $0x1AF00;
	[sflag:s20] =	ssyncset.done $0x0;
	s21 =	rddreg [dreg:$0x1b]  }
0x13d: {  	s8 =	simm.s32 $0x1B700;
	[sflag:s20] =	ssyncadd.s32 $0xFFFFF800;
	s0 =	sadd.s32 s24, s21  }
0x13e: {  	[hbm4b:s0+s6] =	stream.linear.scatter [tilespmem:s25], [sflag:$0x19], $0x800, $0x38;
	[tilespmem:$0x1FF00] =	vst v63  }
0x13f: {  	s1 =	simm.s32 $0xB;
	s0 =	sadd.s32 @!p0 $0xFFFFE800, s22;
	s9 =	simm.s32 $0x1D700  }
0x140: {  	s10 =	simm.s32 $0xC;
	s11 =	simm.s32 $0x1DF00;
	_ =	swait.ge [sflag:s1], $0x800  }
0x141: {  	s12 =	simm.s32 $0xD;
	[sflag:s1] =	ssyncset.done $0x0;
	s8 =	rddreg [dreg:$0x1a]  }
0x142: {  	s0 =	simm.s32 @p0 $0x139000;
	[sflag:s1] =	ssyncadd.s32 $0xFFFFF800;
	s3 =	sadd.s32 s24, s8  }
0x143: {  	[hbm4b:s3+s6] =	stream.linear.scatter [tilespmem:s9], [sflag:$0x1A], $0x800, $0x38;
	[tilespmem:$0x1FF00] =	vst v63  }
0x144: {  	s15 =	simm.s32 $0x1E700;
	s0 =	sadd.s32 s7, s0;
	_ =	swait.ge [sflag:s10], $0x800  }
0x145: {  	s0 =	sshrl.u32 s0, $0x3;
	s3 =	sadd.s32 @!p0 $0xFFFFF000, s22;
	[sflag:s10] =	ssyncset.done $0x0  }
0x146: {  	s0 =	sadd.s32 s13, s0;
	s3 =	simm.s32 @p0 $0x139800;
	[sflag:s10] =	ssyncadd.s32 $0xFFFFF800  }
0x147: {  	[hbm4b:s0+s6] =	stream.linear.scatter [tilespmem:s11], [sflag:$0x1B], $0x800, $0x38;
	[tilespmem:$0x1FF00] =	vst v63  }
0x148: {  	s16 =	simm.s32 $0xE;
	s14 =	sadd.s32 s7, s3;
	_ =	swait.ge [sflag:s12], $0x800  }
0x149: {  	s3 =	sadd.s32 @!p0 $0xFFFFF800, s22;
	s0 =	sshrl.u32 s14, $0x3;
	[sflag:s12] =	ssyncset.done $0x0  }
0x14a: {  	s3 =	simm.s32 @p0 $0x13A000;
	s0 =	sadd.s32 s13, s0;
	[sflag:s12] =	ssyncadd.s32 $0xFFFFF800  }
0x14b: {  	[hbm4b:s0+s6] =	stream.linear.scatter [tilespmem:s15], [sflag:$0x1C], $0x800, $0x38;
	[tilespmem:$0x1FF00] =	vst v63  }
0x14c: {  	s19 =	simm.s32 $0x1EF00;
	s17 =	sadd.s32 s7, s3;
	_ =	swait.ge [sflag:s16], $0x800  }
0x14d: {  	s20 =	simm.s32 $0xF;
	s0 =	sshrl.u32 s17, $0x3;
	[sflag:s16] =	ssyncset.done $0x0  }
0x14e: {  	s3 =	smov.u32 s22;
	s0 =	sadd.s32 s13, s0;
	[sflag:s16] =	ssyncadd.s32 $0xFFFFF800  }
0x14f: {  	[hbm4b:s0+s6] =	stream.linear.scatter [tilespmem:s19], [sflag:$0x1D], $0x800, $0x38;
	[tilespmem:$0x1FF00] =	vst v63  }
.Ltmp3:
0x150: {  	s25 =	simm.s32 $0x1F700;
	s3 =	simm.s32 @p0 $0x13A800;
	(pc) =	sbr.rel .LBB2_2-.Ltmp3, $4  }
0x151: {  	s23 =	sadd.s32 $0x3C0, s23;
	s21 =	sadd.s32 s7, s3;
	_ =	swait.ge [sflag:s20], $0x800  }
0x152: {  	s24 =	sadd.s32 $0xF00, s24;
	s0 =	sshrl.u32 s21, $0x3;
	[sflag:s20] =	ssyncset.done $0x0  }
0x153: {  	s22 =	sadd.s32 $0x7800, s22;
	s0 =	sadd.s32 s13, s0;
	[sflag:s20] =	ssyncadd.s32 $0xFFFFF800  }
0x154: {  	[hbm4b:s0+s6] =	stream.linear.scatter [tilespmem:s25], [sflag:$0x1E], $0x800, $0x38;
	[tilespmem:$0x1FF00] =	vst v63  }
.LBB2_4:
0x155: {  	_ =	swait.ge [sflag:s18], $0x800  }
0x156: {  	[sflag:s18] =	ssyncset.done $0x0  }
0x157: {  	s0 =	simm.s32 $0x11;
	[sflag:s18] =	ssyncadd.s32 $0xFFFFF800  }
0x158: {  	_ =	swait.ge [sflag:s0], $0x800  }
0x159: {  	[sflag:s0] =	ssyncset.done $0x0  }
0x15a: {  	s13 =	simm.s32 $0x12;
	[sflag:s0] =	ssyncadd.s32 $0xFFFFF800  }
0x15b: {  	_ =	swait.ge [sflag:s13], $0x800  }
0x15c: {  	[sflag:s13] =	ssyncset.done $0x0  }
0x15d: {  	s14 =	simm.s32 $0x13;
	[sflag:s13] =	ssyncadd.s32 $0xFFFFF800  }
0x15e: {  	_ =	swait.ge [sflag:s14], $0x800  }
0x15f: {  	[sflag:s14] =	ssyncset.done $0x0  }
0x160: {  	s15 =	simm.s32 $0x14;
	[sflag:s14] =	ssyncadd.s32 $0xFFFFF800  }
0x161: {  	_ =	swait.ge [sflag:s15], $0x800  }
0x162: {  	[sflag:s15] =	ssyncset.done $0x0  }
0x163: {  	s16 =	simm.s32 $0x15;
	[sflag:s15] =	ssyncadd.s32 $0xFFFFF800  }
0x164: {  	_ =	swait.ge [sflag:s16], $0x800  }
0x165: {  	[sflag:s16] =	ssyncset.done $0x0  }
0x166: {  	s19 =	simm.s32 $0x16;
	[sflag:s16] =	ssyncadd.s32 $0xFFFFF800  }
0x167: {  	_ =	swait.ge [sflag:s19], $0x800  }
0x168: {  	[sflag:s19] =	ssyncset.done $0x0  }
0x169: {  	s20 =	simm.s32 $0x17;
	[sflag:s19] =	ssyncadd.s32 $0xFFFFF800  }
0x16a: {  	_ =	swait.ge [sflag:s20], $0x800  }
0x16b: {  	[sflag:s20] =	ssyncset.done $0x0  }
0x16c: {  	s21 =	simm.s32 $0x18;
	[sflag:s20] =	ssyncadd.s32 $0xFFFFF800  }
0x16d: {  	_ =	swait.ge [sflag:s21], $0x800  }
0x16e: {  	[sflag:s21] =	ssyncset.done $0x0  }
0x16f: {  	s22 =	simm.s32 $0x19;
	[sflag:s21] =	ssyncadd.s32 $0xFFFFF800  }
0x170: {  	_ =	swait.ge [sflag:s22], $0x800  }
0x171: {  	[sflag:s22] =	ssyncset.done $0x0  }
0x172: {  	s23 =	simm.s32 $0x1A;
	[sflag:s22] =	ssyncadd.s32 $0xFFFFF800  }
0x173: {  	_ =	swait.ge [sflag:s23], $0x800  }
0x174: {  	[sflag:s23] =	ssyncset.done $0x0  }
0x175: {  	s24 =	simm.s32 $0x1B;
	[sflag:s23] =	ssyncadd.s32 $0xFFFFF800  }
0x176: {  	_ =	swait.ge [sflag:s24], $0x800  }
0x177: {  	[sflag:s24] =	ssyncset.done $0x0  }
0x178: {  	s25 =	simm.s32 $0x1C;
	[sflag:s24] =	ssyncadd.s32 $0xFFFFF800  }
0x179: {  	_ =	swait.ge [sflag:s25], $0x800  }
0x17a: {  	[sflag:s25] =	ssyncset.done $0x0  }
0x17b: {  	s26 =	simm.s32 $0x1D;
	[sflag:s25] =	ssyncadd.s32 $0xFFFFF800  }
0x17c: {  	_ =	swait.ge [sflag:s26], $0x800  }
.Ltmp4:
0x17d: {  	[sflag:s26] =	ssyncset.done $0x0;
	(pc) =	sbr.rel .LBB2_5-.Ltmp4, $4  }
0x17e: {  	s28 =	simm.s32 $0x1E;
	[sflag:s26] =	ssyncadd.s32 $0xFFFFF800  }
0x17f: {  	s22 =	simm.s32 $0x0;
	_ =	swait.ge [sflag:s28], $0x800  }
0x180: {  	s23 =	simm.s32 $0xE;
	s24 =	simm.s32 $0x6800;
	[sflag:s28] =	ssyncset.done $0x0  }
0x181: {  	s26 =	simm.s32 $0x0;
	s25 =	sld [smem:$0x7FA];
	[sflag:s28] =	ssyncadd.s32 $0xFFFFF800  }
.LBB2_25:
0x182: {  	s16 =	sshra.s32 s22, $0x2  }
0x183: {  	s29 =	simm.s32 $0x1F700;
	s16 =	sadd.s32 $0x27F0, s16  }
0x184: {  	[tilespmem:s29], [sflag:$0xF] =	stream.indirect.gather [spmem:s5], $0x80, s16, s18, $0xb8;
	[tilespmem:$0x1FF00] =	vst v63  }
0x185: {  	p0 =	por $0x0, $0x0;
	s16 =	smov.u32 s23  }
.LBB2_26:
0x186: {  	s29 =	simm.s32 $0x1  }
0x187: {  	_ =	swait.ge [sflag:s29], $0x800  }
0x188: {  	[sflag:s29] =	ssyncset.done $0x0  }
0x189: {  	[sflag:s29] =	ssyncadd.s32 $0xFFFFF800;
	s29 =	simm.s32 $0x18700  }
0x18a: {  	[hbm4b:s25+s6] =	stream.linear.scatter [tilespmem:s29], [sflag:$0x10], $0x800, $0x38;
	[tilespmem:$0x1FF00] =	vst v63  }
0x18b: {  	s29 =	simm.s32 $0x2  }
0x18c: {  	s0 =	sadd.s32 s7, s0;
	_ =	swait.ge [sflag:s29], $0x800  }
0x18d: {  	s0 =	sshrl.u32 s0, $0x3;
	[sflag:s29] =	ssyncset.done $0x0  }
0x18e: {  	s0 =	sadd.s32 s4, s0;
	[sflag:s29] =	ssyncadd.s32 $0xFFFFF800;
	s29 =	simm.s32 $0x18F00  }
0x18f: {  	[hbm4b:s0+s6] =	stream.linear.scatter [tilespmem:s29], [sflag:$0x11], $0x800, $0x38;
	[tilespmem:$0x1FF00] =	vst v63  }
0x190: {  	s29 =	simm.s32 $0x3  }
0x191: {  	s21 =	sadd.s32 s7, s21;
	_ =	swait.ge [sflag:s29], $0x800  }
0x192: {  	s0 =	sshrl.u32 s21, $0x3;
	[sflag:s29] =	ssyncset.done $0x0  }
0x193: {  	s21 =	simm.s32 $0x19700;
	s0 =	sadd.s32 s4, s0;
	[sflag:s29] =	ssyncadd.s32 $0xFFFFF800  }
0x194: {  	[hbm4b:s0+s6] =	stream.linear.scatter [tilespmem:s21], [sflag:$0x12], $0x800, $0x38;
	[tilespmem:$0x1FF00] =	vst v63  }
0x195: {  	s21 =	simm.s32 $0x4  }
0x196: {  	s20 =	sadd.s32 s7, s20;
	_ =	swait.ge [sflag:s21], $0x800  }
0x197: {  	s0 =	sshrl.u32 s20, $0x3;
	[sflag:s21] =	ssyncset.done $0x0  }
0x198: {  	s0 =	sadd.s32 s4, s0;
	[sflag:s21] =	ssyncadd.s32 $0xFFFFF800;
	s21 =	simm.s32 $0x5  }
0x199: {  	[hbm4b:s0+s6] =	stream.linear.scatter [tilespmem:s31], [sflag:$0x13], $0x800, $0x38;
	[tilespmem:$0x1FF00] =	vst v63  }
0x19a: {  	s19 =	sadd.s32 s7, s19;
	_ =	swait.ge [sflag:s21], $0x800  }
0x19b: {  	s0 =	sshrl.u32 s19, $0x3;
	[sflag:s21] =	ssyncset.done $0x0  }
0x19c: {  	s0 =	sadd.s32 s4, s0;
	[sflag:s21] =	ssyncadd.s32 $0xFFFFF800;
	s21 =	simm.s32 $0x6  }
0x19d: {  	[hbm4b:s0+s6] =	stream.linear.scatter [tilespmem:s1], [sflag:$0x14], $0x800, $0x38;
	[tilespmem:$0x1FF00] =	vst v63  }
0x19e: {  	s12 =	sadd.s32 s7, s12;
	_ =	swait.ge [sflag:s21], $0x800  }
0x19f: {  	s0 =	sshrl.u32 s12, $0x3;
	[sflag:s21] =	ssyncset.done $0x0  }
0x1a0: {  	s19 =	simm.s32 $0x7;
	s0 =	sadd.s32 s4, s0;
	[sflag:s21] =	ssyncadd.s32 $0xFFFFF800  }
0x1a1: {  	[hbm4b:s0+s6] =	stream.linear.scatter [tilespmem:s2], [sflag:$0x15], $0x800, $0x38;
	[tilespmem:$0x1FF00] =	vst v63  }
0x1a2: {  	s20 =	sadd.s32 s7, s13;
	_ =	swait.ge [sflag:s19], $0x800  }
0x1a3: {  	s0 =	sshrl.u32 s20, $0x3;
	[sflag:s19] =	ssyncset.done $0x0  }
0x1a4: {  	s21 =	simm.s32 $0x8;
	s0 =	sadd.s32 s4, s0;
	[sflag:s19] =	ssyncadd.s32 $0xFFFFF800  }
0x1a5: {  	[hbm4b:s0+s6] =	stream.linear.scatter [tilespmem:s8], [sflag:$0x16], $0x800, $0x38;
	[tilespmem:$0x1FF00] =	vst v63  }
0x1a6: {  	s13 =	sadd.s32 s7, s9;
	_ =	swait.ge [sflag:s21], $0x800  }
0x1a7: {  	s0 =	sshrl.u32 s13, $0x3;
	[sflag:s21] =	ssyncset.done $0x0  }
0x1a8: {  	s19 =	simm.s32 $0x9;
	s0 =	sadd.s32 s4, s0;
	[sflag:s21] =	ssyncadd.s32 $0xFFFFF800  }
0x1a9: {  	[hbm4b:s0+s6] =	stream.linear.scatter [tilespmem:s17], [sflag:$0x17], $0x800, $0x38;
	[tilespmem:$0x1FF00] =	vst v63  }
0x1aa: {  	s29 =	simm.s32 $0x1C700;
	s20 =	sadd.s32 s7, s10;
	_ =	swait.ge [sflag:s19], $0x800  }
0x1ab: {  	s21 =	sshll.u32 s28, $0xB;
	s0 =	sshrl.u32 s20, $0x3;
	[sflag:s19] =	ssyncset.done $0x0  }
0x1ac: {  	s28 =	simm.s32 $0xA;
	s0 =	sadd.s32 s4, s0;
	[sflag:s19] =	ssyncadd.s32 $0xFFFFF800  }
0x1ad: {  	[hbm4b:s0+s6] =	stream.linear.scatter [tilespmem:s29], [sflag:$0x18], $0x800, $0x38;
	[tilespmem:$0x1FF00] =	vst v63  }
0x1ae: {  	s0 =	sadd.s32 s7, s21;
	_ =	swait.ge [sflag:s28], $0x800  }
0x1af: {  	s0 =	sshrl.u32 s0, $0x3;
	[sflag:s28] =	ssyncset.done $0x0  }
0x1b0: {  	s0 =	sadd.s32 s4, s0;
	[sflag:s28] =	ssyncadd.s32 $0xFFFFF800  }
0x1b1: {  	[hbm4b:s0+s6] =	stream.linear.scatter [tilespmem:s30], [sflag:$0x19], $0x800, $0x38;
	[tilespmem:$0x1FF00] =	vst v63  }
0x1b2: {  	s0 =	simm.s32 @!p0 $0xB  }
0x1b3: {  	s9 =	sshll.u32 @!p0 s15, $0xB;
	_ =	swait.ge @!p0 [sflag:s0], $0x800  }
0x1b4: {  	s9 =	sadd.s32 @!p0 s7, s9;
	[sflag:s0] =	ssyncset.done @!p0 $0x0  }
0x1b5: {  	[sflag:s0] =	ssyncadd.s32 @!p0 $0xFFFFF800;
	s0 =	sshrl.u32 @!p0 s9, $0x3  }
0x1b6: {  	s10 =	simm.s32 @!p0 $0x1D700;
	s9 =	simm.s32 @!p0 $0x0;
	s0 =	sadd.s32 @!p0 s4, s0  }
0x1b7: {  	[hbm4b:s0+s9] =	stream.linear.scatter @!p0 [tilespmem:s10], [sflag:$0x1A], $0x800, $0x38;
	[tilespmem:$0x1FF00] =	vst v63  }
0x1b8: {  	s0 =	simm.s32 @!p0 $0xC  }
0x1b9: {  	s10 =	sadd.s32 @!p0 s7, s11;
	_ =	swait.ge @!p0 [sflag:s0], $0x800  }
0x1ba: {  	s10 =	sshrl.u32 @!p0 s10, $0x3;
	[sflag:s0] =	ssyncset.done @!p0 $0x0  }
0x1bb: {  	[sflag:s0] =	ssyncadd.s32 @!p0 $0xFFFFF800;
	s0 =	sadd.s32 @!p0 s4, s10;
	s10 =	simm.s32 @!p0 $0x1DF00  }
0x1bc: {  	[hbm4b:s0+s9] =	stream.linear.scatter @!p0 [tilespmem:s10], [sflag:$0x1B], $0x800, $0x38;
	[tilespmem:$0x1FF00] =	vst v63  }
0x1bd: {  	s0 =	simm.s32 @!p0 $0xD;
	s10 =	sshll.u32 @!p0 s14, $0xB  }
0x1be: {  	_ =	swait.ge @!p0 [sflag:s0], $0x800;
	s10 =	sadd.s32 @!p0 s7, s10  }
0x1bf: {  	[sflag:s0] =	ssyncset.done @!p0 $0x0;
	s10 =	sshrl.u32 @!p0 s10, $0x3  }
0x1c0: {  	[sflag:s0] =	ssyncadd.s32 @!p0 $0xFFFFF800;
	s0 =	sadd.s32 @!p0 s4, s10;
	s10 =	simm.s32 @!p0 $0x1E700  }
0x1c1: {  	[hbm4b:s0+s9] =	stream.linear.scatter @!p0 [tilespmem:s10], [sflag:$0x1C], $0x800, $0x38;
	[tilespmem:$0x1FF00] =	vst v63  }
0x1c2: {  	s0 =	simm.s32 @!p0 $0xE  }
0x1c3: {  	s3 =	sadd.s32 @!p0 s7, s3;
	_ =	swait.ge @!p0 [sflag:s0], $0x800  }
0x1c4: {  	s3 =	sshrl.u32 @!p0 s3, $0x3;
	[sflag:s0] =	ssyncset.done @!p0 $0x0  }
0x1c5: {  	[sflag:s0] =	ssyncadd.s32 @!p0 $0xFFFFF800;
	s0 =	sadd.s32 @!p0 s4, s3;
	s3 =	simm.s32 @!p0 $0x1EF00  }
0x1c6: {  	[hbm4b:s0+s9] =	stream.linear.scatter @!p0 [tilespmem:s3], [sflag:$0x1D], $0x800, $0x38;
	[tilespmem:$0x1FF00] =	vst v63  }
0x1c7: {  	s0 =	simm.s32 @!p0 $0xF;
	s3 =	sshll.u32 @!p0 s16, $0xB  }
0x1c8: {  	_ =	swait.ge @!p0 [sflag:s0], $0x800;
	s3 =	sadd.s32 @!p0 s7, s3  }
0x1c9: {  	s22 =	sadd.s32 $0x3C0, s22;
	[sflag:s0] =	ssyncset.done @!p0 $0x0;
	s3 =	sshrl.u32 @!p0 s3, $0x3  }
0x1ca: {  	[sflag:s0] =	ssyncadd.s32 @!p0 $0xFFFFF800;
	s0 =	sadd.s32 @!p0 s4, s3;
	s3 =	simm.s32 @!p0 $0x1F700  }
0x1cb: {  	[hbm4b:s0+s9] =	stream.linear.scatter @!p0 [tilespmem:s3], [sflag:$0x1E], $0x800, $0x38;
	[tilespmem:$0x1FF00] =	vst v63  }
0x1cc: {  	p0 =	sne.s32 s22, $0x9D80  }
.Ltmp5:
0x1cd: {  	_ = 	snop;
	(pc) =	sbr.rel @!p0 .LBB2_27-.Ltmp5, $3  }
0x1ce: {  	_ =	sdelay $0x1  }
0x1cf: {  	s26 =	sadd.s32 $0x1, s26  }
0x1d0: {  	s23 =	sadd.s32 $0xF, s23;
	s24 =	sadd.s32 $0x7800, s24;
	s25 =	sadd.s32 $0xF00, s25  }
.LBB2_5:
0x1d1: {  	p0 =	seq.s32 s22, $0x0  }
.Ltmp6:
0x1d2: {  	_ = 	snop;
	(pc) =	sbr.rel @p0 .LBB2_11-.Ltmp6, $1  }
0x1d3: {  	_ =	sdelay $0x3  }
0x1d4: {  	_ =	swait.ge [sflag:s18], $0x800  }
0x1d5: {  	s3 =	sshra.s32 s22, $0x2;
	s9 =	simm.s32 $0x18700;
	[sflag:s18] =	ssyncset.done $0x0  }
0x1d6: {  	s12 =	simm.s32 $0x11;
	s0 =	sadd.s32 $0x2710, s3;
	[sflag:s18] =	ssyncadd.s32 $0xFFFFF800  }
0x1d7: {  	[tilespmem:s9], [sflag:$0x1] =	stream.indirect.gather [spmem:s5], $0x80, s0, s18, $0xb8;
	[tilespmem:$0x1FF00] =	vst v63  }
0x1d8: {  	_ =	swait.ge [sflag:s12], $0x800  }
0x1d9: {  	s14 =	simm.s32 $0x18F00;
	[sflag:s12] =	ssyncset.done $0x0  }
0x1da: {  	s15 =	simm.s32 $0x12;
	s13 =	sadd.s32 $0x2720, s3;
	[sflag:s12] =	ssyncadd.s32 $0xFFFFF800  }
0x1db: {  	[tilespmem:s14], [sflag:$0x2] =	stream.indirect.gather [spmem:s5], $0x80, s13, s18, $0xb8;
	[tilespmem:$0x1FF00] =	vst v63  }
0x1dc: {  	_ =	swait.ge [sflag:s15], $0x800  }
0x1dd: {  	s19 =	simm.s32 $0x19700;
	[sflag:s15] =	ssyncset.done $0x0  }
0x1de: {  	s20 =	simm.s32 $0x13;
	s16 =	sadd.s32 $0x2730, s3;
	[sflag:s15] =	ssyncadd.s32 $0xFFFFF800  }
0x1df: {  	[tilespmem:s19], [sflag:$0x3] =	stream.indirect.gather [spmem:s5], $0x80, s16, s18, $0xb8;
	[tilespmem:$0x1FF00] =	vst v63  }
0x1e0: {  	_ =	swait.ge [sflag:s20], $0x800  }
0x1e1: {  	[sflag:s20] =	ssyncset.done $0x0  }
0x1e2: {  	s21 =	sadd.s32 $0x2740, s3;
	s9 =	simm.s32 $0x14;
	[sflag:s20] =	ssyncadd.s32 $0xFFFFF800  }
0x1e3: {  	[tilespmem:s31], [sflag:$0x4] =	stream.indirect.gather [spmem:s5], $0x80, s21, s18, $0xb8;
	[tilespmem:$0x1FF00] =	vst v63  }
0x1e4: {  	_ =	swait.ge [sflag:s9], $0x800  }
0x1e5: {  	[sflag:s9] =	ssyncset.done $0x0  }
0x1e6: {  	s11 =	simm.s32 $0x15;
	s10 =	sadd.s32 $0x2750, s3;
	[sflag:s9] =	ssyncadd.s32 $0xFFFFF800  }
0x1e7: {  	[tilespmem:s1], [sflag:$0x5] =	stream.indirect.gather [spmem:s5], $0x80, s10, s18, $0xb8;
	[tilespmem:$0x1FF00] =	vst v63  }
0x1e8: {  	_ =	swait.ge [sflag:s11], $0x800  }
0x1e9: {  	[sflag:s11] =	ssyncset.done $0x0  }
0x1ea: {  	s12 =	sadd.s32 $0x2760, s3;
	s13 =	simm.s32 $0x16;
	[sflag:s11] =	ssyncadd.s32 $0xFFFFF800  }
0x1eb: {  	[tilespmem:s2], [sflag:$0x6] =	stream.indirect.gather [spmem:s5], $0x80, s12, s18, $0xb8;
	[tilespmem:$0x1FF00] =	vst v63  }
0x1ec: {  	_ =	swait.ge [sflag:s13], $0x800  }
0x1ed: {  	[sflag:s13] =	ssyncset.done $0x0  }
0x1ee: {  	s14 =	sadd.s32 $0x2770, s3;
	s15 =	simm.s32 $0x17;
	[sflag:s13] =	ssyncadd.s32 $0xFFFFF800  }
0x1ef: {  	[tilespmem:s8], [sflag:$0x7] =	stream.indirect.gather [spmem:s5], $0x80, s14, s18, $0xb8;
	[tilespmem:$0x1FF00] =	vst v63  }
0x1f0: {  	p1 =	seq.s32 s26, $0x0;
	_ =	swait.ge [sflag:s15], $0x800  }
0x1f1: {  	s28 =	sadd.s32 $0xFFFFFFFB, s23;
	p2 =	seq.s32 @!p1 s26, $0x29;
	[sflag:s15] =	ssyncset.done $0x0  }
0x1f2: {  	s16 =	sadd.s32 $0x2780, s3;
	s19 =	simm.s32 $0x18;
	[sflag:s15] =	ssyncadd.s32 $0xFFFFF800  }
0x1f3: {  	[tilespmem:s17], [sflag:$0x8] =	stream.indirect.gather [spmem:s5], $0x80, s16, s18, $0xb8;
	[tilespmem:$0x1FF00] =	vst v63  }
0x1f4: {  	p2 =	por p1, p2;
	p1 =	seq.s32 s22, $0x99C0;
	_ =	swait.ge [sflag:s19], $0x800  }
0x1f5: {  	s0 =	sadd.s32 $0xFFFFA000, s24;
	s20 =	sadd.s32 $0x2790, s3;
	[sflag:s19] =	ssyncset.done $0x0  }
0x1f6: {  	s21 =	simm.s32 $0x19;
	s9 =	sadd.s32 $0xFFFFD000, s24;
	[sflag:s19] =	ssyncadd.s32 $0xFFFFF800  }
0x1f7: {  	[tilespmem:s29], [sflag:$0x9] =	stream.indirect.gather [spmem:s5], $0x80, s20, s18, $0xb8;
	[tilespmem:$0x1FF00] =	vst v63  }
.Ltmp7:
0x1f8: {  	s10 =	sadd.s32 $0xFFFFD800, s24;
	s12 =	sadd.s32 $0xFFFFC000, s24;
	(pc) =	sbr.rel @!p2 .LBB2_7-.Ltmp7, $4  }
0x1f9: {  	s13 =	sadd.s32 $0xFFFFC800, s24;
	s15 =	sadd.s32 $0xFFFFFFFC, s23;
	_ =	swait.ge [sflag:s21], $0x800  }
0x1fa: {  	s19 =	sadd.s32 $0xFFFFB800, s24;
	s29 =	sadd.s32 $0x27A0, s3;
	[sflag:s21] =	ssyncset.done $0x0  }
0x1fb: {  	s20 =	sadd.s32 $0xFFFFB000, s24;
	[sflag:s21] =	ssyncadd.s32 $0xFFFFF800;
	s21 =	sadd.s32 $0xFFFFA800, s24  }
0x1fc: {  	[tilespmem:s30], [sflag:$0xA] =	stream.indirect.gather [spmem:s5], $0x80, s29, s18, $0xb8;
	[tilespmem:$0x1FF00] =	vst v63  }
.Ltmp8:
0x1fd: {  	(pc) =	sbr.rel @!p1 .LBB2_12-.Ltmp8, $1  }
0x1fe: {  	_ =	sdelay $0x3  }
.Ltmp9:
0x1ff: {  	(pc) =	sbr.rel .LBB2_14-.Ltmp9, $2  }
0x200: {  	_ =	sdelay $0x2  }
0x201: {  	s11 =	simm.s32 $0x139000;
	p2 =	por $0x1, $0x1  }
.LBB2_11:
0x202: {  	s0 =	simm.s32 $0x2710;
	s3 =	simm.s32 $0x18700  }
0x203: {  	[tilespmem:s3], [sflag:$0x1] =	stream.indirect.gather [spmem:s5], $0x80, s0, s18, $0xb8;
	[tilespmem:$0x1FF00] =	vst v63  }
0x204: {  	s9 =	simm.s32 $0x2720;
	s3 =	simm.s32 $0x18F00  }
0x205: {  	[tilespmem:s3], [sflag:$0x2] =	stream.indirect.gather [spmem:s5], $0x80, s9, s18, $0xb8;
	[tilespmem:$0x1FF00] =	vst v63  }
0x206: {  	s10 =	simm.s32 $0x19700;
	s11 =	simm.s32 $0x2730  }
0x207: {  	[tilespmem:s10], [sflag:$0x3] =	stream.indirect.gather [spmem:s5], $0x80, s11, s18, $0xb8;
	[tilespmem:$0x1FF00] =	vst v63  }
0x208: {  	s12 =	simm.s32 $0x2740  }
0x209: {  	[tilespmem:s31], [sflag:$0x4] =	stream.indirect.gather [spmem:s5], $0x80, s12, s18, $0xb8;
	[tilespmem:$0x1FF00] =	vst v63  }
0x20a: {  	s13 =	simm.s32 $0x2750  }
0x20b: {  	[tilespmem:s1], [sflag:$0x5] =	stream.indirect.gather [spmem:s5], $0x80, s13, s18, $0xb8;
	[tilespmem:$0x1FF00] =	vst v63  }
0x20c: {  	s14 =	simm.s32 $0x2760  }
0x20d: {  	[tilespmem:s2], [sflag:$0x6] =	stream.indirect.gather [spmem:s5], $0x80, s14, s18, $0xb8;
	[tilespmem:$0x1FF00] =	vst v63  }
0x20e: {  	s15 =	simm.s32 $0x2770;
	s16 =	simm.s32 $0x2780;
	s19 =	simm.s32 $0x2790  }
0x20f: {  	[tilespmem:s8], [sflag:$0x7] =	stream.indirect.gather [spmem:s5], $0x80, s15, s18, $0xb8;
	[tilespmem:$0x1FF00] =	vst v63  }
0x210: {  	s20 =	simm.s32 $0x27A0;
	s21 =	simm.s32 $0x1D700;
	s28 =	simm.s32 $0x9  }
0x211: {  	[tilespmem:s17], [sflag:$0x8] =	stream.indirect.gather [spmem:s5], $0x80, s16, s18, $0xb8;
	[tilespmem:$0x1FF00] =	vst v63  }
0x212: {  	s0 =	simm.s32 $0x800;
	s9 =	simm.s32 $0x3800;
	s3 =	simm.s32 $0xB  }
0x213: {  	[tilespmem:s29], [sflag:$0x9] =	stream.indirect.gather [spmem:s5], $0x80, s19, s18, $0xb8;
	[tilespmem:$0x1FF00] =	vst v63  }
.Ltmp10:
0x214: {  	s10 =	simm.s32 $0x4000;
	s12 =	simm.s32 $0x2800;
	(pc) =	sbr.rel .LBB2_13-.Ltmp10, $4  }
0x215: {  	[tilespmem:s30], [sflag:$0xA] =	stream.indirect.gather [spmem:s5], $0x80, s20, s18, $0xb8;
	[tilespmem:$0x1FF00] =	vst v63  }
0x216: {  	s13 =	simm.s32 $0x3000;
	s15 =	simm.s32 $0xA;
	s29 =	simm.s32 $0x27B0  }
0x217: {  	[tilespmem:s21], [sflag:$0xB] =	stream.indirect.gather [spmem:s5], $0x80, s29, s18, $0xb8;
	[tilespmem:$0x1FF00] =	vst v63  }
0x218: {  	s19 =	simm.s32 $0x2000;
	s20 =	simm.s32 $0x1800;
	s21 =	simm.s32 $0x1000  }
.LBB2_7:
.Ltmp11:
0x219: {  	(pc) =	sbr.rel @!p1 .LBB2_12-.Ltmp11, $4  }
0x21a: {  	s11 =	simm.s32 $0x1A  }
0x21b: {  	_ =	swait.ge [sflag:s11], $0x800  }
0x21c: {  	[sflag:s11] =	ssyncset.done $0x0  }
0x21d: {  	[sflag:s11] =	ssyncadd.s32 $0xFFFFF800  }
.Ltmp12:
0x21e: {  	(pc) =	sbr.rel .LBB2_26-.Ltmp12, $3  }
0x21f: {  	_ =	sdelay $0x1  }
0x220: {  	s16 =	simm.s32 $0x275;
	s3 =	simm.s32 $0x13A000  }
0x221: {  	s14 =	simm.s32 $0x273;
	s11 =	simm.s32 $0x139000;
	p0 =	por $0x1, $0x1  }
.LBB2_12:
0x222: {  	s3 =	sadd.s32 $0x27B0, s3;
	s11 =	simm.s32 $0x1D700;
	s29 =	simm.s32 $0x1B  }
0x223: {  	[tilespmem:s11], [sflag:$0xB] =	stream.indirect.gather [spmem:s5], $0x80, s3, s18, $0xb8;
	[tilespmem:$0x1FF00] =	vst v63  }
0x224: {  	_ =	swait.ge [sflag:s29], $0x800  }
0x225: {  	[sflag:s29] =	ssyncset.done $0x0  }
0x226: {  	s3 =	sadd.s32 $0xFFFFFFFD, s23;
	[sflag:s29] =	ssyncadd.s32 $0xFFFFF800  }
.LBB2_13:
0x227: {  	s11 =	sshll.u32 s3, $0x4  }
0x228: {  	s11 =	sand.u32 $0x3FFFFFF0, s11  }
0x229: {  	s14 =	simm.s32 $0x1DF00;
	s11 =	sadd.s32 $0x2710, s11  }
0x22a: {  	[tilespmem:s14], [sflag:$0xC] =	stream.indirect.gather [spmem:s5], $0x80, s11, s18, $0xb8;
	[tilespmem:$0x1FF00] =	vst v63  }
0x22b: {  	p2 =	por $0x0, $0x0;
	s11 =	sshll.u32 s3, $0xB  }
.LBB2_14:
0x22c: {  	p1 =	seq.s32 s26, $0x0  }
0x22d: {  	p3 =	seq.s32 @!p1 s26, $0x29  }
0x22e: {  	p1 =	por p1, p3  }
.Ltmp13:
0x22f: {  	_ = 	snop;
	(pc) =	sbr.rel @!p1 .LBB2_15-.Ltmp13, $1  }
0x230: {  	_ =	sdelay $0x3  }
.Ltmp14:
0x231: {  	(pc) =	sbr.rel @!p2 .LBB2_19-.Ltmp14, $1  }
0x232: {  	_ =	sdelay $0x3  }
.Ltmp15:
0x233: {  	(pc) =	sbr.rel .LBB2_20-.Ltmp15, $2  }
0x234: {  	_ =	sdelay $0x2  }
0x235: {  	s3 =	simm.s32 $0x13A000;
	p2 =	por $0x1, $0x1  }
.LBB2_15:
.Ltmp16:
0x236: {  	(pc) =	sbr.rel @!p2 .LBB2_19-.Ltmp16, $4  }
0x237: {  	s3 =	simm.s32 $0x1C  }
0x238: {  	_ =	swait.ge [sflag:s3], $0x800  }
0x239: {  	[sflag:s3] =	ssyncset.done $0x0  }
0x23a: {  	[sflag:s3] =	ssyncadd.s32 $0xFFFFF800  }
.Ltmp17:
0x23b: {  	(pc) =	sbr.rel .LBB2_20-.Ltmp17, $2  }
0x23c: {  	_ =	sdelay $0x2  }
0x23d: {  	s3 =	simm.s32 $0x13A000;
	p2 =	por $0x1, $0x1  }
.LBB2_19:
0x23e: {  	s3 =	sshra.s32 s22, $0x2  }
0x23f: {  	s16 =	simm.s32 $0x1E700;
	s14 =	sadd.s32 $0x27D0, s3  }
0x240: {  	[tilespmem:s16], [sflag:$0xD] =	stream.indirect.gather [spmem:s5], $0x80, s14, s18, $0xb8;
	[tilespmem:$0x1FF00] =	vst v63  }
0x241: {  	s14 =	simm.s32 @!p0 $0x1D  }
0x242: {  	_ =	swait.ge @!p0 [sflag:s14], $0x800  }
0x243: {  	[sflag:s14] =	ssyncset.done @!p0 $0x0  }
0x244: {  	s29 =	simm.s32 $0x1EF00;
	s3 =	sadd.s32 $0x27E0, s3;
	[sflag:s14] =	ssyncadd.s32 @!p0 $0xFFFFF800  }
0x245: {  	[tilespmem:s29], [sflag:$0xE] =	stream.indirect.gather [spmem:s5], $0x80, s3, s18, $0xb8;
	[tilespmem:$0x1FF00] =	vst v63  }
0x246: {  	p2 =	por $0x0, $0x0;
	s3 =	smov.u32 s24  }
.LBB2_20:
.Ltmp18:
0x247: {  	(pc) =	sbr.rel @!p1 .LBB2_21-.Ltmp18, $2  }
0x248: {  	_ =	sdelay $0x2  }
0x249: {  	s14 =	sadd.s32 $0xFFFFFFFE, s23  }
.Ltmp19:
0x24a: {  	(pc) =	sbr.rel @!p2 .LBB2_25-.Ltmp19, $2  }
0x24b: {  	_ =	sdelay $0x2  }
0x24c: {  	p0 =	por $0x1, $0x1  }
.Ltmp20:
0x24d: {  	(pc) =	sbr.rel .LBB2_26-.Ltmp20, $2  }
0x24e: {  	_ =	sdelay $0x2  }
0x24f: {  	s16 =	smov.u32 s23  }
.LBB2_21:
.Ltmp21:
0x250: {  	(pc) =	sbr.rel @!p2 .LBB2_25-.Ltmp21, $4  }
0x251: {  	s16 =	simm.s32 $0x1E  }
0x252: {  	_ =	swait.ge [sflag:s16], $0x800  }
0x253: {  	[sflag:s16] =	ssyncset.done $0x0  }
0x254: {  	p0 =	por $0x1, $0x1;
	[sflag:s16] =	ssyncadd.s32 $0xFFFFF800  }
.Ltmp22:
0x255: {  	(pc) =	sbr.rel .LBB2_26-.Ltmp22, $2  }
0x256: {  	_ =	sdelay $0x2  }
0x257: {  	s16 =	smov.u32 s23  }
.LBB2_28:
0x258: {  	_ =	sfence.sel $0x180000  }
0x259: {  	[bflag:$0x0] =	sbarrier.arrive $0xFFFF  }
0x25a: {  	_ =	strace $0x90000047  }
0x25b: {  	s0 =	stileid.u32;
	[bflag:$0x2] =	sbarrier.arrive $0xFFFF  }
0x25c: {  	p0 =	sne.s32 s0, $0x0;
	s0 =	rddreg [dreg:$0x5]  }
0x25d: {  	s0 =	sadd.s32 @!p0 $0x100000, s0  }
0x25e: {  	[sflag:s0] =	ssyncadd.tile.s32 @!p0 $0x1;
	_ =	shalt  }
.Lfunc_end2:
_tile_overlayer_lowered:
.L_overlay_start_2:
0x25f: {  	(tag) =	ssettag $0x2  }
0x260: {  	s0 =	rddreg [dreg:$0x0];
	s2 =	stileid.u32  }
0x261: {  	s1 =	rddreg [dreg:$0x1];
	p0 =	sne.s32 s2, $0x0  }
0x262: {  	s3 =	rddreg [dreg:$0x2];
	[bflag:$0x3] =	sbarrier.arrive $0xFFFF;
	s2 =	simm.s32 @!p0 $0x1C20  }
0x263: {  	[timem:s3], [sflag:s2] =	dma.local @!p0 [hbm:s0], s1  }
0x264: {  	s0 =	simm.s32 @!p0 $0x20  }
0x265: {  	_ =	swait.ge @!p0 [sflag:s0], s1  }
0x266: {  	s1 =	ssub.s32 @!p0 $0x0, s1;
	[sflag:s0] =	ssyncset.done @!p0 $0x0  }
0x267: {  	[sflag:s0] =	ssyncadd.s32 @!p0 s1  }
0x268: {  	[bflag:$0x3] =	sbarrier.arrive $0xFFFF  }
0x269: {  	_ =	shalt  }

</sc_bundles>
